<compile_context>
chip_gen: v7x
topology: tpu7x:2x2x1
jax: 0.10.2.dev20260603
libtpu: 0.0.44.dev20260713+nightly
codegen_flags: <defaults>
</compile_context>

<pallas_src>
import functools
import math

import jax
import jax.numpy as jnp
from jax import lax
from jax.experimental import pallas as pl
from jax.experimental.pallas import tpu as pltpu
from jax.experimental.pallas import tpu_sc as plsc
from jax.experimental.layout import Format, Layout, with_layout_constraint

D = 64
SCALE = math.sqrt(D)

NC = 2
NS = 16
NW = NC * NS
L = 16

NJ = 200
NI = 4096
BI = 128
FH = 8
FL = 8
PITCH = BI + 1

_mesh = plsc.VectorSubcoreMesh(core_axis_name="c", subcore_axis_name="s")


@functools.partial(
    pl.kernel,
    mesh=_mesh,
    out_type=jax.ShapeDtypeStruct((NJ, FH, NW, FL, BI), jnp.float32),
    scratch_types=[
        pltpu.VMEM((NJ, BI), jnp.int32),
        pltpu.VMEM((BI, D), jnp.float32),
        pltpu.VMEM((BI, D), jnp.float32),
        pltpu.VMEM((FH, FL, PITCH), jnp.float32),
        pltpu.VMEM((FH, FL, PITCH), jnp.float32),
        pltpu.SemaphoreType.DMA,
        pltpu.SemaphoreType.DMA,
        pltpu.SemaphoreType.DMA,
        pltpu.SemaphoreType.DMA,
    ],
    compiler_params=pltpu.CompilerParams(
        use_tc_tiling_on_sc=False, needs_layout_passes=False),
)
def _embed(tok3d_hbm, table_hbm, out_hbm,
           idx_v, gb0, gb1, wb0, wb1, gs0, gs1, ws0, ws1):
    gbuf = (gb0, gb1)
    wbuf = (wb0, wb1)
    gsem = (gs0, gs1)
    wsem = (ws0, ws1)

    w = lax.axis_index("s") * NC + lax.axis_index("c")

    pltpu.sync_copy(tok3d_hbm.at[:, w, :], idx_v)

    iota = lax.iota(jnp.int32, L)
    fhv = []
    flv = []
    for k in range(D // L):
        fvec = iota + (k * L)
        fhv.append(lax.shift_right_logical(fvec, 3))
        flv.append(lax.bitwise_and(fvec, 7))

    def gdesc(j, b):
        return pltpu.make_async_copy(
            table_hbm.at[idx_v.at[j]], gbuf[b], gsem[b])

    def wdesc(j, b):
        return pltpu.make_async_copy(
            wbuf[b].at[:, :, pl.ds(0, BI)], out_hbm.at[j, :, w], wsem[b])

    def transpose_scale(b):
        src = gbuf[b]
        dst = wbuf[b]

        @plsc.parallel_loop(0, BI, unroll=4)
        def _(i):
            coli = jnp.full((L,), i, jnp.int32)
            for k in range(D // L):
                vals = src[i, pl.ds(k * L, L)] * SCALE
                plsc.store_scatter(dst, [fhv[k], flv[k], coli], vals)

    gdesc(0, 0).start()
    gdesc(1, 1).start()

    for b in range(2):
        gdesc(b, b).wait()
        transpose_scale(b)
        gdesc(b + 2, b).start()
        wdesc(b, b).start()

    def pair_body(k, carry):
        for b in range(2):
            j = 2 * k + b
            gdesc(j, b).wait()
            wdesc(j - 2, b).wait()
            transpose_scale(b)
            gdesc(j + 2, b).start()
            wdesc(j, b).start()
        return carry

    lax.fori_loop(1, NJ // 2 - 1, pair_body, 0)

    for b in range(2):
        j = NJ - 2 + b
        gdesc(j, b).wait()
        wdesc(j - 2, b).wait()
        transpose_scale(b)
        wdesc(j, b).start()

    for b in range(2):
        wdesc(NJ - 2 + b, b).wait()


def kernel(tokens, table):
    tok3d = tokens.T.reshape(NJ, NW, BI)
    table_lin = jax.device_put(
        table,
        Format(Layout(major_to_minor=(0, 1), tiling=((8,),)),
               jax.sharding.SingleDeviceSharding(jax.devices()[0])))
    out5 = _embed(tok3d, table_lin)
    return out5.transpose(2, 4, 0, 1, 3).reshape(NI, NJ, D)

# --- scband reference (transcript-rebuilt; emitter-appended) ---
"""Pipeline reference for scband-in-embed-23141283791557 (READ-ONLY COPY).

The authoritative reference and input builder live on the scoring server;
editing this copy changes nothing except your own understanding.
"""

import jax, jax.numpy as jnp
import numpy as np
import math

VOCAB = 1000000
D_MODEL = 64

def setup_inputs(seed: int = 0) -> dict:
    key = jax.random.key(seed)
    k1, k2 = jax.random.split(key)
    tokens = jax.random.randint(k1, (4096, 200), 0, VOCAB, dtype=jnp.int64 if jax.config.jax_enable_x64 else jnp.int32)
    # torch.nn.Embedding default init: N(0, 1)
    table = jax.random.normal(k2, (VOCAB, D_MODEL), dtype=jnp.float32)
    return {"tokens": tokens, "table": table}

def reference(tokens, table):
    # Faithful to: self.embed(tokens.long()) * math.sqrt(self.d_model)
    emb = jnp.take(table, tokens, axis=0)
    return emb * math.sqrt(D_MODEL)

if __name__ == "__main__":
    import jax
    _d = setup_inputs()
    print(jax.jit(kernel)(*tuple(_d.values())))

</pallas_src>

<mosaic_0001>
#map = affine_map<(d0, d1) -> (0, 0, 0)>
#map1 = affine_map<(d0, d1) -> (0, 0)>
#map2 = affine_map<(d0, d1) -> (0, 0, 0, 0, 0)>
module attributes {stable_mosaic.version = 14 : i64} {
  func.func @_embed(%arg0: i32, %arg1: i32, %arg2: memref<200x32x128xi32, #tpu.memory_space<hbm>>, %arg3: memref<1000000x64xf32, #tpu.memory_space<hbm>>, %arg4: memref<200x8x32x8x128xf32, #tpu.memory_space<hbm>>, %arg5: memref<200x128xi32, #tpu.memory_space<vmem>>, %arg6: memref<128x64xf32, #tpu.memory_space<vmem>>, %arg7: memref<128x64xf32, #tpu.memory_space<vmem>>, %arg8: memref<8x8x129xf32, #tpu.memory_space<vmem>>, %arg9: memref<8x8x129xf32, #tpu.memory_space<vmem>>, %arg10: memref<!tpu.dma_semaphore, #tpu.memory_space<semaphore_mem>>, %arg11: memref<!tpu.dma_semaphore, #tpu.memory_space<semaphore_mem>>, %arg12: memref<!tpu.dma_semaphore, #tpu.memory_space<semaphore_mem>>, %arg13: memref<!tpu.dma_semaphore, #tpu.memory_space<semaphore_mem>>) attributes {dimension_semantics = [#tpu.dimension_semantics<core_parallel>, #tpu.dimension_semantics<subcore_parallel>], iteration_bounds = array<i64: 2, 16>, scalar_prefetch = 0 : i64, scratch_operands = 9 : i64, tpu.core_type = #tpu.core_type<sc_vector_subcore>, window_params = [{transform_indices = #map}, {transform_indices = #map1}, {transform_indices = #map2}]} {
    %mul3A = arith.constant 2 : i32
    %mul3A_0 = arith.muli %arg1, %mul3A : i32
    %add3A = arith.addi %mul3A_0, %arg0 : i32
    "tpu.region"() ({
      %run_scoped3A = tpu.sem_alloc : memref<!tpu.dma_semaphore, #tpu.memory_space<semaphore_mem>>
      %dma_start3A_257 = arith.constant 0 : i32
      %dma_start3A_258 = arith.constant 0 : i32
      %dma_start3A_259 = tpu.memref_slice %arg2[%dma_start3A_257, %add3A, %dma_start3A_258] : memref<200x32x128xi32, #tpu.memory_space<hbm>> -> memref<200x1x128xi32, #tpu.memory_space<hbm>>
      %dma_start3A_260 = tpu.memref_squeeze %dma_start3A_259 : memref<200x1x128xi32, #tpu.memory_space<hbm>> -> memref<200x128xi32, #tpu.memory_space<hbm>>
      %dma_start3A_261 = arith.constant 0 : i32
      %dma_start3A_262 = arith.constant 0 : i32
      %dma_start3A_263 = tpu.memref_slice %arg2[%dma_start3A_261, %add3A, %dma_start3A_262] : memref<200x32x128xi32, #tpu.memory_space<hbm>> -> memref<200x1x128xi32, #tpu.memory_space<hbm>>
      %dma_start3A_264 = tpu.memref_squeeze %dma_start3A_263 : memref<200x1x128xi32, #tpu.memory_space<hbm>> -> memref<200x128xi32, #tpu.memory_space<hbm>>
      tpu.enqueue_dma source(%dma_start3A_264 : memref<200x128xi32, #tpu.memory_space<hbm>>) target(%arg5 : memref<200x128xi32, #tpu.memory_space<vmem>>) target_semaphore(%run_scoped3A : memref<!tpu.dma_semaphore, #tpu.memory_space<semaphore_mem>>)
      %dma_wait3A_265 = arith.constant 0 : i32
      %dma_wait3A_266 = arith.constant 0 : i32
      %dma_wait3A_267 = tpu.memref_slice %arg2[%dma_wait3A_265, %add3A, %dma_wait3A_266] : memref<200x32x128xi32, #tpu.memory_space<hbm>> -> memref<200x1x128xi32, #tpu.memory_space<hbm>>
      %dma_wait3A_268 = tpu.memref_squeeze %dma_wait3A_267 : memref<200x1x128xi32, #tpu.memory_space<hbm>> -> memref<200x128xi32, #tpu.memory_space<hbm>>
      %dma_wait3A_269 = arith.constant 0 : i32
      %dma_wait3A_270 = arith.constant 0 : i32
      %dma_wait3A_271 = tpu.memref_slice %arg2[%dma_wait3A_269, %add3A, %dma_wait3A_270] : memref<200x32x128xi32, #tpu.memory_space<hbm>> -> memref<200x1x128xi32, #tpu.memory_space<hbm>>
      %dma_wait3A_272 = tpu.memref_squeeze %dma_wait3A_271 : memref<200x1x128xi32, #tpu.memory_space<hbm>> -> memref<200x128xi32, #tpu.memory_space<hbm>>
      tpu.wait_dma2 semaphore(%run_scoped3A : memref<!tpu.dma_semaphore, #tpu.memory_space<semaphore_mem>>) src(%dma_wait3A_272 : memref<200x128xi32, #tpu.memory_space<hbm>>) dst(%arg5 : memref<200x128xi32, #tpu.memory_space<vmem>>)
      tpu.yield
    }) : () -> ()
    %iota3A = tpu.iota {dimensions = array<i32: 0>} : vector<16xi32>
    %add3A_1 = arith.constant 0 : i32
    %add3A_2 = vector.broadcast %add3A_1 : i32 to vector<16xi32>
    %add3A_3 = arith.addi %iota3A, %add3A_2 : vector<16xi32>
    %shift_right_logical3A = arith.constant 3 : i32
    %shift_right_logical3A_4 = vector.broadcast %shift_right_logical3A : i32 to vector<16xi32>
    %shift_right_logical3A_5 = arith.shrui %add3A_3, %shift_right_logical3A_4 : vector<16xi32>
    %and3A = arith.constant 7 : i32
    %and3A_6 = vector.broadcast %and3A : i32 to vector<16xi32>
    %and3A_7 = arith.andi %add3A_3, %and3A_6 : vector<16xi32>
    %add3A_8 = arith.constant 16 : i32
    %add3A_9 = vector.broadcast %add3A_8 : i32 to vector<16xi32>
    %add3A_10 = arith.addi %iota3A, %add3A_9 : vector<16xi32>
    %shift_right_logical3A_11 = arith.constant 3 : i32
    %shift_right_logical3A_12 = vector.broadcast %shift_right_logical3A_11 : i32 to vector<16xi32>
    %shift_right_logical3A_13 = arith.shrui %add3A_10, %shift_right_logical3A_12 : vector<16xi32>
    %and3A_14 = arith.constant 7 : i32
    %and3A_15 = vector.broadcast %and3A_14 : i32 to vector<16xi32>
    %and3A_16 = arith.andi %add3A_10, %and3A_15 : vector<16xi32>
    %add3A_17 = arith.constant 32 : i32
    %add3A_18 = vector.broadcast %add3A_17 : i32 to vector<16xi32>
    %add3A_19 = arith.addi %iota3A, %add3A_18 : vector<16xi32>
    %shift_right_logical3A_20 = arith.constant 3 : i32
    %shift_right_logical3A_21 = vector.broadcast %shift_right_logical3A_20 : i32 to vector<16xi32>
    %shift_right_logical3A_22 = arith.shrui %add3A_19, %shift_right_logical3A_21 : vector<16xi32>
    %and3A_23 = arith.constant 7 : i32
    %and3A_24 = vector.broadcast %and3A_23 : i32 to vector<16xi32>
    %and3A_25 = arith.andi %add3A_19, %and3A_24 : vector<16xi32>
    %add3A_26 = arith.constant 48 : i32
    %add3A_27 = vector.broadcast %add3A_26 : i32 to vector<16xi32>
    %add3A_28 = arith.addi %iota3A, %add3A_27 : vector<16xi32>
    %shift_right_logical3A_29 = arith.constant 3 : i32
    %shift_right_logical3A_30 = vector.broadcast %shift_right_logical3A_29 : i32 to vector<16xi32>
    %shift_right_logical3A_31 = arith.shrui %add3A_28, %shift_right_logical3A_30 : vector<16xi32>
    %and3A_32 = arith.constant 7 : i32
    %and3A_33 = vector.broadcast %and3A_32 : i32 to vector<16xi32>
    %and3A_34 = arith.andi %add3A_28, %and3A_33 : vector<16xi32>
    %dma_start3A = arith.constant 0 : i32
    %dma_start3A_35 = arith.constant 0 : i32
    %dma_start3A_36 = tpu.memref_slice %arg5[%dma_start3A, %dma_start3A_35] : memref<200x128xi32, #tpu.memory_space<vmem>> -> memref<1x128xi32, #tpu.memory_space<vmem>>
    %dma_start3A_37 = tpu.memref_squeeze %dma_start3A_36 : memref<1x128xi32, #tpu.memory_space<vmem>> -> memref<128xi32, #tpu.memory_space<vmem>>
    %dma_start3A_38 = arith.constant 0 : i32
    %dma_start3A_39 = arith.constant 0 : i32
    %dma_start3A_40 = tpu.memref_slice %arg3[%dma_start3A_38, %dma_start3A_39] : memref<1000000x64xf32, #tpu.memory_space<hbm>> -> memref<1000000x64xf32, #tpu.memory_space<hbm>>
    tpu.enqueue_indirect_dma source(%dma_start3A_40 : memref<1000000x64xf32, #tpu.memory_space<hbm>>) target(%arg6 : memref<128x64xf32, #tpu.memory_space<vmem>>) offsets(%dma_start3A_37 : memref<128xi32, #tpu.memory_space<vmem>>) semaphore(%arg10 : memref<!tpu.dma_semaphore, #tpu.memory_space<semaphore_mem>>)
    %dma_start3A_41 = arith.constant 1 : i32
    %dma_start3A_42 = arith.constant 0 : i32
    %dma_start3A_43 = tpu.memref_slice %arg5[%dma_start3A_41, %dma_start3A_42] : memref<200x128xi32, #tpu.memory_space<vmem>> -> memref<1x128xi32, #tpu.memory_space<vmem>>
    %dma_start3A_44 = tpu.memref_squeeze %dma_start3A_43 : memref<1x128xi32, #tpu.memory_space<vmem>> -> memref<128xi32, #tpu.memory_space<vmem>>
    %dma_start3A_45 = arith.constant 0 : i32
    %dma_start3A_46 = arith.constant 0 : i32
    %dma_start3A_47 = tpu.memref_slice %arg3[%dma_start3A_45, %dma_start3A_46] : memref<1000000x64xf32, #tpu.memory_space<hbm>> -> memref<1000000x64xf32, #tpu.memory_space<hbm>>
    tpu.enqueue_indirect_dma source(%dma_start3A_47 : memref<1000000x64xf32, #tpu.memory_space<hbm>>) target(%arg7 : memref<128x64xf32, #tpu.memory_space<vmem>>) offsets(%dma_start3A_44 : memref<128xi32, #tpu.memory_space<vmem>>) semaphore(%arg11 : memref<!tpu.dma_semaphore, #tpu.memory_space<semaphore_mem>>)
    %dma_wait3A = arith.constant 0 : i32
    %dma_wait3A_48 = arith.constant 0 : i32
    %dma_wait3A_49 = tpu.memref_slice %arg5[%dma_wait3A, %dma_wait3A_48] : memref<200x128xi32, #tpu.memory_space<vmem>> -> memref<1x128xi32, #tpu.memory_space<vmem>>
    %dma_wait3A_50 = tpu.memref_squeeze %dma_wait3A_49 : memref<1x128xi32, #tpu.memory_space<vmem>> -> memref<128xi32, #tpu.memory_space<vmem>>
    %dma_wait3A_51 = arith.constant 0 : i32
    %dma_wait3A_52 = arith.constant 0 : i32
    %dma_wait3A_53 = tpu.memref_slice %arg3[%dma_wait3A_51, %dma_wait3A_52] : memref<1000000x64xf32, #tpu.memory_space<hbm>> -> memref<1000000x64xf32, #tpu.memory_space<hbm>>
    tpu.wait_indirect_dma semaphore(%arg10 : memref<!tpu.dma_semaphore, #tpu.memory_space<semaphore_mem>>) src(%dma_wait3A_53 : memref<1000000x64xf32, #tpu.memory_space<hbm>>) dst(%arg6 : memref<128x64xf32, #tpu.memory_space<vmem>>)
    %parallel_loop3A = arith.constant 0 : i32
    %parallel_loop3A_54 = arith.constant 128 : i32
    %parallel_loop3A_55 = arith.constant 1 : i32
    scf.for %parallel_loop3A_257 = %parallel_loop3A to %parallel_loop3A_54 step %parallel_loop3A_55  : i32 {
      %parallel_loop3A_258 = vector.broadcast %parallel_loop3A_257 : i32 to vector<16xi32>
      %parallel_loop3A_259 = arith.index_cast %parallel_loop3A_257 : i32 to index
      %parallel_loop3A_260 = arith.constant 0 : index
      %parallel_loop3A_261 = tpu.vector_load %arg6[%parallel_loop3A_259, %parallel_loop3A_260] {strides = array<i32>} : memref<128x64xf32, #tpu.memory_space<vmem>>, vector<16xf32>,
      %parallel_loop3A_262 = arith.constant 8.000000e+00 : f32
      %parallel_loop3A_263 = vector.broadcast %parallel_loop3A_262 : f32 to vector<16xf32>
      %parallel_loop3A_264 = arith.mulf %parallel_loop3A_261, %parallel_loop3A_263 : vector<16xf32>
      tpu.vector_store_idx %arg8[%shift_right_logical3A_5, %and3A_7, %parallel_loop3A_258], %parallel_loop3A_264 : memref<8x8x129xf32, #tpu.memory_space<vmem>>[vector<16xi32>, vector<16xi32>, vector<16xi32>], vector<16xf32>,
      %parallel_loop3A_265 = arith.index_cast %parallel_loop3A_257 : i32 to index
      %parallel_loop3A_266 = arith.constant 16 : index
      %parallel_loop3A_267 = tpu.vector_load %arg6[%parallel_loop3A_265, %parallel_loop3A_266] {strides = array<i32>} : memref<128x64xf32, #tpu.memory_space<vmem>>, vector<16xf32>,
      %parallel_loop3A_268 = arith.constant 8.000000e+00 : f32
      %parallel_loop3A_269 = vector.broadcast %parallel_loop3A_268 : f32 to vector<16xf32>
      %parallel_loop3A_270 = arith.mulf %parallel_loop3A_267, %parallel_loop3A_269 : vector<16xf32>
      tpu.vector_store_idx %arg8[%shift_right_logical3A_13, %and3A_16, %parallel_loop3A_258], %parallel_loop3A_270 : memref<8x8x129xf32, #tpu.memory_space<vmem>>[vector<16xi32>, vector<16xi32>, vector<16xi32>], vector<16xf32>,
      %parallel_loop3A_271 = arith.index_cast %parallel_loop3A_257 : i32 to index
      %parallel_loop3A_272 = arith.constant 32 : index
      %parallel_loop3A_273 = tpu.vector_load %arg6[%parallel_loop3A_271, %parallel_loop3A_272] {strides = array<i32>} : memref<128x64xf32, #tpu.memory_space<vmem>>, vector<16xf32>,
      %parallel_loop3A_274 = arith.constant 8.000000e+00 : f32
      %parallel_loop3A_275 = vector.broadcast %parallel_loop3A_274 : f32 to vector<16xf32>
      %parallel_loop3A_276 = arith.mulf %parallel_loop3A_273, %parallel_loop3A_275 : vector<16xf32>
      tpu.vector_store_idx %arg8[%shift_right_logical3A_22, %and3A_25, %parallel_loop3A_258], %parallel_loop3A_276 : memref<8x8x129xf32, #tpu.memory_space<vmem>>[vector<16xi32>, vector<16xi32>, vector<16xi32>], vector<16xf32>,
      %parallel_loop3A_277 = arith.index_cast %parallel_loop3A_257 : i32 to index
      %parallel_loop3A_278 = arith.constant 48 : index
      %parallel_loop3A_279 = tpu.vector_load %arg6[%parallel_loop3A_277, %parallel_loop3A_278] {strides = array<i32>} : memref<128x64xf32, #tpu.memory_space<vmem>>, vector<16xf32>,
      %parallel_loop3A_280 = arith.constant 8.000000e+00 : f32
      %parallel_loop3A_281 = vector.broadcast %parallel_loop3A_280 : f32 to vector<16xf32>
      %parallel_loop3A_282 = arith.mulf %parallel_loop3A_279, %parallel_loop3A_281 : vector<16xf32>
      tpu.vector_store_idx %arg8[%shift_right_logical3A_31, %and3A_34, %parallel_loop3A_258], %parallel_loop3A_282 : memref<8x8x129xf32, #tpu.memory_space<vmem>>[vector<16xi32>, vector<16xi32>, vector<16xi32>], vector<16xf32>,
    } {sc.loop_unroll_factor = 4 : i64, sc.parallel_access}
    %dma_start3A_56 = arith.constant 2 : i32
    %dma_start3A_57 = arith.constant 0 : i32
    %dma_start3A_58 = tpu.memref_slice %arg5[%dma_start3A_56, %dma_start3A_57] : memref<200x128xi32, #tpu.memory_space<vmem>> -> memref<1x128xi32, #tpu.memory_space<vmem>>
    %dma_start3A_59 = tpu.memref_squeeze %dma_start3A_58 : memref<1x128xi32, #tpu.memory_space<vmem>> -> memref<128xi32, #tpu.memory_space<vmem>>
    %dma_start3A_60 = arith.constant 0 : i32
    %dma_start3A_61 = arith.constant 0 : i32
    %dma_start3A_62 = tpu.memref_slice %arg3[%dma_start3A_60, %dma_start3A_61] : memref<1000000x64xf32, #tpu.memory_space<hbm>> -> memref<1000000x64xf32, #tpu.memory_space<hbm>>
    tpu.enqueue_indirect_dma source(%dma_start3A_62 : memref<1000000x64xf32, #tpu.memory_space<hbm>>) target(%arg6 : memref<128x64xf32, #tpu.memory_space<vmem>>) offsets(%dma_start3A_59 : memref<128xi32, #tpu.memory_space<vmem>>) semaphore(%arg10 : memref<!tpu.dma_semaphore, #tpu.memory_space<semaphore_mem>>)
    %dma_start3A_63 = arith.constant 0 : i32
    %dma_start3A_64 = arith.constant 0 : i32
    %dma_start3A_65 = arith.constant 0 : i32
    %dma_start3A_66 = arith.constant 0 : i32
    %dma_start3A_67 = tpu.memref_slice %arg8[%dma_start3A_64, %dma_start3A_65, %dma_start3A_66] : memref<8x8x129xf32, #tpu.memory_space<vmem>> -> memref<8x8x128xf32, #tpu.memory_space<vmem>>
    %dma_start3A_68 = arith.constant 0 : i32
    %dma_start3A_69 = arith.constant 0 : i32
    %dma_start3A_70 = arith.constant 0 : i32
    %dma_start3A_71 = tpu.memref_slice %arg4[%dma_start3A_63, %dma_start3A_68, %add3A, %dma_start3A_69, %dma_start3A_70] : memref<200x8x32x8x128xf32, #tpu.memory_space<hbm>> -> memref<1x8x1x8x128xf32, #tpu.memory_space<hbm>>
    %dma_start3A_72 = tpu.memref_squeeze %dma_start3A_71 : memref<1x8x1x8x128xf32, #tpu.memory_space<hbm>> -> memref<8x8x128xf32, #tpu.memory_space<hbm>>
    %dma_start3A_73 = arith.constant 0 : i32
    %dma_start3A_74 = arith.constant 0 : i32
    %dma_start3A_75 = arith.constant 0 : i32
    %dma_start3A_76 = tpu.memref_slice %arg4[%dma_start3A_63, %dma_start3A_73, %add3A, %dma_start3A_74, %dma_start3A_75] : memref<200x8x32x8x128xf32, #tpu.memory_space<hbm>> -> memref<1x8x1x8x128xf32, #tpu.memory_space<hbm>>
    %dma_start3A_77 = tpu.memref_squeeze %dma_start3A_76 : memref<1x8x1x8x128xf32, #tpu.memory_space<hbm>> -> memref<8x8x128xf32, #tpu.memory_space<hbm>>
    %dma_start3A_78 = arith.constant 0 : i32
    %dma_start3A_79 = arith.constant 0 : i32
    %dma_start3A_80 = arith.constant 0 : i32
    %dma_start3A_81 = tpu.memref_slice %arg8[%dma_start3A_78, %dma_start3A_79, %dma_start3A_80] : memref<8x8x129xf32, #tpu.memory_space<vmem>> -> memref<8x8x128xf32, #tpu.memory_space<vmem>>
    tpu.enqueue_dma source(%dma_start3A_81 : memref<8x8x128xf32, #tpu.memory_space<vmem>>) target(%dma_start3A_77 : memref<8x8x128xf32, #tpu.memory_space<hbm>>) target_semaphore(%arg12 : memref<!tpu.dma_semaphore, #tpu.memory_space<semaphore_mem>>)
    %dma_wait3A_82 = arith.constant 1 : i32
    %dma_wait3A_83 = arith.constant 0 : i32
    %dma_wait3A_84 = tpu.memref_slice %arg5[%dma_wait3A_82, %dma_wait3A_83] : memref<200x128xi32, #tpu.memory_space<vmem>> -> memref<1x128xi32, #tpu.memory_space<vmem>>
    %dma_wait3A_85 = tpu.memref_squeeze %dma_wait3A_84 : memref<1x128xi32, #tpu.memory_space<vmem>> -> memref<128xi32, #tpu.memory_space<vmem>>
    %dma_wait3A_86 = arith.constant 0 : i32
    %dma_wait3A_87 = arith.constant 0 : i32
    %dma_wait3A_88 = tpu.memref_slice %arg3[%dma_wait3A_86, %dma_wait3A_87] : memref<1000000x64xf32, #tpu.memory_space<hbm>> -> memref<1000000x64xf32, #tpu.memory_space<hbm>>
    tpu.wait_indirect_dma semaphore(%arg11 : memref<!tpu.dma_semaphore, #tpu.memory_space<semaphore_mem>>) src(%dma_wait3A_88 : memref<1000000x64xf32, #tpu.memory_space<hbm>>) dst(%arg7 : memref<128x64xf32, #tpu.memory_space<vmem>>)
    %parallel_loop3A_89 = arith.constant 0 : i32
    %parallel_loop3A_90 = arith.constant 128 : i32
    %parallel_loop3A_91 = arith.constant 1 : i32
    scf.for %parallel_loop3A_257 = %parallel_loop3A_89 to %parallel_loop3A_90 step %parallel_loop3A_91  : i32 {
      %parallel_loop3A_258 = vector.broadcast %parallel_loop3A_257 : i32 to vector<16xi32>
      %parallel_loop3A_259 = arith.index_cast %parallel_loop3A_257 : i32 to index
      %parallel_loop3A_260 = arith.constant 0 : index
      %parallel_loop3A_261 = tpu.vector_load %arg7[%parallel_loop3A_259, %parallel_loop3A_260] {strides = array<i32>} : memref<128x64xf32, #tpu.memory_space<vmem>>, vector<16xf32>,
      %parallel_loop3A_262 = arith.constant 8.000000e+00 : f32
      %parallel_loop3A_263 = vector.broadcast %parallel_loop3A_262 : f32 to vector<16xf32>
      %parallel_loop3A_264 = arith.mulf %parallel_loop3A_261, %parallel_loop3A_263 : vector<16xf32>
      tpu.vector_store_idx %arg9[%shift_right_logical3A_5, %and3A_7, %parallel_loop3A_258], %parallel_loop3A_264 : memref<8x8x129xf32, #tpu.memory_space<vmem>>[vector<16xi32>, vector<16xi32>, vector<16xi32>], vector<16xf32>,
      %parallel_loop3A_265 = arith.index_cast %parallel_loop3A_257 : i32 to index
      %parallel_loop3A_266 = arith.constant 16 : index
      %parallel_loop3A_267 = tpu.vector_load %arg7[%parallel_loop3A_265, %parallel_loop3A_266] {strides = array<i32>} : memref<128x64xf32, #tpu.memory_space<vmem>>, vector<16xf32>,
      %parallel_loop3A_268 = arith.constant 8.000000e+00 : f32
      %parallel_loop3A_269 = vector.broadcast %parallel_loop3A_268 : f32 to vector<16xf32>
      %parallel_loop3A_270 = arith.mulf %parallel_loop3A_267, %parallel_loop3A_269 : vector<16xf32>
      tpu.vector_store_idx %arg9[%shift_right_logical3A_13, %and3A_16, %parallel_loop3A_258], %parallel_loop3A_270 : memref<8x8x129xf32, #tpu.memory_space<vmem>>[vector<16xi32>, vector<16xi32>, vector<16xi32>], vector<16xf32>,
      %parallel_loop3A_271 = arith.index_cast %parallel_loop3A_257 : i32 to index
      %parallel_loop3A_272 = arith.constant 32 : index
      %parallel_loop3A_273 = tpu.vector_load %arg7[%parallel_loop3A_271, %parallel_loop3A_272] {strides = array<i32>} : memref<128x64xf32, #tpu.memory_space<vmem>>, vector<16xf32>,
      %parallel_loop3A_274 = arith.constant 8.000000e+00 : f32
      %parallel_loop3A_275 = vector.broadcast %parallel_loop3A_274 : f32 to vector<16xf32>
      %parallel_loop3A_276 = arith.mulf %parallel_loop3A_273, %parallel_loop3A_275 : vector<16xf32>
      tpu.vector_store_idx %arg9[%shift_right_logical3A_22, %and3A_25, %parallel_loop3A_258], %parallel_loop3A_276 : memref<8x8x129xf32, #tpu.memory_space<vmem>>[vector<16xi32>, vector<16xi32>, vector<16xi32>], vector<16xf32>,
      %parallel_loop3A_277 = arith.index_cast %parallel_loop3A_257 : i32 to index
      %parallel_loop3A_278 = arith.constant 48 : index
      %parallel_loop3A_279 = tpu.vector_load %arg7[%parallel_loop3A_277, %parallel_loop3A_278] {strides = array<i32>} : memref<128x64xf32, #tpu.memory_space<vmem>>, vector<16xf32>,
      %parallel_loop3A_280 = arith.constant 8.000000e+00 : f32
      %parallel_loop3A_281 = vector.broadcast %parallel_loop3A_280 : f32 to vector<16xf32>
      %parallel_loop3A_282 = arith.mulf %parallel_loop3A_279, %parallel_loop3A_281 : vector<16xf32>
      tpu.vector_store_idx %arg9[%shift_right_logical3A_31, %and3A_34, %parallel_loop3A_258], %parallel_loop3A_282 : memref<8x8x129xf32, #tpu.memory_space<vmem>>[vector<16xi32>, vector<16xi32>, vector<16xi32>], vector<16xf32>,
    } {sc.loop_unroll_factor = 4 : i64, sc.parallel_access}
    %dma_start3A_92 = arith.constant 3 : i32
    %dma_start3A_93 = arith.constant 0 : i32
    %dma_start3A_94 = tpu.memref_slice %arg5[%dma_start3A_92, %dma_start3A_93] : memref<200x128xi32, #tpu.memory_space<vmem>> -> memref<1x128xi32, #tpu.memory_space<vmem>>
    %dma_start3A_95 = tpu.memref_squeeze %dma_start3A_94 : memref<1x128xi32, #tpu.memory_space<vmem>> -> memref<128xi32, #tpu.memory_space<vmem>>
    %dma_start3A_96 = arith.constant 0 : i32
    %dma_start3A_97 = arith.constant 0 : i32
    %dma_start3A_98 = tpu.memref_slice %arg3[%dma_start3A_96, %dma_start3A_97] : memref<1000000x64xf32, #tpu.memory_space<hbm>> -> memref<1000000x64xf32, #tpu.memory_space<hbm>>
    tpu.enqueue_indirect_dma source(%dma_start3A_98 : memref<1000000x64xf32, #tpu.memory_space<hbm>>) target(%arg7 : memref<128x64xf32, #tpu.memory_space<vmem>>) offsets(%dma_start3A_95 : memref<128xi32, #tpu.memory_space<vmem>>) semaphore(%arg11 : memref<!tpu.dma_semaphore, #tpu.memory_space<semaphore_mem>>)
    %dma_start3A_99 = arith.constant 1 : i32
    %dma_start3A_100 = arith.constant 0 : i32
    %dma_start3A_101 = arith.constant 0 : i32
    %dma_start3A_102 = arith.constant 0 : i32
    %dma_start3A_103 = tpu.memref_slice %arg9[%dma_start3A_100, %dma_start3A_101, %dma_start3A_102] : memref<8x8x129xf32, #tpu.memory_space<vmem>> -> memref<8x8x128xf32, #tpu.memory_space<vmem>>
    %dma_start3A_104 = arith.constant 0 : i32
    %dma_start3A_105 = arith.constant 0 : i32
    %dma_start3A_106 = arith.constant 0 : i32
    %dma_start3A_107 = tpu.memref_slice %arg4[%dma_start3A_99, %dma_start3A_104, %add3A, %dma_start3A_105, %dma_start3A_106] : memref<200x8x32x8x128xf32, #tpu.memory_space<hbm>> -> memref<1x8x1x8x128xf32, #tpu.memory_space<hbm>>
    %dma_start3A_108 = tpu.memref_squeeze %dma_start3A_107 : memref<1x8x1x8x128xf32, #tpu.memory_space<hbm>> -> memref<8x8x128xf32, #tpu.memory_space<hbm>>
    %dma_start3A_109 = arith.constant 0 : i32
    %dma_start3A_110 = arith.constant 0 : i32
    %dma_start3A_111 = arith.constant 0 : i32
    %dma_start3A_112 = tpu.memref_slice %arg4[%dma_start3A_99, %dma_start3A_109, %add3A, %dma_start3A_110, %dma_start3A_111] : memref<200x8x32x8x128xf32, #tpu.memory_space<hbm>> -> memref<1x8x1x8x128xf32, #tpu.memory_space<hbm>>
    %dma_start3A_113 = tpu.memref_squeeze %dma_start3A_112 : memref<1x8x1x8x128xf32, #tpu.memory_space<hbm>> -> memref<8x8x128xf32, #tpu.memory_space<hbm>>
    %dma_start3A_114 = arith.constant 0 : i32
    %dma_start3A_115 = arith.constant 0 : i32
    %dma_start3A_116 = arith.constant 0 : i32
    %dma_start3A_117 = tpu.memref_slice %arg9[%dma_start3A_114, %dma_start3A_115, %dma_start3A_116] : memref<8x8x129xf32, #tpu.memory_space<vmem>> -> memref<8x8x128xf32, #tpu.memory_space<vmem>>
    tpu.enqueue_dma source(%dma_start3A_117 : memref<8x8x128xf32, #tpu.memory_space<vmem>>) target(%dma_start3A_113 : memref<8x8x128xf32, #tpu.memory_space<hbm>>) target_semaphore(%arg13 : memref<!tpu.dma_semaphore, #tpu.memory_space<semaphore_mem>>)
    %scan3A = arith.constant 0 : i32
    %scan3A_118 = arith.constant 1 : i32
    %scan3A_119 = arith.constant 98 : i32
    %scan3A_120 = arith.addi %scan3A_118, %scan3A_119 : i32
    %scan3A_121 = arith.constant 1 : i32
    scf.for %scan3A_257 = %scan3A_118 to %scan3A_120 step %scan3A_121  : i32 {
      %mul3A_258 = arith.constant 2 : i32
      %mul3A_259 = arith.muli %mul3A_258, %scan3A_257 : i32
      %add3A_260 = arith.constant 0 : i32
      %add3A_261 = arith.addi %mul3A_259, %add3A_260 : i32
      %dma_wait3A_262 = arith.constant 0 : i32
      %dma_wait3A_263 = tpu.memref_slice %arg5[%add3A_261, %dma_wait3A_262] : memref<200x128xi32, #tpu.memory_space<vmem>> -> memref<1x128xi32, #tpu.memory_space<vmem>>
      %dma_wait3A_264 = tpu.memref_squeeze %dma_wait3A_263 : memref<1x128xi32, #tpu.memory_space<vmem>> -> memref<128xi32, #tpu.memory_space<vmem>>
      %dma_wait3A_265 = arith.constant 0 : i32
      %dma_wait3A_266 = arith.constant 0 : i32
      %dma_wait3A_267 = tpu.memref_slice %arg3[%dma_wait3A_265, %dma_wait3A_266] : memref<1000000x64xf32, #tpu.memory_space<hbm>> -> memref<1000000x64xf32, #tpu.memory_space<hbm>>
      tpu.wait_indirect_dma semaphore(%arg10 : memref<!tpu.dma_semaphore, #tpu.memory_space<semaphore_mem>>) src(%dma_wait3A_267 : memref<1000000x64xf32, #tpu.memory_space<hbm>>) dst(%arg6 : memref<128x64xf32, #tpu.memory_space<vmem>>)
      %sub3A = arith.constant 2 : i32
      %sub3A_268 = arith.subi %add3A_261, %sub3A : i32
      %dma_wait3A_269 = arith.constant 0 : i32
      %dma_wait3A_270 = arith.constant 0 : i32
      %dma_wait3A_271 = arith.constant 0 : i32
      %dma_wait3A_272 = tpu.memref_slice %arg8[%dma_wait3A_269, %dma_wait3A_270, %dma_wait3A_271] : memref<8x8x129xf32, #tpu.memory_space<vmem>> -> memref<8x8x128xf32, #tpu.memory_space<vmem>>
      %dma_wait3A_273 = arith.constant 0 : i32
      %dma_wait3A_274 = arith.constant 0 : i32
      %dma_wait3A_275 = arith.constant 0 : i32
      %dma_wait3A_276 = tpu.memref_slice %arg4[%sub3A_268, %dma_wait3A_273, %add3A, %dma_wait3A_274, %dma_wait3A_275] : memref<200x8x32x8x128xf32, #tpu.memory_space<hbm>> -> memref<1x8x1x8x128xf32, #tpu.memory_space<hbm>>
      %dma_wait3A_277 = tpu.memref_squeeze %dma_wait3A_276 : memref<1x8x1x8x128xf32, #tpu.memory_space<hbm>> -> memref<8x8x128xf32, #tpu.memory_space<hbm>>
      %dma_wait3A_278 = arith.constant 0 : i32
      %dma_wait3A_279 = arith.constant 0 : i32
      %dma_wait3A_280 = arith.constant 0 : i32
      %dma_wait3A_281 = tpu.memref_slice %arg4[%sub3A_268, %dma_wait3A_278, %add3A, %dma_wait3A_279, %dma_wait3A_280] : memref<200x8x32x8x128xf32, #tpu.memory_space<hbm>> -> memref<1x8x1x8x128xf32, #tpu.memory_space<hbm>>
      %dma_wait3A_282 = tpu.memref_squeeze %dma_wait3A_281 : memref<1x8x1x8x128xf32, #tpu.memory_space<hbm>> -> memref<8x8x128xf32, #tpu.memory_space<hbm>>
      %dma_wait3A_283 = arith.constant 0 : i32
      %dma_wait3A_284 = arith.constant 0 : i32
      %dma_wait3A_285 = arith.constant 0 : i32
      %dma_wait3A_286 = tpu.memref_slice %arg8[%dma_wait3A_283, %dma_wait3A_284, %dma_wait3A_285] : memref<8x8x129xf32, #tpu.memory_space<vmem>> -> memref<8x8x128xf32, #tpu.memory_space<vmem>>
      tpu.wait_dma2 semaphore(%arg12 : memref<!tpu.dma_semaphore, #tpu.memory_space<semaphore_mem>>) src(%dma_wait3A_286 : memref<8x8x128xf32, #tpu.memory_space<vmem>>) dst(%dma_wait3A_282 : memref<8x8x128xf32, #tpu.memory_space<hbm>>)
      %parallel_loop3A_287 = arith.constant 0 : i32
      %parallel_loop3A_288 = arith.constant 128 : i32
      %parallel_loop3A_289 = arith.constant 1 : i32
      scf.for %parallel_loop3A_375 = %parallel_loop3A_287 to %parallel_loop3A_288 step %parallel_loop3A_289  : i32 {
        %parallel_loop3A_376 = vector.broadcast %parallel_loop3A_375 : i32 to vector<16xi32>
        %parallel_loop3A_377 = arith.index_cast %parallel_loop3A_375 : i32 to index
        %parallel_loop3A_378 = arith.constant 0 : index
        %parallel_loop3A_379 = tpu.vector_load %arg6[%parallel_loop3A_377, %parallel_loop3A_378] {strides = array<i32>} : memref<128x64xf32, #tpu.memory_space<vmem>>, vector<16xf32>,
        %parallel_loop3A_380 = arith.constant 8.000000e+00 : f32
        %parallel_loop3A_381 = vector.broadcast %parallel_loop3A_380 : f32 to vector<16xf32>
        %parallel_loop3A_382 = arith.mulf %parallel_loop3A_379, %parallel_loop3A_381 : vector<16xf32>
        tpu.vector_store_idx %arg8[%shift_right_logical3A_5, %and3A_7, %parallel_loop3A_376], %parallel_loop3A_382 : memref<8x8x129xf32, #tpu.memory_space<vmem>>[vector<16xi32>, vector<16xi32>, vector<16xi32>], vector<16xf32>,
        %parallel_loop3A_383 = arith.index_cast %parallel_loop3A_375 : i32 to index
        %parallel_loop3A_384 = arith.constant 16 : index
        %parallel_loop3A_385 = tpu.vector_load %arg6[%parallel_loop3A_383, %parallel_loop3A_384] {strides = array<i32>} : memref<128x64xf32, #tpu.memory_space<vmem>>, vector<16xf32>,
        %parallel_loop3A_386 = arith.constant 8.000000e+00 : f32
        %parallel_loop3A_387 = vector.broadcast %parallel_loop3A_386 : f32 to vector<16xf32>
        %parallel_loop3A_388 = arith.mulf %parallel_loop3A_385, %parallel_loop3A_387 : vector<16xf32>
        tpu.vector_store_idx %arg8[%shift_right_logical3A_13, %and3A_16, %parallel_loop3A_376], %parallel_loop3A_388 : memref<8x8x129xf32, #tpu.memory_space<vmem>>[vector<16xi32>, vector<16xi32>, vector<16xi32>], vector<16xf32>,
        %parallel_loop3A_389 = arith.index_cast %parallel_loop3A_375 : i32 to index
        %parallel_loop3A_390 = arith.constant 32 : index
        %parallel_loop3A_391 = tpu.vector_load %arg6[%parallel_loop3A_389, %parallel_loop3A_390] {strides = array<i32>} : memref<128x64xf32, #tpu.memory_space<vmem>>, vector<16xf32>,
        %parallel_loop3A_392 = arith.constant 8.000000e+00 : f32
        %parallel_loop3A_393 = vector.broadcast %parallel_loop3A_392 : f32 to vector<16xf32>
        %parallel_loop3A_394 = arith.mulf %parallel_loop3A_391, %parallel_loop3A_393 : vector<16xf32>
        tpu.vector_store_idx %arg8[%shift_right_logical3A_22, %and3A_25, %parallel_loop3A_376], %parallel_loop3A_394 : memref<8x8x129xf32, #tpu.memory_space<vmem>>[vector<16xi32>, vector<16xi32>, vector<16xi32>], vector<16xf32>,
        %parallel_loop3A_395 = arith.index_cast %parallel_loop3A_375 : i32 to index
        %parallel_loop3A_396 = arith.constant 48 : index
        %parallel_loop3A_397 = tpu.vector_load %arg6[%parallel_loop3A_395, %parallel_loop3A_396] {strides = array<i32>} : memref<128x64xf32, #tpu.memory_space<vmem>>, vector<16xf32>,
        %parallel_loop3A_398 = arith.constant 8.000000e+00 : f32
        %parallel_loop3A_399 = vector.broadcast %parallel_loop3A_398 : f32 to vector<16xf32>
        %parallel_loop3A_400 = arith.mulf %parallel_loop3A_397, %parallel_loop3A_399 : vector<16xf32>
        tpu.vector_store_idx %arg8[%shift_right_logical3A_31, %and3A_34, %parallel_loop3A_376], %parallel_loop3A_400 : memref<8x8x129xf32, #tpu.memory_space<vmem>>[vector<16xi32>, vector<16xi32>, vector<16xi32>], vector<16xf32>,
      } {sc.loop_unroll_factor = 4 : i64, sc.parallel_access}
      %add3A_290 = arith.constant 2 : i32
      %add3A_291 = arith.addi %add3A_261, %add3A_290 : i32
      %dma_start3A_292 = arith.constant 0 : i32
      %dma_start3A_293 = tpu.memref_slice %arg5[%add3A_291, %dma_start3A_292] : memref<200x128xi32, #tpu.memory_space<vmem>> -> memref<1x128xi32, #tpu.memory_space<vmem>>
      %dma_start3A_294 = tpu.memref_squeeze %dma_start3A_293 : memref<1x128xi32, #tpu.memory_space<vmem>> -> memref<128xi32, #tpu.memory_space<vmem>>
      %dma_start3A_295 = arith.constant 0 : i32
      %dma_start3A_296 = arith.constant 0 : i32
      %dma_start3A_297 = tpu.memref_slice %arg3[%dma_start3A_295, %dma_start3A_296] : memref<1000000x64xf32, #tpu.memory_space<hbm>> -> memref<1000000x64xf32, #tpu.memory_space<hbm>>
      tpu.enqueue_indirect_dma source(%dma_start3A_297 : memref<1000000x64xf32, #tpu.memory_space<hbm>>) target(%arg6 : memref<128x64xf32, #tpu.memory_space<vmem>>) offsets(%dma_start3A_294 : memref<128xi32, #tpu.memory_space<vmem>>) semaphore(%arg10 : memref<!tpu.dma_semaphore, #tpu.memory_space<semaphore_mem>>)
      %dma_start3A_298 = arith.constant 0 : i32
      %dma_start3A_299 = arith.constant 0 : i32
      %dma_start3A_300 = arith.constant 0 : i32
      %dma_start3A_301 = tpu.memref_slice %arg8[%dma_start3A_298, %dma_start3A_299, %dma_start3A_300] : memref<8x8x129xf32, #tpu.memory_space<vmem>> -> memref<8x8x128xf32, #tpu.memory_space<vmem>>
      %dma_start3A_302 = arith.constant 0 : i32
      %dma_start3A_303 = arith.constant 0 : i32
      %dma_start3A_304 = arith.constant 0 : i32
      %dma_start3A_305 = tpu.memref_slice %arg4[%add3A_261, %dma_start3A_302, %add3A, %dma_start3A_303, %dma_start3A_304] : memref<200x8x32x8x128xf32, #tpu.memory_space<hbm>> -> memref<1x8x1x8x128xf32, #tpu.memory_space<hbm>>
      %dma_start3A_306 = tpu.memref_squeeze %dma_start3A_305 : memref<1x8x1x8x128xf32, #tpu.memory_space<hbm>> -> memref<8x8x128xf32, #tpu.memory_space<hbm>>
      %dma_start3A_307 = arith.constant 0 : i32
      %dma_start3A_308 = arith.constant 0 : i32
      %dma_start3A_309 = arith.constant 0 : i32
      %dma_start3A_310 = tpu.memref_slice %arg4[%add3A_261, %dma_start3A_307, %add3A, %dma_start3A_308, %dma_start3A_309] : memref<200x8x32x8x128xf32, #tpu.memory_space<hbm>> -> memref<1x8x1x8x128xf32, #tpu.memory_space<hbm>>
      %dma_start3A_311 = tpu.memref_squeeze %dma_start3A_310 : memref<1x8x1x8x128xf32, #tpu.memory_space<hbm>> -> memref<8x8x128xf32, #tpu.memory_space<hbm>>
      %dma_start3A_312 = arith.constant 0 : i32
      %dma_start3A_313 = arith.constant 0 : i32
      %dma_start3A_314 = arith.constant 0 : i32
      %dma_start3A_315 = tpu.memref_slice %arg8[%dma_start3A_312, %dma_start3A_313, %dma_start3A_314] : memref<8x8x129xf32, #tpu.memory_space<vmem>> -> memref<8x8x128xf32, #tpu.memory_space<vmem>>
      tpu.enqueue_dma source(%dma_start3A_315 : memref<8x8x128xf32, #tpu.memory_space<vmem>>) target(%dma_start3A_311 : memref<8x8x128xf32, #tpu.memory_space<hbm>>) target_semaphore(%arg12 : memref<!tpu.dma_semaphore, #tpu.memory_space<semaphore_mem>>)
      %mul3A_316 = arith.constant 2 : i32
      %mul3A_317 = arith.muli %mul3A_316, %scan3A_257 : i32
      %add3A_318 = arith.constant 1 : i32
      %add3A_319 = arith.addi %mul3A_317, %add3A_318 : i32
      %dma_wait3A_320 = arith.constant 0 : i32
      %dma_wait3A_321 = tpu.memref_slice %arg5[%add3A_319, %dma_wait3A_320] : memref<200x128xi32, #tpu.memory_space<vmem>> -> memref<1x128xi32, #tpu.memory_space<vmem>>
      %dma_wait3A_322 = tpu.memref_squeeze %dma_wait3A_321 : memref<1x128xi32, #tpu.memory_space<vmem>> -> memref<128xi32, #tpu.memory_space<vmem>>
      %dma_wait3A_323 = arith.constant 0 : i32
      %dma_wait3A_324 = arith.constant 0 : i32
      %dma_wait3A_325 = tpu.memref_slice %arg3[%dma_wait3A_323, %dma_wait3A_324] : memref<1000000x64xf32, #tpu.memory_space<hbm>> -> memref<1000000x64xf32, #tpu.memory_space<hbm>>
      tpu.wait_indirect_dma semaphore(%arg11 : memref<!tpu.dma_semaphore, #tpu.memory_space<semaphore_mem>>) src(%dma_wait3A_325 : memref<1000000x64xf32, #tpu.memory_space<hbm>>) dst(%arg7 : memref<128x64xf32, #tpu.memory_space<vmem>>)
      %sub3A_326 = arith.constant 2 : i32
      %sub3A_327 = arith.subi %add3A_319, %sub3A_326 : i32
      %dma_wait3A_328 = arith.constant 0 : i32
      %dma_wait3A_329 = arith.constant 0 : i32
      %dma_wait3A_330 = arith.constant 0 : i32
      %dma_wait3A_331 = tpu.memref_slice %arg9[%dma_wait3A_328, %dma_wait3A_329, %dma_wait3A_330] : memref<8x8x129xf32, #tpu.memory_space<vmem>> -> memref<8x8x128xf32, #tpu.memory_space<vmem>>
      %dma_wait3A_332 = arith.constant 0 : i32
      %dma_wait3A_333 = arith.constant 0 : i32
      %dma_wait3A_334 = arith.constant 0 : i32
      %dma_wait3A_335 = tpu.memref_slice %arg4[%sub3A_327, %dma_wait3A_332, %add3A, %dma_wait3A_333, %dma_wait3A_334] : memref<200x8x32x8x128xf32, #tpu.memory_space<hbm>> -> memref<1x8x1x8x128xf32, #tpu.memory_space<hbm>>
      %dma_wait3A_336 = tpu.memref_squeeze %dma_wait3A_335 : memref<1x8x1x8x128xf32, #tpu.memory_space<hbm>> -> memref<8x8x128xf32, #tpu.memory_space<hbm>>
      %dma_wait3A_337 = arith.constant 0 : i32
      %dma_wait3A_338 = arith.constant 0 : i32
      %dma_wait3A_339 = arith.constant 0 : i32
      %dma_wait3A_340 = tpu.memref_slice %arg4[%sub3A_327, %dma_wait3A_337, %add3A, %dma_wait3A_338, %dma_wait3A_339] : memref<200x8x32x8x128xf32, #tpu.memory_space<hbm>> -> memref<1x8x1x8x128xf32, #tpu.memory_space<hbm>>
      %dma_wait3A_341 = tpu.memref_squeeze %dma_wait3A_340 : memref<1x8x1x8x128xf32, #tpu.memory_space<hbm>> -> memref<8x8x128xf32, #tpu.memory_space<hbm>>
      %dma_wait3A_342 = arith.constant 0 : i32
      %dma_wait3A_343 = arith.constant 0 : i32
      %dma_wait3A_344 = arith.constant 0 : i32
      %dma_wait3A_345 = tpu.memref_slice %arg9[%dma_wait3A_342, %dma_wait3A_343, %dma_wait3A_344] : memref<8x8x129xf32, #tpu.memory_space<vmem>> -> memref<8x8x128xf32, #tpu.memory_space<vmem>>
      tpu.wait_dma2 semaphore(%arg13 : memref<!tpu.dma_semaphore, #tpu.memory_space<semaphore_mem>>) src(%dma_wait3A_345 : memref<8x8x128xf32, #tpu.memory_space<vmem>>) dst(%dma_wait3A_341 : memref<8x8x128xf32, #tpu.memory_space<hbm>>)
      %parallel_loop3A_346 = arith.constant 0 : i32
      %parallel_loop3A_347 = arith.constant 128 : i32
      %parallel_loop3A_348 = arith.constant 1 : i32
      scf.for %parallel_loop3A_375 = %parallel_loop3A_346 to %parallel_loop3A_347 step %parallel_loop3A_348  : i32 {
        %parallel_loop3A_376 = vector.broadcast %parallel_loop3A_375 : i32 to vector<16xi32>
        %parallel_loop3A_377 = arith.index_cast %parallel_loop3A_375 : i32 to index
        %parallel_loop3A_378 = arith.constant 0 : index
        %parallel_loop3A_379 = tpu.vector_load %arg7[%parallel_loop3A_377, %parallel_loop3A_378] {strides = array<i32>} : memref<128x64xf32, #tpu.memory_space<vmem>>, vector<16xf32>,
        %parallel_loop3A_380 = arith.constant 8.000000e+00 : f32
        %parallel_loop3A_381 = vector.broadcast %parallel_loop3A_380 : f32 to vector<16xf32>
        %parallel_loop3A_382 = arith.mulf %parallel_loop3A_379, %parallel_loop3A_381 : vector<16xf32>
        tpu.vector_store_idx %arg9[%shift_right_logical3A_5, %and3A_7, %parallel_loop3A_376], %parallel_loop3A_382 : memref<8x8x129xf32, #tpu.memory_space<vmem>>[vector<16xi32>, vector<16xi32>, vector<16xi32>], vector<16xf32>,
        %parallel_loop3A_383 = arith.index_cast %parallel_loop3A_375 : i32 to index
        %parallel_loop3A_384 = arith.constant 16 : index
        %parallel_loop3A_385 = tpu.vector_load %arg7[%parallel_loop3A_383, %parallel_loop3A_384] {strides = array<i32>} : memref<128x64xf32, #tpu.memory_space<vmem>>, vector<16xf32>,
        %parallel_loop3A_386 = arith.constant 8.000000e+00 : f32
        %parallel_loop3A_387 = vector.broadcast %parallel_loop3A_386 : f32 to vector<16xf32>
        %parallel_loop3A_388 = arith.mulf %parallel_loop3A_385, %parallel_loop3A_387 : vector<16xf32>
        tpu.vector_store_idx %arg9[%shift_right_logical3A_13, %and3A_16, %parallel_loop3A_376], %parallel_loop3A_388 : memref<8x8x129xf32, #tpu.memory_space<vmem>>[vector<16xi32>, vector<16xi32>, vector<16xi32>], vector<16xf32>,
        %parallel_loop3A_389 = arith.index_cast %parallel_loop3A_375 : i32 to index
        %parallel_loop3A_390 = arith.constant 32 : index
        %parallel_loop3A_391 = tpu.vector_load %arg7[%parallel_loop3A_389, %parallel_loop3A_390] {strides = array<i32>} : memref<128x64xf32, #tpu.memory_space<vmem>>, vector<16xf32>,
        %parallel_loop3A_392 = arith.constant 8.000000e+00 : f32
        %parallel_loop3A_393 = vector.broadcast %parallel_loop3A_392 : f32 to vector<16xf32>
        %parallel_loop3A_394 = arith.mulf %parallel_loop3A_391, %parallel_loop3A_393 : vector<16xf32>
        tpu.vector_store_idx %arg9[%shift_right_logical3A_22, %and3A_25, %parallel_loop3A_376], %parallel_loop3A_394 : memref<8x8x129xf32, #tpu.memory_space<vmem>>[vector<16xi32>, vector<16xi32>, vector<16xi32>], vector<16xf32>,
        %parallel_loop3A_395 = arith.index_cast %parallel_loop3A_375 : i32 to index
        %parallel_loop3A_396 = arith.constant 48 : index
        %parallel_loop3A_397 = tpu.vector_load %arg7[%parallel_loop3A_395, %parallel_loop3A_396] {strides = array<i32>} : memref<128x64xf32, #tpu.memory_space<vmem>>, vector<16xf32>,
        %parallel_loop3A_398 = arith.constant 8.000000e+00 : f32
        %parallel_loop3A_399 = vector.broadcast %parallel_loop3A_398 : f32 to vector<16xf32>
        %parallel_loop3A_400 = arith.mulf %parallel_loop3A_397, %parallel_loop3A_399 : vector<16xf32>
        tpu.vector_store_idx %arg9[%shift_right_logical3A_31, %and3A_34, %parallel_loop3A_376], %parallel_loop3A_400 : memref<8x8x129xf32, #tpu.memory_space<vmem>>[vector<16xi32>, vector<16xi32>, vector<16xi32>], vector<16xf32>,
      } {sc.loop_unroll_factor = 4 : i64, sc.parallel_access}
      %add3A_349 = arith.constant 2 : i32
      %add3A_350 = arith.addi %add3A_319, %add3A_349 : i32
      %dma_start3A_351 = arith.constant 0 : i32
      %dma_start3A_352 = tpu.memref_slice %arg5[%add3A_350, %dma_start3A_351] : memref<200x128xi32, #tpu.memory_space<vmem>> -> memref<1x128xi32, #tpu.memory_space<vmem>>
      %dma_start3A_353 = tpu.memref_squeeze %dma_start3A_352 : memref<1x128xi32, #tpu.memory_space<vmem>> -> memref<128xi32, #tpu.memory_space<vmem>>
      %dma_start3A_354 = arith.constant 0 : i32
      %dma_start3A_355 = arith.constant 0 : i32
      %dma_start3A_356 = tpu.memref_slice %arg3[%dma_start3A_354, %dma_start3A_355] : memref<1000000x64xf32, #tpu.memory_space<hbm>> -> memref<1000000x64xf32, #tpu.memory_space<hbm>>
      tpu.enqueue_indirect_dma source(%dma_start3A_356 : memref<1000000x64xf32, #tpu.memory_space<hbm>>) target(%arg7 : memref<128x64xf32, #tpu.memory_space<vmem>>) offsets(%dma_start3A_353 : memref<128xi32, #tpu.memory_space<vmem>>) semaphore(%arg11 : memref<!tpu.dma_semaphore, #tpu.memory_space<semaphore_mem>>)
      %dma_start3A_357 = arith.constant 0 : i32
      %dma_start3A_358 = arith.constant 0 : i32
      %dma_start3A_359 = arith.constant 0 : i32
      %dma_start3A_360 = tpu.memref_slice %arg9[%dma_start3A_357, %dma_start3A_358, %dma_start3A_359] : memref<8x8x129xf32, #tpu.memory_space<vmem>> -> memref<8x8x128xf32, #tpu.memory_space<vmem>>
      %dma_start3A_361 = arith.constant 0 : i32
      %dma_start3A_362 = arith.constant 0 : i32
      %dma_start3A_363 = arith.constant 0 : i32
      %dma_start3A_364 = tpu.memref_slice %arg4[%add3A_319, %dma_start3A_361, %add3A, %dma_start3A_362, %dma_start3A_363] : memref<200x8x32x8x128xf32, #tpu.memory_space<hbm>> -> memref<1x8x1x8x128xf32, #tpu.memory_space<hbm>>
      %dma_start3A_365 = tpu.memref_squeeze %dma_start3A_364 : memref<1x8x1x8x128xf32, #tpu.memory_space<hbm>> -> memref<8x8x128xf32, #tpu.memory_space<hbm>>
      %dma_start3A_366 = arith.constant 0 : i32
      %dma_start3A_367 = arith.constant 0 : i32
      %dma_start3A_368 = arith.constant 0 : i32
      %dma_start3A_369 = tpu.memref_slice %arg4[%add3A_319, %dma_start3A_366, %add3A, %dma_start3A_367, %dma_start3A_368] : memref<200x8x32x8x128xf32, #tpu.memory_space<hbm>> -> memref<1x8x1x8x128xf32, #tpu.memory_space<hbm>>
      %dma_start3A_370 = tpu.memref_squeeze %dma_start3A_369 : memref<1x8x1x8x128xf32, #tpu.memory_space<hbm>> -> memref<8x8x128xf32, #tpu.memory_space<hbm>>
      %dma_start3A_371 = arith.constant 0 : i32
      %dma_start3A_372 = arith.constant 0 : i32
      %dma_start3A_373 = arith.constant 0 : i32
      %dma_start3A_374 = tpu.memref_slice %arg9[%dma_start3A_371, %dma_start3A_372, %dma_start3A_373] : memref<8x8x129xf32, #tpu.memory_space<vmem>> -> memref<8x8x128xf32, #tpu.memory_space<vmem>>
      tpu.enqueue_dma source(%dma_start3A_374 : memref<8x8x128xf32, #tpu.memory_space<vmem>>) target(%dma_start3A_370 : memref<8x8x128xf32, #tpu.memory_space<hbm>>) target_semaphore(%arg13 : memref<!tpu.dma_semaphore, #tpu.memory_space<semaphore_mem>>)
    }
    %scan3A_122 = arith.constant 98 : i32
    %dma_wait3A_123 = arith.constant 198 : i32
    %dma_wait3A_124 = arith.constant 0 : i32
    %dma_wait3A_125 = tpu.memref_slice %arg5[%dma_wait3A_123, %dma_wait3A_124] : memref<200x128xi32, #tpu.memory_space<vmem>> -> memref<1x128xi32, #tpu.memory_space<vmem>>
    %dma_wait3A_126 = tpu.memref_squeeze %dma_wait3A_125 : memref<1x128xi32, #tpu.memory_space<vmem>> -> memref<128xi32, #tpu.memory_space<vmem>>
    %dma_wait3A_127 = arith.constant 0 : i32
    %dma_wait3A_128 = arith.constant 0 : i32
    %dma_wait3A_129 = tpu.memref_slice %arg3[%dma_wait3A_127, %dma_wait3A_128] : memref<1000000x64xf32, #tpu.memory_space<hbm>> -> memref<1000000x64xf32, #tpu.memory_space<hbm>>
    tpu.wait_indirect_dma semaphore(%arg10 : memref<!tpu.dma_semaphore, #tpu.memory_space<semaphore_mem>>) src(%dma_wait3A_129 : memref<1000000x64xf32, #tpu.memory_space<hbm>>) dst(%arg6 : memref<128x64xf32, #tpu.memory_space<vmem>>)
    %dma_wait3A_130 = arith.constant 196 : i32
    %dma_wait3A_131 = arith.constant 0 : i32
    %dma_wait3A_132 = arith.constant 0 : i32
    %dma_wait3A_133 = arith.constant 0 : i32
    %dma_wait3A_134 = tpu.memref_slice %arg8[%dma_wait3A_131, %dma_wait3A_132, %dma_wait3A_133] : memref<8x8x129xf32, #tpu.memory_space<vmem>> -> memref<8x8x128xf32, #tpu.memory_space<vmem>>
    %dma_wait3A_135 = arith.constant 0 : i32
    %dma_wait3A_136 = arith.constant 0 : i32
    %dma_wait3A_137 = arith.constant 0 : i32
    %dma_wait3A_138 = tpu.memref_slice %arg4[%dma_wait3A_130, %dma_wait3A_135, %add3A, %dma_wait3A_136, %dma_wait3A_137] : memref<200x8x32x8x128xf32, #tpu.memory_space<hbm>> -> memref<1x8x1x8x128xf32, #tpu.memory_space<hbm>>
    %dma_wait3A_139 = tpu.memref_squeeze %dma_wait3A_138 : memref<1x8x1x8x128xf32, #tpu.memory_space<hbm>> -> memref<8x8x128xf32, #tpu.memory_space<hbm>>
    %dma_wait3A_140 = arith.constant 0 : i32
    %dma_wait3A_141 = arith.constant 0 : i32
    %dma_wait3A_142 = arith.constant 0 : i32
    %dma_wait3A_143 = tpu.memref_slice %arg4[%dma_wait3A_130, %dma_wait3A_140, %add3A, %dma_wait3A_141, %dma_wait3A_142] : memref<200x8x32x8x128xf32, #tpu.memory_space<hbm>> -> memref<1x8x1x8x128xf32, #tpu.memory_space<hbm>>
    %dma_wait3A_144 = tpu.memref_squeeze %dma_wait3A_143 : memref<1x8x1x8x128xf32, #tpu.memory_space<hbm>> -> memref<8x8x128xf32, #tpu.memory_space<hbm>>
    %dma_wait3A_145 = arith.constant 0 : i32
    %dma_wait3A_146 = arith.constant 0 : i32
    %dma_wait3A_147 = arith.constant 0 : i32
    %dma_wait3A_148 = tpu.memref_slice %arg8[%dma_wait3A_145, %dma_wait3A_146, %dma_wait3A_147] : memref<8x8x129xf32, #tpu.memory_space<vmem>> -> memref<8x8x128xf32, #tpu.memory_space<vmem>>
    tpu.wait_dma2 semaphore(%arg12 : memref<!tpu.dma_semaphore, #tpu.memory_space<semaphore_mem>>) src(%dma_wait3A_148 : memref<8x8x128xf32, #tpu.memory_space<vmem>>) dst(%dma_wait3A_144 : memref<8x8x128xf32, #tpu.memory_space<hbm>>)
    %parallel_loop3A_149 = arith.constant 0 : i32
    %parallel_loop3A_150 = arith.constant 128 : i32
    %parallel_loop3A_151 = arith.constant 1 : i32
    scf.for %parallel_loop3A_257 = %parallel_loop3A_149 to %parallel_loop3A_150 step %parallel_loop3A_151  : i32 {
      %parallel_loop3A_258 = vector.broadcast %parallel_loop3A_257 : i32 to vector<16xi32>
      %parallel_loop3A_259 = arith.index_cast %parallel_loop3A_257 : i32 to index
      %parallel_loop3A_260 = arith.constant 0 : index
      %parallel_loop3A_261 = tpu.vector_load %arg6[%parallel_loop3A_259, %parallel_loop3A_260] {strides = array<i32>} : memref<128x64xf32, #tpu.memory_space<vmem>>, vector<16xf32>,
      %parallel_loop3A_262 = arith.constant 8.000000e+00 : f32
      %parallel_loop3A_263 = vector.broadcast %parallel_loop3A_262 : f32 to vector<16xf32>
      %parallel_loop3A_264 = arith.mulf %parallel_loop3A_261, %parallel_loop3A_263 : vector<16xf32>
      tpu.vector_store_idx %arg8[%shift_right_logical3A_5, %and3A_7, %parallel_loop3A_258], %parallel_loop3A_264 : memref<8x8x129xf32, #tpu.memory_space<vmem>>[vector<16xi32>, vector<16xi32>, vector<16xi32>], vector<16xf32>,
      %parallel_loop3A_265 = arith.index_cast %parallel_loop3A_257 : i32 to index
      %parallel_loop3A_266 = arith.constant 16 : index
      %parallel_loop3A_267 = tpu.vector_load %arg6[%parallel_loop3A_265, %parallel_loop3A_266] {strides = array<i32>} : memref<128x64xf32, #tpu.memory_space<vmem>>, vector<16xf32>,
      %parallel_loop3A_268 = arith.constant 8.000000e+00 : f32
      %parallel_loop3A_269 = vector.broadcast %parallel_loop3A_268 : f32 to vector<16xf32>
      %parallel_loop3A_270 = arith.mulf %parallel_loop3A_267, %parallel_loop3A_269 : vector<16xf32>
      tpu.vector_store_idx %arg8[%shift_right_logical3A_13, %and3A_16, %parallel_loop3A_258], %parallel_loop3A_270 : memref<8x8x129xf32, #tpu.memory_space<vmem>>[vector<16xi32>, vector<16xi32>, vector<16xi32>], vector<16xf32>,
      %parallel_loop3A_271 = arith.index_cast %parallel_loop3A_257 : i32 to index
      %parallel_loop3A_272 = arith.constant 32 : index
      %parallel_loop3A_273 = tpu.vector_load %arg6[%parallel_loop3A_271, %parallel_loop3A_272] {strides = array<i32>} : memref<128x64xf32, #tpu.memory_space<vmem>>, vector<16xf32>,
      %parallel_loop3A_274 = arith.constant 8.000000e+00 : f32
      %parallel_loop3A_275 = vector.broadcast %parallel_loop3A_274 : f32 to vector<16xf32>
      %parallel_loop3A_276 = arith.mulf %parallel_loop3A_273, %parallel_loop3A_275 : vector<16xf32>
      tpu.vector_store_idx %arg8[%shift_right_logical3A_22, %and3A_25, %parallel_loop3A_258], %parallel_loop3A_276 : memref<8x8x129xf32, #tpu.memory_space<vmem>>[vector<16xi32>, vector<16xi32>, vector<16xi32>], vector<16xf32>,
      %parallel_loop3A_277 = arith.index_cast %parallel_loop3A_257 : i32 to index
      %parallel_loop3A_278 = arith.constant 48 : index
      %parallel_loop3A_279 = tpu.vector_load %arg6[%parallel_loop3A_277, %parallel_loop3A_278] {strides = array<i32>} : memref<128x64xf32, #tpu.memory_space<vmem>>, vector<16xf32>,
      %parallel_loop3A_280 = arith.constant 8.000000e+00 : f32
      %parallel_loop3A_281 = vector.broadcast %parallel_loop3A_280 : f32 to vector<16xf32>
      %parallel_loop3A_282 = arith.mulf %parallel_loop3A_279, %parallel_loop3A_281 : vector<16xf32>
      tpu.vector_store_idx %arg8[%shift_right_logical3A_31, %and3A_34, %parallel_loop3A_258], %parallel_loop3A_282 : memref<8x8x129xf32, #tpu.memory_space<vmem>>[vector<16xi32>, vector<16xi32>, vector<16xi32>], vector<16xf32>,
    } {sc.loop_unroll_factor = 4 : i64, sc.parallel_access}
    %dma_start3A_152 = arith.constant 198 : i32
    %dma_start3A_153 = arith.constant 0 : i32
    %dma_start3A_154 = arith.constant 0 : i32
    %dma_start3A_155 = arith.constant 0 : i32
    %dma_start3A_156 = tpu.memref_slice %arg8[%dma_start3A_153, %dma_start3A_154, %dma_start3A_155] : memref<8x8x129xf32, #tpu.memory_space<vmem>> -> memref<8x8x128xf32, #tpu.memory_space<vmem>>
    %dma_start3A_157 = arith.constant 0 : i32
    %dma_start3A_158 = arith.constant 0 : i32
    %dma_start3A_159 = arith.constant 0 : i32
    %dma_start3A_160 = tpu.memref_slice %arg4[%dma_start3A_152, %dma_start3A_157, %add3A, %dma_start3A_158, %dma_start3A_159] : memref<200x8x32x8x128xf32, #tpu.memory_space<hbm>> -> memref<1x8x1x8x128xf32, #tpu.memory_space<hbm>>
    %dma_start3A_161 = tpu.memref_squeeze %dma_start3A_160 : memref<1x8x1x8x128xf32, #tpu.memory_space<hbm>> -> memref<8x8x128xf32, #tpu.memory_space<hbm>>
    %dma_start3A_162 = arith.constant 0 : i32
    %dma_start3A_163 = arith.constant 0 : i32
    %dma_start3A_164 = arith.constant 0 : i32
    %dma_start3A_165 = tpu.memref_slice %arg4[%dma_start3A_152, %dma_start3A_162, %add3A, %dma_start3A_163, %dma_start3A_164] : memref<200x8x32x8x128xf32, #tpu.memory_space<hbm>> -> memref<1x8x1x8x128xf32, #tpu.memory_space<hbm>>
    %dma_start3A_166 = tpu.memref_squeeze %dma_start3A_165 : memref<1x8x1x8x128xf32, #tpu.memory_space<hbm>> -> memref<8x8x128xf32, #tpu.memory_space<hbm>>
    %dma_start3A_167 = arith.constant 0 : i32
    %dma_start3A_168 = arith.constant 0 : i32
    %dma_start3A_169 = arith.constant 0 : i32
    %dma_start3A_170 = tpu.memref_slice %arg8[%dma_start3A_167, %dma_start3A_168, %dma_start3A_169] : memref<8x8x129xf32, #tpu.memory_space<vmem>> -> memref<8x8x128xf32, #tpu.memory_space<vmem>>
    tpu.enqueue_dma source(%dma_start3A_170 : memref<8x8x128xf32, #tpu.memory_space<vmem>>) target(%dma_start3A_166 : memref<8x8x128xf32, #tpu.memory_space<hbm>>) target_semaphore(%arg12 : memref<!tpu.dma_semaphore, #tpu.memory_space<semaphore_mem>>)
    %dma_wait3A_171 = arith.constant 199 : i32
    %dma_wait3A_172 = arith.constant 0 : i32
    %dma_wait3A_173 = tpu.memref_slice %arg5[%dma_wait3A_171, %dma_wait3A_172] : memref<200x128xi32, #tpu.memory_space<vmem>> -> memref<1x128xi32, #tpu.memory_space<vmem>>
    %dma_wait3A_174 = tpu.memref_squeeze %dma_wait3A_173 : memref<1x128xi32, #tpu.memory_space<vmem>> -> memref<128xi32, #tpu.memory_space<vmem>>
    %dma_wait3A_175 = arith.constant 0 : i32
    %dma_wait3A_176 = arith.constant 0 : i32
    %dma_wait3A_177 = tpu.memref_slice %arg3[%dma_wait3A_175, %dma_wait3A_176] : memref<1000000x64xf32, #tpu.memory_space<hbm>> -> memref<1000000x64xf32, #tpu.memory_space<hbm>>
    tpu.wait_indirect_dma semaphore(%arg11 : memref<!tpu.dma_semaphore, #tpu.memory_space<semaphore_mem>>) src(%dma_wait3A_177 : memref<1000000x64xf32, #tpu.memory_space<hbm>>) dst(%arg7 : memref<128x64xf32, #tpu.memory_space<vmem>>)
    %dma_wait3A_178 = arith.constant 197 : i32
    %dma_wait3A_179 = arith.constant 0 : i32
    %dma_wait3A_180 = arith.constant 0 : i32
    %dma_wait3A_181 = arith.constant 0 : i32
    %dma_wait3A_182 = tpu.memref_slice %arg9[%dma_wait3A_179, %dma_wait3A_180, %dma_wait3A_181] : memref<8x8x129xf32, #tpu.memory_space<vmem>> -> memref<8x8x128xf32, #tpu.memory_space<vmem>>
    %dma_wait3A_183 = arith.constant 0 : i32
    %dma_wait3A_184 = arith.constant 0 : i32
    %dma_wait3A_185 = arith.constant 0 : i32
    %dma_wait3A_186 = tpu.memref_slice %arg4[%dma_wait3A_178, %dma_wait3A_183, %add3A, %dma_wait3A_184, %dma_wait3A_185] : memref<200x8x32x8x128xf32, #tpu.memory_space<hbm>> -> memref<1x8x1x8x128xf32, #tpu.memory_space<hbm>>
    %dma_wait3A_187 = tpu.memref_squeeze %dma_wait3A_186 : memref<1x8x1x8x128xf32, #tpu.memory_space<hbm>> -> memref<8x8x128xf32, #tpu.memory_space<hbm>>
    %dma_wait3A_188 = arith.constant 0 : i32
    %dma_wait3A_189 = arith.constant 0 : i32
    %dma_wait3A_190 = arith.constant 0 : i32
    %dma_wait3A_191 = tpu.memref_slice %arg4[%dma_wait3A_178, %dma_wait3A_188, %add3A, %dma_wait3A_189, %dma_wait3A_190] : memref<200x8x32x8x128xf32, #tpu.memory_space<hbm>> -> memref<1x8x1x8x128xf32, #tpu.memory_space<hbm>>
    %dma_wait3A_192 = tpu.memref_squeeze %dma_wait3A_191 : memref<1x8x1x8x128xf32, #tpu.memory_space<hbm>> -> memref<8x8x128xf32, #tpu.memory_space<hbm>>
    %dma_wait3A_193 = arith.constant 0 : i32
    %dma_wait3A_194 = arith.constant 0 : i32
    %dma_wait3A_195 = arith.constant 0 : i32
    %dma_wait3A_196 = tpu.memref_slice %arg9[%dma_wait3A_193, %dma_wait3A_194, %dma_wait3A_195] : memref<8x8x129xf32, #tpu.memory_space<vmem>> -> memref<8x8x128xf32, #tpu.memory_space<vmem>>
    tpu.wait_dma2 semaphore(%arg13 : memref<!tpu.dma_semaphore, #tpu.memory_space<semaphore_mem>>) src(%dma_wait3A_196 : memref<8x8x128xf32, #tpu.memory_space<vmem>>) dst(%dma_wait3A_192 : memref<8x8x128xf32, #tpu.memory_space<hbm>>)
    %parallel_loop3A_197 = arith.constant 0 : i32
    %parallel_loop3A_198 = arith.constant 128 : i32
    %parallel_loop3A_199 = arith.constant 1 : i32
    scf.for %parallel_loop3A_257 = %parallel_loop3A_197 to %parallel_loop3A_198 step %parallel_loop3A_199  : i32 {
      %parallel_loop3A_258 = vector.broadcast %parallel_loop3A_257 : i32 to vector<16xi32>
      %parallel_loop3A_259 = arith.index_cast %parallel_loop3A_257 : i32 to index
      %parallel_loop3A_260 = arith.constant 0 : index
      %parallel_loop3A_261 = tpu.vector_load %arg7[%parallel_loop3A_259, %parallel_loop3A_260] {strides = array<i32>} : memref<128x64xf32, #tpu.memory_space<vmem>>, vector<16xf32>,
      %parallel_loop3A_262 = arith.constant 8.000000e+00 : f32
      %parallel_loop3A_263 = vector.broadcast %parallel_loop3A_262 : f32 to vector<16xf32>
      %parallel_loop3A_264 = arith.mulf %parallel_loop3A_261, %parallel_loop3A_263 : vector<16xf32>
      tpu.vector_store_idx %arg9[%shift_right_logical3A_5, %and3A_7, %parallel_loop3A_258], %parallel_loop3A_264 : memref<8x8x129xf32, #tpu.memory_space<vmem>>[vector<16xi32>, vector<16xi32>, vector<16xi32>], vector<16xf32>,
      %parallel_loop3A_265 = arith.index_cast %parallel_loop3A_257 : i32 to index
      %parallel_loop3A_266 = arith.constant 16 : index
      %parallel_loop3A_267 = tpu.vector_load %arg7[%parallel_loop3A_265, %parallel_loop3A_266] {strides = array<i32>} : memref<128x64xf32, #tpu.memory_space<vmem>>, vector<16xf32>,
      %parallel_loop3A_268 = arith.constant 8.000000e+00 : f32
      %parallel_loop3A_269 = vector.broadcast %parallel_loop3A_268 : f32 to vector<16xf32>
      %parallel_loop3A_270 = arith.mulf %parallel_loop3A_267, %parallel_loop3A_269 : vector<16xf32>
      tpu.vector_store_idx %arg9[%shift_right_logical3A_13, %and3A_16, %parallel_loop3A_258], %parallel_loop3A_270 : memref<8x8x129xf32, #tpu.memory_space<vmem>>[vector<16xi32>, vector<16xi32>, vector<16xi32>], vector<16xf32>,
      %parallel_loop3A_271 = arith.index_cast %parallel_loop3A_257 : i32 to index
      %parallel_loop3A_272 = arith.constant 32 : index
      %parallel_loop3A_273 = tpu.vector_load %arg7[%parallel_loop3A_271, %parallel_loop3A_272] {strides = array<i32>} : memref<128x64xf32, #tpu.memory_space<vmem>>, vector<16xf32>,
      %parallel_loop3A_274 = arith.constant 8.000000e+00 : f32
      %parallel_loop3A_275 = vector.broadcast %parallel_loop3A_274 : f32 to vector<16xf32>
      %parallel_loop3A_276 = arith.mulf %parallel_loop3A_273, %parallel_loop3A_275 : vector<16xf32>
      tpu.vector_store_idx %arg9[%shift_right_logical3A_22, %and3A_25, %parallel_loop3A_258], %parallel_loop3A_276 : memref<8x8x129xf32, #tpu.memory_space<vmem>>[vector<16xi32>, vector<16xi32>, vector<16xi32>], vector<16xf32>,
      %parallel_loop3A_277 = arith.index_cast %parallel_loop3A_257 : i32 to index
      %parallel_loop3A_278 = arith.constant 48 : index
      %parallel_loop3A_279 = tpu.vector_load %arg7[%parallel_loop3A_277, %parallel_loop3A_278] {strides = array<i32>} : memref<128x64xf32, #tpu.memory_space<vmem>>, vector<16xf32>,
      %parallel_loop3A_280 = arith.constant 8.000000e+00 : f32
      %parallel_loop3A_281 = vector.broadcast %parallel_loop3A_280 : f32 to vector<16xf32>
      %parallel_loop3A_282 = arith.mulf %parallel_loop3A_279, %parallel_loop3A_281 : vector<16xf32>
      tpu.vector_store_idx %arg9[%shift_right_logical3A_31, %and3A_34, %parallel_loop3A_258], %parallel_loop3A_282 : memref<8x8x129xf32, #tpu.memory_space<vmem>>[vector<16xi32>, vector<16xi32>, vector<16xi32>], vector<16xf32>,
    } {sc.loop_unroll_factor = 4 : i64, sc.parallel_access}
    %dma_start3A_200 = arith.constant 199 : i32
    %dma_start3A_201 = arith.constant 0 : i32
    %dma_start3A_202 = arith.constant 0 : i32
    %dma_start3A_203 = arith.constant 0 : i32
    %dma_start3A_204 = tpu.memref_slice %arg9[%dma_start3A_201, %dma_start3A_202, %dma_start3A_203] : memref<8x8x129xf32, #tpu.memory_space<vmem>> -> memref<8x8x128xf32, #tpu.memory_space<vmem>>
    %dma_start3A_205 = arith.constant 0 : i32
    %dma_start3A_206 = arith.constant 0 : i32
    %dma_start3A_207 = arith.constant 0 : i32
    %dma_start3A_208 = tpu.memref_slice %arg4[%dma_start3A_200, %dma_start3A_205, %add3A, %dma_start3A_206, %dma_start3A_207] : memref<200x8x32x8x128xf32, #tpu.memory_space<hbm>> -> memref<1x8x1x8x128xf32, #tpu.memory_space<hbm>>
    %dma_start3A_209 = tpu.memref_squeeze %dma_start3A_208 : memref<1x8x1x8x128xf32, #tpu.memory_space<hbm>> -> memref<8x8x128xf32, #tpu.memory_space<hbm>>
    %dma_start3A_210 = arith.constant 0 : i32
    %dma_start3A_211 = arith.constant 0 : i32
    %dma_start3A_212 = arith.constant 0 : i32
    %dma_start3A_213 = tpu.memref_slice %arg4[%dma_start3A_200, %dma_start3A_210, %add3A, %dma_start3A_211, %dma_start3A_212] : memref<200x8x32x8x128xf32, #tpu.memory_space<hbm>> -> memref<1x8x1x8x128xf32, #tpu.memory_space<hbm>>
    %dma_start3A_214 = tpu.memref_squeeze %dma_start3A_213 : memref<1x8x1x8x128xf32, #tpu.memory_space<hbm>> -> memref<8x8x128xf32, #tpu.memory_space<hbm>>
    %dma_start3A_215 = arith.constant 0 : i32
    %dma_start3A_216 = arith.constant 0 : i32
    %dma_start3A_217 = arith.constant 0 : i32
    %dma_start3A_218 = tpu.memref_slice %arg9[%dma_start3A_215, %dma_start3A_216, %dma_start3A_217] : memref<8x8x129xf32, #tpu.memory_space<vmem>> -> memref<8x8x128xf32, #tpu.memory_space<vmem>>
    tpu.enqueue_dma source(%dma_start3A_218 : memref<8x8x128xf32, #tpu.memory_space<vmem>>) target(%dma_start3A_214 : memref<8x8x128xf32, #tpu.memory_space<hbm>>) target_semaphore(%arg13 : memref<!tpu.dma_semaphore, #tpu.memory_space<semaphore_mem>>)
    %dma_wait3A_219 = arith.constant 198 : i32
    %dma_wait3A_220 = arith.constant 0 : i32
    %dma_wait3A_221 = arith.constant 0 : i32
    %dma_wait3A_222 = arith.constant 0 : i32
    %dma_wait3A_223 = tpu.memref_slice %arg8[%dma_wait3A_220, %dma_wait3A_221, %dma_wait3A_222] : memref<8x8x129xf32, #tpu.memory_space<vmem>> -> memref<8x8x128xf32, #tpu.memory_space<vmem>>
    %dma_wait3A_224 = arith.constant 0 : i32
    %dma_wait3A_225 = arith.constant 0 : i32
    %dma_wait3A_226 = arith.constant 0 : i32
    %dma_wait3A_227 = tpu.memref_slice %arg4[%dma_wait3A_219, %dma_wait3A_224, %add3A, %dma_wait3A_225, %dma_wait3A_226] : memref<200x8x32x8x128xf32, #tpu.memory_space<hbm>> -> memref<1x8x1x8x128xf32, #tpu.memory_space<hbm>>
    %dma_wait3A_228 = tpu.memref_squeeze %dma_wait3A_227 : memref<1x8x1x8x128xf32, #tpu.memory_space<hbm>> -> memref<8x8x128xf32, #tpu.memory_space<hbm>>
    %dma_wait3A_229 = arith.constant 0 : i32
    %dma_wait3A_230 = arith.constant 0 : i32
    %dma_wait3A_231 = arith.constant 0 : i32
    %dma_wait3A_232 = tpu.memref_slice %arg4[%dma_wait3A_219, %dma_wait3A_229, %add3A, %dma_wait3A_230, %dma_wait3A_231] : memref<200x8x32x8x128xf32, #tpu.memory_space<hbm>> -> memref<1x8x1x8x128xf32, #tpu.memory_space<hbm>>
    %dma_wait3A_233 = tpu.memref_squeeze %dma_wait3A_232 : memref<1x8x1x8x128xf32, #tpu.memory_space<hbm>> -> memref<8x8x128xf32, #tpu.memory_space<hbm>>
    %dma_wait3A_234 = arith.constant 0 : i32
    %dma_wait3A_235 = arith.constant 0 : i32
    %dma_wait3A_236 = arith.constant 0 : i32
    %dma_wait3A_237 = tpu.memref_slice %arg8[%dma_wait3A_234, %dma_wait3A_235, %dma_wait3A_236] : memref<8x8x129xf32, #tpu.memory_space<vmem>> -> memref<8x8x128xf32, #tpu.memory_space<vmem>>
    tpu.wait_dma2 semaphore(%arg12 : memref<!tpu.dma_semaphore, #tpu.memory_space<semaphore_mem>>) src(%dma_wait3A_237 : memref<8x8x128xf32, #tpu.memory_space<vmem>>) dst(%dma_wait3A_233 : memref<8x8x128xf32, #tpu.memory_space<hbm>>)
    %dma_wait3A_238 = arith.constant 199 : i32
    %dma_wait3A_239 = arith.constant 0 : i32
    %dma_wait3A_240 = arith.constant 0 : i32
    %dma_wait3A_241 = arith.constant 0 : i32
    %dma_wait3A_242 = tpu.memref_slice %arg9[%dma_wait3A_239, %dma_wait3A_240, %dma_wait3A_241] : memref<8x8x129xf32, #tpu.memory_space<vmem>> -> memref<8x8x128xf32, #tpu.memory_space<vmem>>
    %dma_wait3A_243 = arith.constant 0 : i32
    %dma_wait3A_244 = arith.constant 0 : i32
    %dma_wait3A_245 = arith.constant 0 : i32
    %dma_wait3A_246 = tpu.memref_slice %arg4[%dma_wait3A_238, %dma_wait3A_243, %add3A, %dma_wait3A_244, %dma_wait3A_245] : memref<200x8x32x8x128xf32, #tpu.memory_space<hbm>> -> memref<1x8x1x8x128xf32, #tpu.memory_space<hbm>>
    %dma_wait3A_247 = tpu.memref_squeeze %dma_wait3A_246 : memref<1x8x1x8x128xf32, #tpu.memory_space<hbm>> -> memref<8x8x128xf32, #tpu.memory_space<hbm>>
    %dma_wait3A_248 = arith.constant 0 : i32
    %dma_wait3A_249 = arith.constant 0 : i32
    %dma_wait3A_250 = arith.constant 0 : i32
    %dma_wait3A_251 = tpu.memref_slice %arg4[%dma_wait3A_238, %dma_wait3A_248, %add3A, %dma_wait3A_249, %dma_wait3A_250] : memref<200x8x32x8x128xf32, #tpu.memory_space<hbm>> -> memref<1x8x1x8x128xf32, #tpu.memory_space<hbm>>
    %dma_wait3A_252 = tpu.memref_squeeze %dma_wait3A_251 : memref<1x8x1x8x128xf32, #tpu.memory_space<hbm>> -> memref<8x8x128xf32, #tpu.memory_space<hbm>>
    %dma_wait3A_253 = arith.constant 0 : i32
    %dma_wait3A_254 = arith.constant 0 : i32
    %dma_wait3A_255 = arith.constant 0 : i32
    %dma_wait3A_256 = tpu.memref_slice %arg9[%dma_wait3A_253, %dma_wait3A_254, %dma_wait3A_255] : memref<8x8x129xf32, #tpu.memory_space<vmem>> -> memref<8x8x128xf32, #tpu.memory_space<vmem>>
    tpu.wait_dma2 semaphore(%arg13 : memref<!tpu.dma_semaphore, #tpu.memory_space<semaphore_mem>>) src(%dma_wait3A_256 : memref<8x8x128xf32, #tpu.memory_space<vmem>>) dst(%dma_wait3A_252 : memref<8x8x128xf32, #tpu.memory_space<hbm>>)
    return
  }
}

</mosaic_0001>

<sc_bundles>
// kernel: kernel.3.cloned.1.call-start
scs
__scs_entry_jumppad:
0x0: {  	(pc) =	sbr.rel $0x88, $3  }
0x1: {  	(tag) =	ssettag $0x0;
	lr =	simm.s32 $0x1  }
0x2: {  	[smem:$0x3F9F] =	sst lr;
	_ =	strace $0xD0000000  }
0x3: {  	_ = 	snop  }
0x4: {  	_ = 	snop  }
0x5: {  	_ = 	snop  }
0x6: {  	_ = 	snop  }
0x7: {  	_ = 	snop  }
__scs_overlays_trampoline_lowered:
0x8: {  	[smem:$0x3FAE] =	sst s0  }
0x9: {  	[smem:$0x3FAF] =	sst s1  }
0xa: {  	[smem:$0x3FB0] =	sst s2  }
0xb: {  	[smem:$0x3FB1] =	sst s3  }
0xc: {  	[smem:$0x3FB2] =	sst s4  }
0xd: {  	[smem:$0x3FB3] =	sst s5  }
0xe: {  	[smem:$0x3FB4] =	sst s6  }
0xf: {  	[smem:$0x3FB5] =	sst s7  }
0x10: {  	[smem:$0x3FB6] =	sst s8  }
0x11: {  	[smem:$0x3FB7] =	sst s9;
	s0 =	simm.s32 @!p0 $0x0  }
0x12: {  	s1 =	sld [smem:$0x3F9D];
	s0 =	simm.s32 @p0 $0x1  }
0x13: {  	[smem:$0x3FB8] =	sst s0;
	s0 =	simm.s32 @!p1 $0x0  }
0x14: {  	s2 =	sld [smem:$0x3F9C];
	s0 =	simm.s32 @p1 $0x1  }
0x15: {  	[smem:$0x3FB9] =	sst s0;
	s0 =	simm.s32 @!p2 $0x0  }
0x16: {  	s3 =	sld [smem:$0x3FDB];
	s0 =	simm.s32 @p2 $0x1  }
0x17: {  	s4 =	simm.s32 $0x1BF5;
	[smem:$0x3FBB] =	sst s0  }
0x18: {  	s0 =	sld [smem:$0x3F9E];
	_ =	swait.ge [sflag:s4], $0x0  }
0x19: {  	s7 =	sld [smem:$0x3F9F]  }
0x1a: {  	s8 =	sadd.s32 $0xFFFFE003, lr  }
0x1b: {  	s9 =	sadd.s32 $0xFFFFFEF7, lr;
	s5 =	simm.s32 $0xFFFFFFFF;
	p2 =	slt.u32 s8, $0xFFFFF086  }
0x1c: {  	p1 =	slt.u32 s9, $0xF7A;
	s5 =	simm.s32 @!p2 $0x0  }
0x1d: {  	s5 =	simm.s32 @p1 $0x1;
	p0 =	seq.s32 s7, s2  }
0x1e: {  	s7 =	smul.u32 @!p0 $0xF7A, s2;
	p2 =	seq.s32 @!p0 s5, $0x0  }
0x1f: {  	s9 =	smul.u32 $0xF7A, s1;
	s8 =	simm.s32 @!p0 $0x1BF5;
	p2 =	por !p2, p0  }
0x20: {  	[sflag:s8] =	ssyncset.s32 @!p0 $0xFFFFF086;
	s6 =	sadd.s32 @!p0 s3, s7;
	s7 =	simm.s32 @!p0 $0x108  }
0x21: {  	s3 =	sadd.s32 s3, s9;
	s6 =	sadd.s32 @!p0 $0x88, s6;
	s7 =	simm.s32 @p2 $0x1082  }
0x22: {  	[simem:s7], [sflag:s8] =	dma.local @!p0 [hbm:s6], $0xF7A  }
0x23: {  	s9 =	sor.u32 $0xD0000000, s2;
	s6 =	simm.s32 $0x108;
	_ =	swait.ge @!p0 [sflag:s8], $0x0  }
0x24: {  	s3 =	sadd.s32 $0x88, s3;
	s6 =	simm.s32 @!p1 $0x1082;
	[sflag:s4] =	ssyncset.s32 $0xFFFFF086  }
0x25: {  	[simem:s6], [sflag:s4] =	dma.local [hbm:s3], $0xF7A  }
0x26: {  	[smem:$0x3F9F] =	sst s1;
	(tag) =	ssettag s2;
	_ =	strace s9  }
0x27: {  	s1 =	sld [smem:$0x3FAF]  }
0x28: {  	s2 =	sld [smem:$0x3FB0]  }
0x29: {  	s4 =	sld [smem:$0x3FB2]  }
0x2a: {  	p0 =	seq.s32 s5, $0x0;
	s5 =	sld [smem:$0x3FB3]  }
0x2b: {  	s6 =	sld [smem:$0x3FB4]  }
0x2c: {  	s7 =	sld [smem:$0x3FB5]  }
0x2d: {  	s3 =	simm.s32 $0x108;
	s8 =	sld [smem:$0x3FB6]  }
0x2e: {  	s3 =	simm.s32 @!p0 $0x1082;
	s9 =	sld [smem:$0x3FB7]  }
0x2f: {  	lr =	sadd.s32 s0, s3;
	s0 =	sld [smem:$0x3FAE]  }
0x30: {  	s3 =	sld [smem:$0x3FB1]  }
0x31: {  	[smem:$0x3FBA] =	sst s10  }
0x32: {  	s10 =	sld [smem:$0x3FB8];
	_ =	sdelay $0x3  }
0x33: {  	p0 =	seq.s32 s10, $0x1;
	s10 =	sld [smem:$0x3FBA];
	_ =	sdelay $0x3  }
0x34: {  	[smem:$0x3FBA] =	sst s10  }
0x35: {  	s10 =	sld [smem:$0x3FB9];
	_ =	sdelay $0x3  }
0x36: {  	p1 =	seq.s32 s10, $0x1;
	s10 =	sld [smem:$0x3FBA];
	_ =	sdelay $0x3  }
0x37: {  	[smem:$0x3FBA] =	sst s10  }
0x38: {  	s10 =	sld [smem:$0x3FBB]  }
0x39: {  	_ = 	snop;
	(pc) =	sbr.ind lr, $3  }
0x3a: {  	_ = 	snop  }
0x3b: {  	_ = 	snop  }
0x3c: {  	p2 =	seq.s32 s10, $0x1;
	s10 =	sld [smem:$0x3FBA]  }
0x3d: {  	_ =	shalt  }
0x3e: {  	_ =	shalt  }
0x3f: {  	_ =	shalt  }
0x40: {  	_ =	shalt  }
0x41: {  	_ =	shalt  }
0x42: {  	_ =	shalt  }
0x43: {  	_ =	shalt  }
0x44: {  	_ =	shalt  }
0x45: {  	_ =	shalt  }
0x46: {  	_ =	shalt  }
0x47: {  	_ =	shalt  }
0x48: {  	_ =	shalt  }
0x49: {  	_ =	shalt  }
0x4a: {  	_ =	shalt  }
0x4b: {  	_ =	shalt  }
0x4c: {  	_ =	shalt  }
0x4d: {  	_ =	shalt  }
0x4e: {  	_ =	shalt  }
0x4f: {  	_ =	shalt  }
0x50: {  	_ =	shalt  }
0x51: {  	_ =	shalt  }
0x52: {  	_ =	shalt  }
0x53: {  	_ =	shalt  }
0x54: {  	_ =	shalt  }
0x55: {  	_ =	shalt  }
0x56: {  	_ =	shalt  }
0x57: {  	_ =	shalt  }
0x58: {  	_ =	shalt  }
0x59: {  	_ =	shalt  }
0x5a: {  	_ =	shalt  }
0x5b: {  	_ =	shalt  }
0x5c: {  	_ =	shalt  }
0x5d: {  	_ =	shalt  }
0x5e: {  	_ =	shalt  }
0x5f: {  	_ =	shalt  }
0x60: {  	_ =	shalt  }
0x61: {  	_ =	shalt  }
0x62: {  	_ =	shalt  }
0x63: {  	_ =	shalt  }
0x64: {  	_ =	shalt  }
0x65: {  	_ =	shalt  }
0x66: {  	_ =	shalt  }
0x67: {  	_ =	shalt  }
0x68: {  	_ =	shalt  }
0x69: {  	_ =	shalt  }
0x6a: {  	_ =	shalt  }
0x6b: {  	_ =	shalt  }
0x6c: {  	_ =	shalt  }
0x6d: {  	_ =	shalt  }
0x6e: {  	_ =	shalt  }
0x6f: {  	_ =	shalt  }
0x70: {  	_ =	shalt  }
0x71: {  	_ =	shalt  }
0x72: {  	_ =	shalt  }
0x73: {  	_ =	shalt  }
0x74: {  	_ =	shalt  }
0x75: {  	_ =	shalt  }
0x76: {  	_ =	shalt  }
0x77: {  	_ =	shalt  }
0x78: {  	_ =	shalt  }
0x79: {  	_ =	shalt  }
0x7a: {  	_ =	shalt  }
0x7b: {  	_ =	shalt  }
0x7c: {  	_ =	shalt  }
0x7d: {  	_ =	shalt  }
0x7e: {  	_ =	shalt  }
0x7f: {  	_ =	shalt  }
0x80: {  	_ =	shalt  }
0x81: {  	_ =	shalt  }
0x82: {  	_ =	shalt  }
0x83: {  	_ =	shalt  }
0x84: {  	_ =	shalt  }
0x85: {  	_ =	shalt  }
0x86: {  	_ =	shalt  }
0x87: {  	_ =	shalt  }
.Lfunc_end0:
.L_simem_size_0:
called_computation_lowered:
.L_overlay_start_0:
0x88: {  	s2 =	sld [smem:$0x3FD9]  }
0x89: {  	s3 =	sld [smem:$0x3FFE];
	_ =	sdelay $0x1  }
0x8a: {  	s1 =	srdreg.scid  }
0x8b: {  	s0 =	sand.u32 $0x1, s1  }
0x8c: {  	s17 =	sshll.u32 s0, $0xA;
	s2 =	sadd.s32 s3, s2  }
0x8d: {  	s2 =	sadd.s32 s2, s17  }
0x8e: {  	[smem:$0x3FC6] =	sst s2  }
0x8f: {  	_ = 	snop  }
0x90: {  	s2 =	sld [smem:$0x3FD0];
	(tm) =	ssettm $0x1  }
0x91: {  	s18 =	sld [smem:$0x3FFB];
	_ =	sdelay $0x3  }
0x92: {  	_ =	strace s18  }
0x93: {  	s3 =	sld [smem:$0x3FFC];
	_ =	sdelay $0x3  }
0x94: {  	_ =	strace s3  }
0x95: {  	s3 =	sld [smem:$0x3FFD];
	_ =	sdelay $0x3  }
0x96: {  	_ =	strace s3  }
0x97: {  	_ =	strace $0x8FFFFFFF  }
0x98: {  	s19 =	sld [smem:$0x3FDB];
	_ =	sdelay $0x1  }
0x99: {  	s4 =	simm.s32 $_scs_section_size  }
0x9a: {  	s5 =	simm.s32 $_size__tile_overlayer_lowered;
	s6 =	simm.s32 $_tile_overlayer_lowered  }
0x9b: {  	s22 =	simm.s32 $0x1BFF;
	s21 =	sshll.u32 s6, $0x1;
	s3 =	sadd.s32 s4, s19  }
0x9c: {  	s7 =	simm.s32 $0x0;
	s20 =	sshll.u32 s5, $0x1;
	s5 =	sadd.s32 s21, s3  }
0x9d: {  	[timem:s7], [sflag:s22] =	dma.local [hbm:s5], s20  }
0x9e: {  	_ =	swait.ge [sflag:s22], s20  }
0x9f: {  	s4 =	ssub.s32 $0x0, s20;
	[sflag:s22] =	ssyncset.done $0x0  }
0xa0: {  	[sflag:s22] =	ssyncadd.s32 s4;
	_ =	sdelay $0x1  }
0xa1: {  	s23 =	simm.s32 $0x1B8B  }
0xa2: {  	_ =	swait.ge [sflag:s23], $0x1  }
0xa3: {  	[sflag:s23] =	ssyncset.done $0x0  }
0xa4: {  	s25 =	simm.s32 $0x1B8E;
	s24 =	sld [smem:$0x3FFE];
	[sflag:s23] =	ssyncadd.s32 $0xFFFFFFFF  }
0xa5: {  	s26 =	simm.s32 $execute0_lowered;
	[smem:$0x3FD2] =	sst s25  }
0xa6: {  	s5 =	sshll.u32 s26, $0x1;
	_ =	strace $0x80000046;
	[dreg:$0x1] =	wrdreg $0xFFFFFFFF  }
0xa7: {  	s28 =	simm.s32 $_size_execute0_lowered;
	s3 =	sadd.s32 s3, s5;
	[dreg:$0x0] =	wrdreg $0x0  }
0xa8: {  	s5 =	sshll.u32 s28, $0x1;
	[dreg:$0x2] =	wrdreg s3  }
0xa9: {  	[dreg:$0x3] =	wrdreg s5  }
0xaa: {  	[dreg:$0x4] =	wrdreg $0xC0  }
0xab: {  	_ =	task [dreg:s7], $0x5FFFF  }
0xac: {  	[dreg:$0x1] =	wrdreg $0xFFFFFFFF  }
0xad: {  	[dreg:$0x0] =	wrdreg $0x60  }
0xae: {  	[dreg:$0x2] =	wrdreg s24  }
0xaf: {  	[dreg:$0x3] =	wrdreg s2  }
0xb0: {  	[dreg:$0x4] =	wrdreg $0x9  }
0xb1: {  	_ =	task.clear_ibuf [dreg:s7], $0x5FFFF;
	_ =	strace $0x90000046  }
0xb2: {  	s29 =	simm.s32 $0x9;
	_ =	strace $0x80000048  }
0xb3: {  	_ =	swait.ge [sflag:s29], $0x1  }
0xb4: {  	[sflag:s29] =	ssyncadd.s32 $0xFFFFFFFF  }
0xb5: {  	_ =	strace $0x90000048  }
0xb6: {  	_ =	sfence  }
0xb7: {  	s30 =	sld [smem:$0x0];
	_ =	sdelay $0x2  }
0xb8: {  	s31 =	sshll.u32 s1, $0xD;
	s1 =	sshrl.u32 s1, $0x2  }
0xb9: {  	s3 =	sand.u32 $0x4000, s31;
	s1 =	sadd.s32 s1, s30  }
0xba: {  	s0 =	sor.u32 s3, s0;
	s1 =	sshll.u32 s1, $0x11  }
0xbb: {  	s0 =	sor.u32 s1, s0  }
0xbc: {  	s0 =	sadd.s32 $0x8F2B, s0  }
0xbd: {  	[sflag:s0] =	ssyncadd.remote.s32 $0x1  }
0xbe: {  	_ =	sfence.sel $0xFFFF  }
0xbf: {  	[dreg:$0x0] =	wrdreg $0xFFFFFFFF;
	(pc) =	sbr.abs _section_cstart, $3  }
0xc0: {  	[dreg:$0x1] =	wrdreg $0xFFFFFFFF  }
0xc1: {  	_ =	task.clear_ibuf [dreg:s7], $0x2FFFF;
	_ =	strace $0x9FFFFFFF  }
0xc2: {  	(tm) =	ssettm $0x7FFFFFFF  }
0xc3: {  	_ =	shalt  }
tec
execute0_lowered:
.L_overlay_start_1:
0x0: {  	(tag) =	ssettag $0x1  }
0x1: {  	s0 =	rddreg [dreg:$0x0];
	s1 =	srdreg.scid  }
0x2: {  	s3 =	stileid.u32;
	s2 =	rddreg [dreg:$0x1];
	s13 =	simm.s32 $0x80  }
0x3: {  	s15 =	simm.s32 $0x5;
	s16 =	simm.s32 $0x6400;
	s17 =	simm.s32 $0x8400  }
0x4: {  	s18 =	simm.s32 $0x1;
	s19 =	simm.s32 $0xA400;
	s21 =	simm.s32 $0x2  }
0x5: {  	s22 =	simm.s32 $0xC600;
	s24 =	simm.s32 $0x3;
	s25 =	simm.s32 $0x4  }
0x6: {  	s26 =	simm.s32 $0x0;
	s1 =	sand.u32 $0x1, s1;
	s4 =	sshll.u32 s3, $0x1  }
0x7: {  	s3 =	simm.s32 $0x0;
	s8 =	sadd.s32 $0x8000, s2;
	s5 =	sor.u32 s1, s4  }
0x8: {  	[smem:$0x7FF] =	sst s3;
	s1 =	ssub.s32 $0x2, s1;
	s4 =	sshll.u32 s5, $0x4  }
0x9: {  	v0 =	vlaneseq.u32;
	_ =	strace $0x80000047;
	s7 =	sshrl.u32 s1, $0x1;
	s5 =	sshll.u32 s5, $0x7  }
0xa: {  	v0 =	vmul.u32 $0x88, v0;
	s6 =	sadd.s32 s4, s0;
	s4 =	sadd.s32 $0xF42A00, s0;
	s31 =	ssub.s32 s1, s7  }
0xb: {  	s7 =	sadd.s32 s2, s5;
	s9 =	sadd.s32 s5, s8;
	s6 =	sadd.s32 $0x600, s6  }
0xc: {  	v1 =	vadd.s32 $0x880, v0;
	v2 =	vadd.s32 $0x1100, v0;
	v3 =	vadd.s32 $0x1980, v0;
	s10 =	sadd.s32 $0x630000, s7;
	s11 =	sadd.s32 $0x638000, s7;
	s12 =	smax.u32 s31, $0x1  }
.LBB2_1:
0xd: {  	s0 =	simm.s32 $0x1000  }
0xe: {  	[tilespmem:s3], [sflag:$0x5] =	stream.strided.gather [hbm4b:s6+s13], $0x6400, s0, s13, $0x38;
	[tilespmem:$0xE800] =	vst v63  }
0xf: {  	_ =	swait.ge [sflag:s15], $0x6400  }
0x10: {  	[sflag:s15] =	ssyncset.done $0x0  }
0x11: {  	[sflag:s15] =	ssyncadd.s32 $0xFFFF9C00  }
0x12: {  	[tilespmem:s16], [sflag:$0x1] =	stream.indirect.gather [hbm4b:s4+s13], $0x40, s3, s13, $0xb8;
	[tilespmem:$0xE800] =	vst v63  }
0x13: {  	_ = 	snop  }
0x14: {  	[tilespmem:s17], [sflag:$0x2] =	stream.indirect.gather [hbm4b:s4+s13], $0x40, s13, s13, $0xb8;
	[tilespmem:$0xE800] =	vst v63  }
0x15: {  	_ =	swait.ge [sflag:s18], $0x2000  }
0x16: {  	[sflag:s18] =	ssyncset.done $0x0  }
0x17: {  	s1 =	simm.s32 $0x3;
	s0 =	simm.s32 $0x6480;
	[sflag:s18] =	ssyncadd.s32 $0xFFFFE000  }
0x18: {  	v4 =	vmov s1;
	v5 =	vld [tilespmem:s0+$0x40]  }
0x19: {  	v9 =	vand.u32 $0x7F, v4  }
0x1a: {  	v4 =	vadd.s32 v0, v9  }
0x1b: {  	v6 =	vmov s3;
	s31 =	simm.s32 $0x1;
	s14 =	simm.s32 $0x2;
	v7 =	vld [tilespmem:s0+$0xFFFFFF80]  }
0x1c: {  	v8 =	vand.u32 $0x7C, v6;
	v6 =	vmov s31;
	v11 =	vmov s14;
	v10 =	vld [tilespmem:s0+$0xFFFFFFC0]  }
0x1d: {  	v12 =	vadd.s32 v0, v8;
	v15 =	vand.u32 $0x7D, v6;
	v6 =	vld [tilespmem:s0+$0x0];
	v5 =	vmul.f32 $8.000000000e+00, v5  }
0x1e: {  	v17 =	vand.u32 $0x7E, v11;
	v13 =	vadd.s32 v0, v15  }
0x1f: {  	v11 =	vadd.s32 v0, v17;
	[tilespmem:v4+s19+$0x0] =	vst.idx.msk $0xffff, v5  }
0x20: {  	v4 =	vmul.f32 $8.000000000e+00, v7;
	v5 =	vld [tilespmem:s0+$0x50]  }
0x21: {  	v7 =	vmul.f32 $8.000000000e+00, v10  }
0x22: {  	[tilespmem:v12+s19+$0x0] =	vst.idx.msk $0xffff, v4;
	v4 =	vmul.f32 $8.000000000e+00, v6;
	v6 =	vadd.s32 v1, v9  }
0x23: {  	[tilespmem:v13+s19+$0x0] =	vst.idx.msk $0xffff, v7;
	v10 =	vld [tilespmem:s0+$0xFFFFFF90]  }
0x24: {  	v7 =	vld [tilespmem:s0+$0xFFFFFFD0];
	[tilespmem:v11+s19+$0x0] =	vst.idx.msk $0xffff, v4  }
0x25: {  	v11 =	vld [tilespmem:s0+$0x10];
	v4 =	vmul.f32 $8.000000000e+00, v5  }
0x26: {  	s20 =	simm.s32 $0x7;
	s28 =	simm.s32 $0x6580;
	s14 =	simm.s32 $0x4;
	v12 =	vadd.s32 v1, v15  }
0x27: {  	v14 =	vld [tilespmem:s28+$0x40];
	v13 =	vadd.s32 v1, v17;
	v5 =	vmov s14;
	[tilespmem:v6+s19+$0x0] =	vst.idx.msk $0xffff, v4;
	v6 =	vmov s20  }
0x28: {  	v16 =	vadd.s32 v1, v8;
	v4 =	vand.u32 $0x7C, v5;
	v5 =	vand.u32 $0x7F, v6;
	v18 =	vld [tilespmem:s0+$0x60]  }
0x29: {  	s23 =	simm.s32 $0x5;
	v22 =	vadd.s32 v2, v9;
	v19 =	vld [tilespmem:s28+$0xFFFFFF80];
	v6 =	vmul.f32 $8.000000000e+00, v7;
	v20 =	vadd.s32 v0, v5  }
0x2a: {  	s30 =	simm.s32 $0x6;
	v21 =	vld [tilespmem:s28+$0xFFFFFFC0];
	v10 =	vmul.f32 $8.000000000e+00, v10;
	v7 =	vmul.f32 $8.000000000e+00, v11;
	v11 =	vmov s23  }
0x2b: {  	v23 =	vadd.s32 v0, v4;
	[tilespmem:v12+s19+$0x0] =	vst.idx.msk $0xffff, v6;
	v12 =	vmov s30;
	v6 =	vand.u32 $0x7D, v11;
	v11 =	vld [tilespmem:s28+$0x0]  }
0x2c: {  	[tilespmem:v13+s19+$0x0] =	vst.idx.msk $0xffff, v7;
	v13 =	vadd.s32 v0, v6;
	v7 =	vand.u32 $0x7E, v12;
	v12 =	vmul.f32 $8.000000000e+00, v14;
	v14 =	vld [tilespmem:s0+$0xFFFFFFE0]  }
0x2d: {  	[tilespmem:v16+s19+$0x0] =	vst.idx.msk $0xffff, v10;
	v10 =	vadd.s32 v0, v7;
	v16 =	vld [tilespmem:s0+$0x20];
	v18 =	vmul.f32 $8.000000000e+00, v18  }
0x2e: {  	v19 =	vmul.f32 $8.000000000e+00, v19;
	[tilespmem:v20+s19+$0x0] =	vst.idx.msk $0xffff, v12;
	v12 =	vld [tilespmem:s0+$0xFFFFFFA0];
	v20 =	vadd.s32 v2, v15  }
0x2f: {  	v25 =	vadd.s32 v2, v17;
	v21 =	vmul.f32 $8.000000000e+00, v21;
	v24 =	vld [tilespmem:s28+$0x50];
	[tilespmem:v22+s19+$0x0] =	vst.idx.msk $0xffff, v18  }
0x30: {  	[tilespmem:v23+s19+$0x0] =	vst.idx.msk $0xffff, v19;
	v19 =	vadd.s32 v2, v8;
	v11 =	vmul.f32 $8.000000000e+00, v11;
	v22 =	vld [tilespmem:s0+$0x70]  }
0x31: {  	v23 =	vld [tilespmem:s28+$0xFFFFFF90];
	[tilespmem:v13+s19+$0x0] =	vst.idx.msk $0xffff, v21;
	v21 =	vadd.s32 v1, v5;
	v14 =	vmul.f32 $8.000000000e+00, v14  }
0x32: {  	v27 =	vadd.s32 v3, v9;
	v26 =	vld [tilespmem:s28+$0xFFFFFFD0];
	[tilespmem:v10+s19+$0x0] =	vst.idx.msk $0xffff, v11;
	v10 =	vmul.f32 $8.000000000e+00, v16  }
0x33: {  	v18 =	vadd.s32 v1, v4;
	v13 =	vld [tilespmem:s28+$0x10];
	v9 =	vmul.f32 $8.000000000e+00, v12;
	[tilespmem:v20+s19+$0x0] =	vst.idx.msk $0xffff, v14  }
0x34: {  	s1 =	simm.s32 $0x8;
	v16 =	vadd.s32 v1, v6;
	[tilespmem:v25+s19+$0x0] =	vst.idx.msk $0xffff, v10;
	v14 =	vmul.f32 $8.000000000e+00, v24;
	v12 =	vld [tilespmem:s0+$0xFFFFFFF0]  }
0x35: {  	v20 =	vmov s1;
	v10 =	vadd.s32 v1, v7;
	v11 =	vld [tilespmem:s0+$0x30];
	[tilespmem:v19+s19+$0x0] =	vst.idx.msk $0xffff, v9;
	v63 =	vmul.f32 $8.000000000e+00, v22  }
0x36: {  	s29 =	simm.s32 $0x6680;
	s31 =	simm.s32 $0xB;
	v15 =	vadd.s32 v3, v15;
	v9 =	vand.u32 $0x7C, v20;
	v20 =	vmul.f32 $8.000000000e+00, v23;
	[tilespmem:v21+s19+$0x0] =	vst.idx.msk $0xffff, v14;
	v14 =	vld [tilespmem:s0+$0xFFFFFFB0]  }
0x37: {  	v17 =	vadd.s32 v3, v17;
	v22 =	vmov s31;
	v19 =	vld [tilespmem:s29+$0x40];
	s0 =	simm.s32 $0xC;
	v21 =	vmul.f32 $8.000000000e+00, v26;
	[tilespmem:v27+s19+$0x0] =	vst.idx.msk $0xffff, v63  }
.LBB2_2:
0x38: {  	p0 =	slt.u32 s0, $0x7C;
	s14 =	sadd.s32 $0x1, s1;
	v22 =	vand.u32 $0x7F, v22;
	[tilespmem:v18+s19+$0x0] =	vst.idx.msk $0xffff, v20;
	v13 =	vmul.f32 $8.000000000e+00, v13;
	v18 =	vld [tilespmem:s28+$0x60];
	v20 =	vadd.s32 v3, v8;
	v8 =	vmovc v4  }
0x39: {  	v4 =	vmovc v9;
	v23 =	vld [tilespmem:s29+$0xFFFFFF80];
	v24 =	vmov s14;
	s14 =	sadd.s32 $0x2, s1;
	v25 =	vadd.s32 v0, v22;
	[tilespmem:v16+s19+$0x0] =	vst.idx.msk $0xffff, v21;
	v12 =	vmul.f32 $8.000000000e+00, v12;
	s1 =	smov.u32 s0  }
0x3a: {  	v9 =	vld [tilespmem:s29+$0xFFFFFFC0];
	v16 =	vmov s14;
	[tilespmem:v10+s19+$0x0] =	vst.idx.msk $0xffff, v13;
	v10 =	vadd.s32 v2, v5;
	v11 =	vmul.f32 $8.000000000e+00, v11  }
0x3b: {  	v13 =	vadd.s32 v0, v4;
	v21 =	vand.u32 $0x7D, v24;
	v24 =	vld [tilespmem:s29+$0x0];
	v14 =	vmul.f32 $8.000000000e+00, v14;
	[tilespmem:v15+s19+$0x0] =	vst.idx.msk $0xffff, v12  }
0x3c: {  	v12 =	vadd.s32 v0, v21;
	v26 =	vand.u32 $0x7E, v16;
	v15 =	vmul.f32 $8.000000000e+00, v19;
	v16 =	vld [tilespmem:s28+$0xFFFFFFE0];
	[tilespmem:v17+s19+$0x0] =	vst.idx.msk $0xffff, v11  }
0x3d: {  	v11 =	vadd.s32 v0, v26;
	v17 =	vld [tilespmem:s28+$0x20];
	v18 =	vmul.f32 $8.000000000e+00, v18;
	[tilespmem:v20+s19+$0x0] =	vst.idx.msk $0xffff, v14  }
0x3e: {  	v19 =	vadd.s32 v2, v6;
	v14 =	vmul.f32 $8.000000000e+00, v23;
	[tilespmem:v25+s19+$0x0] =	vst.idx.msk $0xffff, v15;
	v15 =	vld [tilespmem:s28+$0xFFFFFFA0]  }
0x3f: {  	v23 =	vadd.s32 v2, v7;
	v9 =	vmul.f32 $8.000000000e+00, v9;
	v20 =	vld [tilespmem:s29+$0x50];
	[tilespmem:v10+s19+$0x0] =	vst.idx.msk $0xffff, v18  }
0x40: {  	[tilespmem:v13+s19+$0x0] =	vst.idx.msk $0xffff, v14;
	v10 =	vmul.f32 $8.000000000e+00, v24;
	v14 =	vadd.s32 v2, v8;
	v24 =	vld [tilespmem:s28+$0x70]  }
0x41: {  	v27 =	vadd.s32 v1, v22;
	v25 =	vld [tilespmem:s29+$0xFFFFFF90];
	[tilespmem:v12+s19+$0x0] =	vst.idx.msk $0xffff, v9;
	v9 =	vmul.f32 $8.000000000e+00, v16  }
0x42: {  	v29 =	vadd.s32 v3, v5;
	v5 =	vmov v22;
	v28 =	vld [tilespmem:s29+$0xFFFFFFD0];
	[tilespmem:v11+s19+$0x0] =	vst.idx.msk $0xffff, v10;
	v10 =	vmul.f32 $8.000000000e+00, v17  }
.Ltmp0:
0x43: {  	v18 =	vadd.s32 v1, v4;
	v13 =	vld [tilespmem:s29+$0x10];
	v11 =	vmul.f32 $8.000000000e+00, v15;
	[tilespmem:v19+s19+$0x0] =	vst.idx.msk $0xffff, v9;
	(pc) =	sbr.rel @p0 .LBB2_2-.Ltmp0, $4  }
0x44: {  	v16 =	vadd.s32 v1, v21;
	v15 =	vmul.f32 $8.000000000e+00, v20;
	v12 =	vld [tilespmem:s28+$0xFFFFFFF0];
	[tilespmem:v23+s19+$0x0] =	vst.idx.msk $0xffff, v10  }
0x45: {  	v9 =	vmov s0;
	v10 =	vadd.s32 v1, v26;
	[tilespmem:v14+s19+$0x0] =	vst.idx.msk $0xffff, v11;
	v11 =	vld [tilespmem:s28+$0x30];
	v23 =	vmul.f32 $8.000000000e+00, v24  }
0x46: {  	s14 =	sadd.s32 $0x3, s0;
	v9 =	vand.u32 $0x7C, v9;
	v20 =	vmul.f32 $8.000000000e+00, v25;
	[tilespmem:v27+s19+$0x0] =	vst.idx.msk $0xffff, v15;
	v14 =	vld [tilespmem:s28+$0xFFFFFFB0];
	v15 =	vadd.s32 v3, v6;
	v6 =	vmovc v21;
	s28 =	smov.u32 s29;
	s29 =	sadd.s32 $0x100, s29  }
0x47: {  	v22 =	vmov s14;
	v17 =	vadd.s32 v3, v7;
	v7 =	vmovc v26;
	s0 =	sadd.s32 $0x4, s0;
	v19 =	vld [tilespmem:s29+$0x40];
	v21 =	vmul.f32 $8.000000000e+00, v28;
	[tilespmem:v29+s19+$0x0] =	vst.idx.msk $0xffff, v23  }
0x48: {  	s0 =	sadd.s32 $0x1, s1;
	v22 =	vand.u32 $0x7F, v22;
	v28 =	vld [tilespmem:s29+$0xFFFFFF80]  }
0x49: {  	s23 =	sadd.s32 $0x2, s1;
	v24 =	vld [tilespmem:s29+$0xFFFFFFC0];
	v23 =	vmov s0;
	v25 =	vadd.s32 v0, v22  }
0x4a: {  	v27 =	vld [tilespmem:s29+$0x0];
	v51 =	vadd.s32 v0, v9;
	v26 =	vmov s23;
	v23 =	vand.u32 $0x7D, v23  }
0x4b: {  	v26 =	vand.u32 $0x7E, v26;
	v29 =	vadd.s32 v0, v23  }
0x4c: {  	[tilespmem:v18+s19+$0x0] =	vst.idx.msk $0xffff, v20;
	v30 =	vadd.s32 v0, v26;
	v19 =	vmul.f32 $8.000000000e+00, v19  }
0x4d: {  	[tilespmem:v16+s19+$0x0] =	vst.idx.msk $0xffff, v21;
	v54 =	vmul.f32 $8.000000000e+00, v28  }
0x4e: {  	v52 =	vmul.f32 $8.000000000e+00, v24;
	[tilespmem:v25+s19+$0x0] =	vst.idx.msk $0xffff, v19  }
0x4f: {  	v53 =	vmul.f32 $8.000000000e+00, v27;
	v55 =	vld [tilespmem:s29+$0x50];
	[tilespmem:v51+s19+$0x0] =	vst.idx.msk $0xffff, v54  }
0x50: {  	v13 =	vmul.f32 $8.000000000e+00, v13;
	v8 =	vadd.s32 v3, v8;
	[tilespmem:v29+s19+$0x0] =	vst.idx.msk $0xffff, v52;
	v59 =	vld [tilespmem:s29+$0xFFFFFF90]  }
0x51: {  	v12 =	vmul.f32 $8.000000000e+00, v12;
	v57 =	vadd.s32 v1, v22;
	[tilespmem:v30+s19+$0x0] =	vst.idx.msk $0xffff, v53;
	v56 =	vld [tilespmem:s29+$0xFFFFFFD0]  }
0x52: {  	[tilespmem:v10+s19+$0x0] =	vst.idx.msk $0xffff, v13;
	v58 =	vmul.f32 $8.000000000e+00, v11;
	v28 =	vadd.s32 v1, v9;
	v19 =	vld [tilespmem:s29+$0x10]  }
0x53: {  	v61 =	vld [tilespmem:s28+$0x60];
	v60 =	vadd.s32 v1, v23;
	v14 =	vmul.f32 $8.000000000e+00, v14;
	[tilespmem:v15+s19+$0x0] =	vst.idx.msk $0xffff, v12  }
0x54: {  	v32 =	vld [tilespmem:s28+$0xFFFFFFA0];
	v62 =	vadd.s32 v1, v26;
	[tilespmem:v17+s19+$0x0] =	vst.idx.msk $0xffff, v58;
	v16 =	vmul.f32 $8.000000000e+00, v55  }
0x55: {  	[tilespmem:v8+s19+$0x0] =	vst.idx.msk $0xffff, v14;
	v29 =	vadd.s32 v2, v5;
	v30 =	vld [tilespmem:s28+$0x20];
	v11 =	vmul.f32 $8.000000000e+00, v59  }
0x56: {  	v38 =	vadd.s32 v2, v4;
	v63 =	vld [tilespmem:s28+$0xFFFFFFE0];
	v31 =	vmul.f32 $8.000000000e+00, v56;
	[tilespmem:v57+s19+$0x0] =	vst.idx.msk $0xffff, v16  }
0x57: {  	v35 =	vadd.s32 v2, v7;
	v34 =	vmul.f32 $8.000000000e+00, v19;
	v36 =	vld [tilespmem:s29+$0x60];
	[tilespmem:v28+s19+$0x0] =	vst.idx.msk $0xffff, v11  }
0x58: {  	v33 =	vadd.s32 v2, v6;
	v37 =	vmul.f32 $8.000000000e+00, v61;
	[tilespmem:v60+s19+$0x0] =	vst.idx.msk $0xffff, v31;
	v43 =	vld [tilespmem:s29+$0xFFFFFFA0]  }
0x59: {  	v40 =	vadd.s32 v2, v22;
	v14 =	vmul.f32 $8.000000000e+00, v32;
	[tilespmem:v62+s19+$0x0] =	vst.idx.msk $0xffff, v34;
	v39 =	vld [tilespmem:s29+$0xFFFFFFE0]  }
0x5a: {  	v48 =	vadd.s32 v2, v9;
	[tilespmem:v29+s19+$0x0] =	vst.idx.msk $0xffff, v37;
	v42 =	vmul.f32 $8.000000000e+00, v30;
	v41 =	vld [tilespmem:s29+$0x20]  }
0x5b: {  	v44 =	vadd.s32 v2, v23;
	v15 =	vmul.f32 $8.000000000e+00, v63;
	[tilespmem:v38+s19+$0x0] =	vst.idx.msk $0xffff, v14;
	v45 =	vld [tilespmem:s28+$0x70]  }
0x5c: {  	v46 =	vadd.s32 v2, v26;
	v14 =	vld [tilespmem:s28+$0xFFFFFFB0];
	[tilespmem:v35+s19+$0x0] =	vst.idx.msk $0xffff, v42;
	v47 =	vmul.f32 $8.000000000e+00, v36  }
0x5d: {  	v5 =	vadd.s32 v3, v5;
	[tilespmem:v33+s19+$0x0] =	vst.idx.msk $0xffff, v15;
	v49 =	vld [tilespmem:s28+$0x30];
	v53 =	vmul.f32 $8.000000000e+00, v43  }
0x5e: {  	v4 =	vadd.s32 v3, v4;
	v21 =	vld [tilespmem:s28+$0xFFFFFFF0];
	v12 =	vmul.f32 $8.000000000e+00, v39;
	[tilespmem:v40+s19+$0x0] =	vst.idx.msk $0xffff, v47  }
0x5f: {  	v52 =	vadd.s32 v3, v7;
	v51 =	vmul.f32 $8.000000000e+00, v41;
	v10 =	vld [tilespmem:s29+$0x70];
	[tilespmem:v48+s19+$0x0] =	vst.idx.msk $0xffff, v53  }
0x60: {  	v50 =	vadd.s32 v3, v6;
	v54 =	vmul.f32 $8.000000000e+00, v45;
	[tilespmem:v44+s19+$0x0] =	vst.idx.msk $0xffff, v12;
	v59 =	vld [tilespmem:s29+$0xFFFFFFB0]  }
0x61: {  	v57 =	vadd.s32 v3, v22;
	v14 =	vmul.f32 $8.000000000e+00, v14;
	[tilespmem:v46+s19+$0x0] =	vst.idx.msk $0xffff, v51;
	v55 =	vld [tilespmem:s29+$0xFFFFFFF0]  }
0x62: {  	v62 =	vadd.s32 v3, v9;
	[tilespmem:v5+s19+$0x0] =	vst.idx.msk $0xffff, v54;
	v5 =	vmul.f32 $8.000000000e+00, v49;
	v58 =	vld [tilespmem:s29+$0x30]  }
0x63: {  	v56 =	vmul.f32 $8.000000000e+00, v21;
	v60 =	vadd.s32 v3, v23;
	[tilespmem:v4+s19+$0x0] =	vst.idx.msk $0xffff, v14  }
0x64: {  	v61 =	vadd.s32 v3, v26;
	[tilespmem:v52+s19+$0x0] =	vst.idx.msk $0xffff, v5;
	v5 =	vmul.f32 $8.000000000e+00, v10  }
0x65: {  	[tilespmem:v50+s19+$0x0] =	vst.idx.msk $0xffff, v56;
	v63 =	vmul.f32 $8.000000000e+00, v59  }
0x66: {  	v4 =	vmul.f32 $8.000000000e+00, v55;
	[tilespmem:v57+s19+$0x0] =	vst.idx.msk $0xffff, v5  }
0x67: {  	v5 =	vmul.f32 $8.000000000e+00, v58;
	[tilespmem:v62+s19+$0x0] =	vst.idx.msk $0xffff, v63  }
0x68: {  	[tilespmem:v60+s19+$0x0] =	vst.idx.msk $0xffff, v4  }
0x69: {  	s30 =	simm.s32 $0x100;
	[tilespmem:v61+s19+$0x0] =	vst.idx.msk $0xffff, v5  }
0x6a: {  	[tilespmem:s16], [sflag:$0x1] =	stream.indirect.gather [hbm4b:s4+s13], $0x40, s30, s13, $0xb8;
	[tilespmem:$0xE800] =	vst v63  }
0x6b: {  	s31 =	simm.s32 $0xA400  }
0x6c: {  	[hbm4b:s7+s3] =	stream.linear.scatter [tilespmem:s31], [sflag:$0x3], $0x80, $0x38;
	[tilespmem:$0xE800] =	vst v63  }
0x6d: {  	s1 =	simm.s32 $0xA488;
	s14 =	sadd.s32 $0x10, s7  }
0x6e: {  	[hbm4b:s14+s3] =	stream.linear.scatter [tilespmem:s1], [sflag:$0x3], $0x80, $0x38;
	[tilespmem:$0xE800] =	vst v63  }
0x6f: {  	s20 =	simm.s32 $0xA510;
	s23 =	sadd.s32 $0x20, s7;
	s0 =	simm.s32 $0x440  }
0x70: {  	[hbm4b:s23+s3] =	stream.linear.scatter [tilespmem:s20], [sflag:$0x3], $0x80, $0x38;
	[tilespmem:$0xE800] =	vst v63  }
0x71: {  	s28 =	simm.s32 $0xA7B8;
	s30 =	simm.s32 $0xA598;
	s31 =	sadd.s32 $0x30, s7  }
0x72: {  	[hbm4b:s31+s3] =	stream.linear.scatter [tilespmem:s30], [sflag:$0x3], $0x80, $0x38;
	[tilespmem:$0xE800] =	vst v63  }
0x73: {  	s29 =	sadd.s32 $0x70, s7;
	s1 =	simm.s32 $0xA620;
	s14 =	sadd.s32 $0x40, s7  }
0x74: {  	[hbm4b:s14+s3] =	stream.linear.scatter [tilespmem:s1], [sflag:$0x3], $0x80, $0x38;
	[tilespmem:$0xE800] =	vst v63  }
0x75: {  	s20 =	simm.s32 $0xA6A8;
	s23 =	sadd.s32 $0x50, s7;
	s30 =	simm.s32 $0xA730  }
0x76: {  	[hbm4b:s23+s3] =	stream.linear.scatter [tilespmem:s20], [sflag:$0x3], $0x80, $0x38;
	[tilespmem:$0xE800] =	vst v63  }
0x77: {  	s31 =	sadd.s32 $0x60, s7;
	s14 =	simm.s32 $0x2200;
	s1 =	sadd.s32 $0x1000, s7  }
0x78: {  	[hbm4b:s31+s3] =	stream.linear.scatter [tilespmem:s30], [sflag:$0x3], $0x80, $0x38;
	[tilespmem:$0xE800] =	vst v63  }
.LBB2_4:
0x79: {  	[hbm4b:s29+s3] =	stream.linear.scatter [tilespmem:s28], [sflag:$0x3], $0x80, $0x38;
	[tilespmem:$0xE800] =	vst v63  }
0x7a: {  	s20 =	smov.u32 s0;
	s0 =	smov.u32 s14  }
0x7b: {  	s30 =	sadd.s32 $0x1100, s14;
	s0 =	sshra.s32 s0, $0x2;
	s28 =	sadd.s32 $0xA400, s20  }
0x7c: {  	[hbm4b:s1+s3] =	stream.linear.scatter [tilespmem:s28], [sflag:$0x3], $0x80, $0x38;
	[tilespmem:$0xE800] =	vst v63  }
0x7d: {  	p0 =	sne.s32 s14, $0x7700;
	s14 =	sadd.s32 $0xA488, s20;
	s28 =	sadd.s32 $0x10, s1  }
0x7e: {  	[hbm4b:s28+s3] =	stream.linear.scatter [tilespmem:s14], [sflag:$0x3], $0x80, $0x38;
	[tilespmem:$0xE800] =	vst v63  }
0x7f: {  	s14 =	sadd.s32 $0xA510, s20;
	s28 =	sadd.s32 $0x20, s1  }
0x80: {  	[hbm4b:s28+s3] =	stream.linear.scatter [tilespmem:s14], [sflag:$0x3], $0x80, $0x38;
	[tilespmem:$0xE800] =	vst v63  }
0x81: {  	s14 =	sadd.s32 $0xA598, s20;
	s28 =	sadd.s32 $0x30, s1  }
0x82: {  	[hbm4b:s28+s3] =	stream.linear.scatter [tilespmem:s14], [sflag:$0x3], $0x80, $0x38;
	[tilespmem:$0xE800] =	vst v63  }
0x83: {  	s14 =	sadd.s32 $0xA620, s20;
	s28 =	sadd.s32 $0x40, s1  }
0x84: {  	[hbm4b:s28+s3] =	stream.linear.scatter [tilespmem:s14], [sflag:$0x3], $0x80, $0x38;
	[tilespmem:$0xE800] =	vst v63  }
.Ltmp1:
0x85: {  	s14 =	sadd.s32 $0xA6A8, s20;
	s28 =	sadd.s32 $0x50, s1;
	(pc) =	sbr.rel @p0 .LBB2_4-.Ltmp1, $4  }
0x86: {  	[hbm4b:s28+s3] =	stream.linear.scatter [tilespmem:s14], [sflag:$0x3], $0x80, $0x38;
	[tilespmem:$0xE800] =	vst v63  }
0x87: {  	s29 =	sadd.s32 $0x70, s1;
	s14 =	sadd.s32 $0xA730, s20;
	s28 =	sadd.s32 $0x60, s1  }
0x88: {  	[hbm4b:s28+s3] =	stream.linear.scatter [tilespmem:s14], [sflag:$0x3], $0x80, $0x38;
	[tilespmem:$0xE800] =	vst v63  }
0x89: {  	s1 =	sadd.s32 $0x1000, s1;
	s28 =	sadd.s32 $0xA7B8, s20;
	s14 =	smov.u32 s30  }
0x8a: {  	[hbm4b:s29+s3] =	stream.linear.scatter [tilespmem:s28], [sflag:$0x3], $0x80, $0x38;
	[tilespmem:$0xE800] =	vst v63  }
0x8b: {  	s14 =	sadd.s32 $0xA400, s0  }
0x8c: {  	[hbm4b:s1+s3] =	stream.linear.scatter [tilespmem:s14], [sflag:$0x3], $0x80, $0x38;
	[tilespmem:$0xE800] =	vst v63  }
0x8d: {  	s31 =	sadd.s32 $0xA488, s0;
	s20 =	sadd.s32 $0x10, s1  }
0x8e: {  	[hbm4b:s20+s3] =	stream.linear.scatter [tilespmem:s31], [sflag:$0x3], $0x80, $0x38;
	[tilespmem:$0xE800] =	vst v63  }
0x8f: {  	s23 =	sadd.s32 $0x20, s1;
	s20 =	sadd.s32 $0xA510, s0  }
0x90: {  	[hbm4b:s23+s3] =	stream.linear.scatter [tilespmem:s20], [sflag:$0x3], $0x80, $0x38;
	[tilespmem:$0xE800] =	vst v63  }
0x91: {  	s30 =	sadd.s32 $0xA598, s0;
	s31 =	sadd.s32 $0x30, s1  }
0x92: {  	[hbm4b:s31+s3] =	stream.linear.scatter [tilespmem:s30], [sflag:$0x3], $0x80, $0x38;
	[tilespmem:$0xE800] =	vst v63  }
0x93: {  	s20 =	sadd.s32 $0xA620, s0;
	s23 =	sadd.s32 $0x40, s1  }
0x94: {  	[hbm4b:s23+s3] =	stream.linear.scatter [tilespmem:s20], [sflag:$0x3], $0x80, $0x38;
	[tilespmem:$0xE800] =	vst v63  }
0x95: {  	s30 =	sadd.s32 $0xA6A8, s0;
	s31 =	sadd.s32 $0x50, s1  }
0x96: {  	[hbm4b:s31+s3] =	stream.linear.scatter [tilespmem:s30], [sflag:$0x3], $0x80, $0x38;
	[tilespmem:$0xE800] =	vst v63  }
0x97: {  	s23 =	sadd.s32 $0xA730, s0;
	s30 =	sadd.s32 $0x60, s1  }
0x98: {  	[hbm4b:s30+s3] =	stream.linear.scatter [tilespmem:s23], [sflag:$0x3], $0x80, $0x38;
	[tilespmem:$0xE800] =	vst v63  }
0x99: {  	s14 =	sadd.s32 $0x70, s1;
	s31 =	sadd.s32 $0xA7B8, s0  }
0x9a: {  	[hbm4b:s14+s3] =	stream.linear.scatter [tilespmem:s31], [sflag:$0x3], $0x80, $0x38;
	[tilespmem:$0xE800] =	vst v63  }
0x9b: {  	_ =	swait.ge [sflag:s21], $0x2000  }
0x9c: {  	[sflag:s21] =	ssyncset.done $0x0  }
0x9d: {  	s20 =	simm.s32 $0x3;
	s0 =	simm.s32 $0x8480;
	[sflag:s21] =	ssyncadd.s32 $0xFFFFE000  }
0x9e: {  	v4 =	vmov s20;
	v5 =	vld [tilespmem:s0+$0x40]  }
0x9f: {  	v9 =	vand.u32 $0x7F, v4  }
0xa0: {  	v4 =	vadd.s32 v0, v9;
	s23 =	simm.s32 $0x0  }
0xa1: {  	s30 =	simm.s32 $0x1;
	v6 =	vmov s23;
	s31 =	simm.s32 $0x2;
	v7 =	vld [tilespmem:s0+$0xFFFFFF80]  }
0xa2: {  	v8 =	vand.u32 $0x7C, v6;
	v6 =	vmov s30;
	v11 =	vmov s31;
	v10 =	vld [tilespmem:s0+$0xFFFFFFC0]  }
0xa3: {  	v12 =	vadd.s32 v0, v8;
	v15 =	vand.u32 $0x7D, v6;
	v6 =	vld [tilespmem:s0+$0x0];
	v5 =	vmul.f32 $8.000000000e+00, v5  }
0xa4: {  	v13 =	vadd.s32 v0, v15;
	v17 =	vand.u32 $0x7E, v11  }
0xa5: {  	v11 =	vadd.s32 v0, v17;
	[tilespmem:v4+s22+$0x0] =	vst.idx.msk $0xffff, v5  }
0xa6: {  	v4 =	vmul.f32 $8.000000000e+00, v7;
	v5 =	vld [tilespmem:s0+$0x50]  }
0xa7: {  	v7 =	vmul.f32 $8.000000000e+00, v10  }
0xa8: {  	[tilespmem:v12+s22+$0x0] =	vst.idx.msk $0xffff, v4;
	v4 =	vmul.f32 $8.000000000e+00, v6;
	v6 =	vadd.s32 v1, v9  }
0xa9: {  	[tilespmem:v13+s22+$0x0] =	vst.idx.msk $0xffff, v7;
	v10 =	vld [tilespmem:s0+$0xFFFFFF90]  }
0xaa: {  	v7 =	vld [tilespmem:s0+$0xFFFFFFD0];
	[tilespmem:v11+s22+$0x0] =	vst.idx.msk $0xffff, v4  }
0xab: {  	v11 =	vld [tilespmem:s0+$0x10];
	v4 =	vmul.f32 $8.000000000e+00, v5  }
0xac: {  	s28 =	simm.s32 $0x8580;
	s20 =	simm.s32 $0x7;
	s14 =	simm.s32 $0x4;
	v12 =	vadd.s32 v1, v15  }
0xad: {  	v14 =	vld [tilespmem:s28+$0x40];
	v13 =	vadd.s32 v1, v17;
	v5 =	vmov s14;
	[tilespmem:v6+s22+$0x0] =	vst.idx.msk $0xffff, v4;
	v6 =	vmov s20  }
0xae: {  	v16 =	vadd.s32 v1, v8;
	v4 =	vand.u32 $0x7C, v5;
	v5 =	vand.u32 $0x7F, v6;
	v18 =	vld [tilespmem:s0+$0x60]  }
0xaf: {  	v22 =	vadd.s32 v2, v9;
	s23 =	simm.s32 $0x5;
	v19 =	vld [tilespmem:s28+$0xFFFFFF80];
	v6 =	vmul.f32 $8.000000000e+00, v7;
	v20 =	vadd.s32 v0, v5  }
0xb0: {  	s30 =	simm.s32 $0x6;
	v21 =	vld [tilespmem:s28+$0xFFFFFFC0];
	v10 =	vmul.f32 $8.000000000e+00, v10;
	v7 =	vmul.f32 $8.000000000e+00, v11;
	v11 =	vmov s23  }
0xb1: {  	v23 =	vadd.s32 v0, v4;
	[tilespmem:v12+s22+$0x0] =	vst.idx.msk $0xffff, v6;
	v12 =	vmov s30;
	v6 =	vand.u32 $0x7D, v11;
	v11 =	vld [tilespmem:s28+$0x0]  }
0xb2: {  	[tilespmem:v13+s22+$0x0] =	vst.idx.msk $0xffff, v7;
	v13 =	vadd.s32 v0, v6;
	v7 =	vand.u32 $0x7E, v12;
	v12 =	vmul.f32 $8.000000000e+00, v14;
	v14 =	vld [tilespmem:s0+$0xFFFFFFE0]  }
0xb3: {  	[tilespmem:v16+s22+$0x0] =	vst.idx.msk $0xffff, v10;
	v10 =	vadd.s32 v0, v7;
	v16 =	vld [tilespmem:s0+$0x20];
	v18 =	vmul.f32 $8.000000000e+00, v18  }
0xb4: {  	v19 =	vmul.f32 $8.000000000e+00, v19;
	[tilespmem:v20+s22+$0x0] =	vst.idx.msk $0xffff, v12;
	v12 =	vld [tilespmem:s0+$0xFFFFFFA0];
	v20 =	vadd.s32 v2, v15  }
0xb5: {  	v25 =	vadd.s32 v2, v17;
	v21 =	vmul.f32 $8.000000000e+00, v21;
	v24 =	vld [tilespmem:s28+$0x50];
	[tilespmem:v22+s22+$0x0] =	vst.idx.msk $0xffff, v18  }
0xb6: {  	[tilespmem:v23+s22+$0x0] =	vst.idx.msk $0xffff, v19;
	v19 =	vadd.s32 v2, v8;
	v11 =	vmul.f32 $8.000000000e+00, v11;
	v22 =	vld [tilespmem:s0+$0x70]  }
0xb7: {  	v23 =	vld [tilespmem:s28+$0xFFFFFF90];
	[tilespmem:v13+s22+$0x0] =	vst.idx.msk $0xffff, v21;
	v21 =	vadd.s32 v1, v5;
	v14 =	vmul.f32 $8.000000000e+00, v14  }
0xb8: {  	v27 =	vadd.s32 v3, v9;
	v26 =	vld [tilespmem:s28+$0xFFFFFFD0];
	[tilespmem:v10+s22+$0x0] =	vst.idx.msk $0xffff, v11;
	v10 =	vmul.f32 $8.000000000e+00, v16  }
0xb9: {  	v18 =	vadd.s32 v1, v4;
	v13 =	vld [tilespmem:s28+$0x10];
	v9 =	vmul.f32 $8.000000000e+00, v12;
	[tilespmem:v20+s22+$0x0] =	vst.idx.msk $0xffff, v14  }
0xba: {  	s1 =	simm.s32 $0x8;
	v16 =	vadd.s32 v1, v6;
	[tilespmem:v25+s22+$0x0] =	vst.idx.msk $0xffff, v10;
	v14 =	vmul.f32 $8.000000000e+00, v24;
	v12 =	vld [tilespmem:s0+$0xFFFFFFF0]  }
0xbb: {  	v20 =	vmov s1;
	v10 =	vadd.s32 v1, v7;
	v11 =	vld [tilespmem:s0+$0x30];
	[tilespmem:v19+s22+$0x0] =	vst.idx.msk $0xffff, v9;
	v63 =	vmul.f32 $8.000000000e+00, v22  }
0xbc: {  	s29 =	simm.s32 $0x8680;
	s31 =	simm.s32 $0xB;
	v15 =	vadd.s32 v3, v15;
	v9 =	vand.u32 $0x7C, v20;
	v20 =	vmul.f32 $8.000000000e+00, v23;
	[tilespmem:v21+s22+$0x0] =	vst.idx.msk $0xffff, v14;
	v14 =	vld [tilespmem:s0+$0xFFFFFFB0]  }
0xbd: {  	v17 =	vadd.s32 v3, v17;
	v22 =	vmov s31;
	v19 =	vld [tilespmem:s29+$0x40];
	s0 =	simm.s32 $0xC;
	v21 =	vmul.f32 $8.000000000e+00, v26;
	[tilespmem:v27+s22+$0x0] =	vst.idx.msk $0xffff, v63  }
.LBB2_6:
0xbe: {  	p0 =	slt.u32 s0, $0x7C;
	s14 =	sadd.s32 $0x1, s1;
	v22 =	vand.u32 $0x7F, v22;
	[tilespmem:v18+s22+$0x0] =	vst.idx.msk $0xffff, v20;
	v13 =	vmul.f32 $8.000000000e+00, v13;
	v18 =	vld [tilespmem:s28+$0x60];
	v20 =	vadd.s32 v3, v8;
	v8 =	vmovc v4  }
0xbf: {  	v4 =	vmovc v9;
	v23 =	vld [tilespmem:s29+$0xFFFFFF80];
	v24 =	vmov s14;
	s14 =	sadd.s32 $0x2, s1;
	v25 =	vadd.s32 v0, v22;
	[tilespmem:v16+s22+$0x0] =	vst.idx.msk $0xffff, v21;
	v12 =	vmul.f32 $8.000000000e+00, v12;
	s1 =	smov.u32 s0  }
0xc0: {  	v9 =	vld [tilespmem:s29+$0xFFFFFFC0];
	v16 =	vmov s14;
	[tilespmem:v10+s22+$0x0] =	vst.idx.msk $0xffff, v13;
	v10 =	vadd.s32 v2, v5;
	v11 =	vmul.f32 $8.000000000e+00, v11  }
0xc1: {  	v13 =	vadd.s32 v0, v4;
	v21 =	vand.u32 $0x7D, v24;
	v24 =	vld [tilespmem:s29+$0x0];
	v14 =	vmul.f32 $8.000000000e+00, v14;
	[tilespmem:v15+s22+$0x0] =	vst.idx.msk $0xffff, v12  }
0xc2: {  	v12 =	vadd.s32 v0, v21;
	v26 =	vand.u32 $0x7E, v16;
	v15 =	vmul.f32 $8.000000000e+00, v19;
	v16 =	vld [tilespmem:s28+$0xFFFFFFE0];
	[tilespmem:v17+s22+$0x0] =	vst.idx.msk $0xffff, v11  }
0xc3: {  	v11 =	vadd.s32 v0, v26;
	v17 =	vld [tilespmem:s28+$0x20];
	v18 =	vmul.f32 $8.000000000e+00, v18;
	[tilespmem:v20+s22+$0x0] =	vst.idx.msk $0xffff, v14  }
0xc4: {  	v19 =	vadd.s32 v2, v6;
	v14 =	vmul.f32 $8.000000000e+00, v23;
	[tilespmem:v25+s22+$0x0] =	vst.idx.msk $0xffff, v15;
	v15 =	vld [tilespmem:s28+$0xFFFFFFA0]  }
0xc5: {  	v23 =	vadd.s32 v2, v7;
	v9 =	vmul.f32 $8.000000000e+00, v9;
	v20 =	vld [tilespmem:s29+$0x50];
	[tilespmem:v10+s22+$0x0] =	vst.idx.msk $0xffff, v18  }
0xc6: {  	[tilespmem:v13+s22+$0x0] =	vst.idx.msk $0xffff, v14;
	v10 =	vmul.f32 $8.000000000e+00, v24;
	v14 =	vadd.s32 v2, v8;
	v24 =	vld [tilespmem:s28+$0x70]  }
0xc7: {  	v27 =	vadd.s32 v1, v22;
	v25 =	vld [tilespmem:s29+$0xFFFFFF90];
	[tilespmem:v12+s22+$0x0] =	vst.idx.msk $0xffff, v9;
	v9 =	vmul.f32 $8.000000000e+00, v16  }
0xc8: {  	v29 =	vadd.s32 v3, v5;
	v5 =	vmov v22;
	v28 =	vld [tilespmem:s29+$0xFFFFFFD0];
	[tilespmem:v11+s22+$0x0] =	vst.idx.msk $0xffff, v10;
	v10 =	vmul.f32 $8.000000000e+00, v17  }
.Ltmp2:
0xc9: {  	v18 =	vadd.s32 v1, v4;
	v13 =	vld [tilespmem:s29+$0x10];
	v11 =	vmul.f32 $8.000000000e+00, v15;
	[tilespmem:v19+s22+$0x0] =	vst.idx.msk $0xffff, v9;
	(pc) =	sbr.rel @p0 .LBB2_6-.Ltmp2, $4  }
0xca: {  	v16 =	vadd.s32 v1, v21;
	v15 =	vmul.f32 $8.000000000e+00, v20;
	v12 =	vld [tilespmem:s28+$0xFFFFFFF0];
	[tilespmem:v23+s22+$0x0] =	vst.idx.msk $0xffff, v10  }
0xcb: {  	v9 =	vmov s0;
	v10 =	vadd.s32 v1, v26;
	[tilespmem:v14+s22+$0x0] =	vst.idx.msk $0xffff, v11;
	v11 =	vld [tilespmem:s28+$0x30];
	v23 =	vmul.f32 $8.000000000e+00, v24  }
0xcc: {  	s14 =	sadd.s32 $0x3, s0;
	v9 =	vand.u32 $0x7C, v9;
	v20 =	vmul.f32 $8.000000000e+00, v25;
	[tilespmem:v27+s22+$0x0] =	vst.idx.msk $0xffff, v15;
	v14 =	vld [tilespmem:s28+$0xFFFFFFB0];
	v15 =	vadd.s32 v3, v6;
	v6 =	vmovc v21;
	s28 =	smov.u32 s29;
	s29 =	sadd.s32 $0x100, s29  }
0xcd: {  	v22 =	vmov s14;
	v17 =	vadd.s32 v3, v7;
	v7 =	vmovc v26;
	s0 =	sadd.s32 $0x4, s0;
	v19 =	vld [tilespmem:s29+$0x40];
	v21 =	vmul.f32 $8.000000000e+00, v28;
	[tilespmem:v29+s22+$0x0] =	vst.idx.msk $0xffff, v23  }
0xce: {  	s0 =	sadd.s32 $0x1, s1;
	v22 =	vand.u32 $0x7F, v22;
	v28 =	vld [tilespmem:s29+$0xFFFFFF80]  }
0xcf: {  	s30 =	sadd.s32 $0x2, s1;
	v24 =	vld [tilespmem:s29+$0xFFFFFFC0];
	v23 =	vmov s0;
	v25 =	vadd.s32 v0, v22  }
0xd0: {  	v27 =	vld [tilespmem:s29+$0x0];
	v51 =	vadd.s32 v0, v9;
	v26 =	vmov s30;
	v23 =	vand.u32 $0x7D, v23  }
0xd1: {  	v26 =	vand.u32 $0x7E, v26;
	v29 =	vadd.s32 v0, v23  }
0xd2: {  	[tilespmem:v18+s22+$0x0] =	vst.idx.msk $0xffff, v20;
	v30 =	vadd.s32 v0, v26;
	v19 =	vmul.f32 $8.000000000e+00, v19  }
0xd3: {  	[tilespmem:v16+s22+$0x0] =	vst.idx.msk $0xffff, v21;
	v54 =	vmul.f32 $8.000000000e+00, v28  }
0xd4: {  	v52 =	vmul.f32 $8.000000000e+00, v24;
	[tilespmem:v25+s22+$0x0] =	vst.idx.msk $0xffff, v19  }
0xd5: {  	v53 =	vmul.f32 $8.000000000e+00, v27;
	v55 =	vld [tilespmem:s29+$0x50];
	[tilespmem:v51+s22+$0x0] =	vst.idx.msk $0xffff, v54  }
0xd6: {  	v13 =	vmul.f32 $8.000000000e+00, v13;
	v8 =	vadd.s32 v3, v8;
	[tilespmem:v29+s22+$0x0] =	vst.idx.msk $0xffff, v52;
	v59 =	vld [tilespmem:s29+$0xFFFFFF90]  }
0xd7: {  	v12 =	vmul.f32 $8.000000000e+00, v12;
	v57 =	vadd.s32 v1, v22;
	[tilespmem:v30+s22+$0x0] =	vst.idx.msk $0xffff, v53;
	v56 =	vld [tilespmem:s29+$0xFFFFFFD0]  }
0xd8: {  	[tilespmem:v10+s22+$0x0] =	vst.idx.msk $0xffff, v13;
	v58 =	vmul.f32 $8.000000000e+00, v11;
	v28 =	vadd.s32 v1, v9;
	v19 =	vld [tilespmem:s29+$0x10]  }
0xd9: {  	v61 =	vld [tilespmem:s28+$0x60];
	v60 =	vadd.s32 v1, v23;
	v14 =	vmul.f32 $8.000000000e+00, v14;
	[tilespmem:v15+s22+$0x0] =	vst.idx.msk $0xffff, v12  }
0xda: {  	v32 =	vld [tilespmem:s28+$0xFFFFFFA0];
	v62 =	vadd.s32 v1, v26;
	[tilespmem:v17+s22+$0x0] =	vst.idx.msk $0xffff, v58;
	v16 =	vmul.f32 $8.000000000e+00, v55  }
0xdb: {  	[tilespmem:v8+s22+$0x0] =	vst.idx.msk $0xffff, v14;
	v29 =	vadd.s32 v2, v5;
	v30 =	vld [tilespmem:s28+$0x20];
	v11 =	vmul.f32 $8.000000000e+00, v59  }
0xdc: {  	v38 =	vadd.s32 v2, v4;
	v63 =	vld [tilespmem:s28+$0xFFFFFFE0];
	v31 =	vmul.f32 $8.000000000e+00, v56;
	[tilespmem:v57+s22+$0x0] =	vst.idx.msk $0xffff, v16  }
0xdd: {  	v35 =	vadd.s32 v2, v7;
	v34 =	vmul.f32 $8.000000000e+00, v19;
	v36 =	vld [tilespmem:s29+$0x60];
	[tilespmem:v28+s22+$0x0] =	vst.idx.msk $0xffff, v11  }
0xde: {  	v33 =	vadd.s32 v2, v6;
	v37 =	vmul.f32 $8.000000000e+00, v61;
	[tilespmem:v60+s22+$0x0] =	vst.idx.msk $0xffff, v31;
	v43 =	vld [tilespmem:s29+$0xFFFFFFA0]  }
0xdf: {  	v40 =	vadd.s32 v2, v22;
	v14 =	vmul.f32 $8.000000000e+00, v32;
	[tilespmem:v62+s22+$0x0] =	vst.idx.msk $0xffff, v34;
	v39 =	vld [tilespmem:s29+$0xFFFFFFE0]  }
0xe0: {  	v48 =	vadd.s32 v2, v9;
	[tilespmem:v29+s22+$0x0] =	vst.idx.msk $0xffff, v37;
	v42 =	vmul.f32 $8.000000000e+00, v30;
	v41 =	vld [tilespmem:s29+$0x20]  }
0xe1: {  	v44 =	vadd.s32 v2, v23;
	v15 =	vmul.f32 $8.000000000e+00, v63;
	[tilespmem:v38+s22+$0x0] =	vst.idx.msk $0xffff, v14;
	v45 =	vld [tilespmem:s28+$0x70]  }
0xe2: {  	v46 =	vadd.s32 v2, v26;
	v14 =	vld [tilespmem:s28+$0xFFFFFFB0];
	[tilespmem:v35+s22+$0x0] =	vst.idx.msk $0xffff, v42;
	v47 =	vmul.f32 $8.000000000e+00, v36  }
0xe3: {  	v5 =	vadd.s32 v3, v5;
	[tilespmem:v33+s22+$0x0] =	vst.idx.msk $0xffff, v15;
	v49 =	vld [tilespmem:s28+$0x30];
	v53 =	vmul.f32 $8.000000000e+00, v43  }
0xe4: {  	v4 =	vadd.s32 v3, v4;
	v21 =	vld [tilespmem:s28+$0xFFFFFFF0];
	v12 =	vmul.f32 $8.000000000e+00, v39;
	[tilespmem:v40+s22+$0x0] =	vst.idx.msk $0xffff, v47  }
0xe5: {  	v52 =	vadd.s32 v3, v7;
	v51 =	vmul.f32 $8.000000000e+00, v41;
	v10 =	vld [tilespmem:s29+$0x70];
	[tilespmem:v48+s22+$0x0] =	vst.idx.msk $0xffff, v53  }
0xe6: {  	v50 =	vadd.s32 v3, v6;
	v54 =	vmul.f32 $8.000000000e+00, v45;
	[tilespmem:v44+s22+$0x0] =	vst.idx.msk $0xffff, v12;
	v59 =	vld [tilespmem:s29+$0xFFFFFFB0]  }
0xe7: {  	v57 =	vadd.s32 v3, v22;
	v14 =	vmul.f32 $8.000000000e+00, v14;
	[tilespmem:v46+s22+$0x0] =	vst.idx.msk $0xffff, v51;
	v55 =	vld [tilespmem:s29+$0xFFFFFFF0]  }
0xe8: {  	v62 =	vadd.s32 v3, v9;
	[tilespmem:v5+s22+$0x0] =	vst.idx.msk $0xffff, v54;
	v5 =	vmul.f32 $8.000000000e+00, v49;
	v58 =	vld [tilespmem:s29+$0x30]  }
0xe9: {  	v56 =	vmul.f32 $8.000000000e+00, v21;
	v60 =	vadd.s32 v3, v23;
	[tilespmem:v4+s22+$0x0] =	vst.idx.msk $0xffff, v14  }
0xea: {  	v61 =	vadd.s32 v3, v26;
	[tilespmem:v52+s22+$0x0] =	vst.idx.msk $0xffff, v5;
	v5 =	vmul.f32 $8.000000000e+00, v10  }
0xeb: {  	[tilespmem:v50+s22+$0x0] =	vst.idx.msk $0xffff, v56;
	v63 =	vmul.f32 $8.000000000e+00, v59  }
0xec: {  	v4 =	vmul.f32 $8.000000000e+00, v55;
	[tilespmem:v57+s22+$0x0] =	vst.idx.msk $0xffff, v5  }
0xed: {  	v5 =	vmul.f32 $8.000000000e+00, v58;
	[tilespmem:v62+s22+$0x0] =	vst.idx.msk $0xffff, v63  }
0xee: {  	[tilespmem:v60+s22+$0x0] =	vst.idx.msk $0xffff, v4  }
0xef: {  	s31 =	simm.s32 $0x180;
	[tilespmem:v61+s22+$0x0] =	vst.idx.msk $0xffff, v5  }
0xf0: {  	[tilespmem:s17], [sflag:$0x2] =	stream.indirect.gather [hbm4b:s4+s13], $0x40, s31, s13, $0xb8;
	[tilespmem:$0xE800] =	vst v63  }
0xf1: {  	s1 =	simm.s32 $0xC600  }
0xf2: {  	[hbm4b:s9+s3] =	stream.linear.scatter [tilespmem:s1], [sflag:$0x4], $0x80, $0x38;
	[tilespmem:$0xE800] =	vst v63  }
0xf3: {  	s14 =	simm.s32 $0xC688;
	s20 =	sadd.s32 $0x10, s9  }
0xf4: {  	[hbm4b:s20+s3] =	stream.linear.scatter [tilespmem:s14], [sflag:$0x4], $0x80, $0x38;
	[tilespmem:$0xE800] =	vst v63  }
0xf5: {  	s23 =	simm.s32 $0xC710;
	s30 =	simm.s32 $0xC798;
	s29 =	sadd.s32 $0x20, s9  }
0xf6: {  	[hbm4b:s29+s3] =	stream.linear.scatter [tilespmem:s23], [sflag:$0x4], $0x80, $0x38;
	[tilespmem:$0xE800] =	vst v63  }
0xf7: {  	s0 =	simm.s32 $0x440;
	s28 =	simm.s32 $0xC9B8;
	s31 =	sadd.s32 $0x30, s9  }
0xf8: {  	[hbm4b:s31+s3] =	stream.linear.scatter [tilespmem:s30], [sflag:$0x4], $0x80, $0x38;
	[tilespmem:$0xE800] =	vst v63  }
0xf9: {  	s1 =	sadd.s32 $0x1000, s9;
	s14 =	simm.s32 $0xC820;
	s20 =	sadd.s32 $0x40, s9  }
0xfa: {  	[hbm4b:s20+s3] =	stream.linear.scatter [tilespmem:s14], [sflag:$0x4], $0x80, $0x38;
	[tilespmem:$0xE800] =	vst v63  }
0xfb: {  	s23 =	simm.s32 $0xC8A8;
	s29 =	sadd.s32 $0x50, s9;
	s30 =	simm.s32 $0xC930  }
0xfc: {  	[hbm4b:s29+s3] =	stream.linear.scatter [tilespmem:s23], [sflag:$0x4], $0x80, $0x38;
	[tilespmem:$0xE800] =	vst v63  }
0xfd: {  	s31 =	sadd.s32 $0x60, s9;
	s14 =	simm.s32 $0x2200;
	s20 =	sadd.s32 $0x70, s9  }
0xfe: {  	[hbm4b:s31+s3] =	stream.linear.scatter [tilespmem:s30], [sflag:$0x4], $0x80, $0x38;
	[tilespmem:$0xE800] =	vst v63  }
.LBB2_8:
0xff: {  	[hbm4b:s20+s3] =	stream.linear.scatter [tilespmem:s28], [sflag:$0x4], $0x80, $0x38;
	[tilespmem:$0xE800] =	vst v63  }
0x100: {  	s20 =	smov.u32 s0;
	s0 =	smov.u32 s14  }
0x101: {  	s29 =	sadd.s32 $0x1100, s14;
	s0 =	sshra.s32 s0, $0x2;
	s28 =	sadd.s32 $0xC600, s20  }
0x102: {  	[hbm4b:s1+s3] =	stream.linear.scatter [tilespmem:s28], [sflag:$0x4], $0x80, $0x38;
	[tilespmem:$0xE800] =	vst v63  }
0x103: {  	p0 =	sne.s32 s14, $0x7700;
	s14 =	sadd.s32 $0xC688, s20;
	s28 =	sadd.s32 $0x10, s1  }
0x104: {  	[hbm4b:s28+s3] =	stream.linear.scatter [tilespmem:s14], [sflag:$0x4], $0x80, $0x38;
	[tilespmem:$0xE800] =	vst v63  }
0x105: {  	s14 =	sadd.s32 $0xC710, s20;
	s28 =	sadd.s32 $0x20, s1  }
0x106: {  	[hbm4b:s28+s3] =	stream.linear.scatter [tilespmem:s14], [sflag:$0x4], $0x80, $0x38;
	[tilespmem:$0xE800] =	vst v63  }
0x107: {  	s14 =	sadd.s32 $0xC798, s20;
	s28 =	sadd.s32 $0x30, s1  }
0x108: {  	[hbm4b:s28+s3] =	stream.linear.scatter [tilespmem:s14], [sflag:$0x4], $0x80, $0x38;
	[tilespmem:$0xE800] =	vst v63  }
0x109: {  	s14 =	sadd.s32 $0xC820, s20;
	s28 =	sadd.s32 $0x40, s1  }
0x10a: {  	[hbm4b:s28+s3] =	stream.linear.scatter [tilespmem:s14], [sflag:$0x4], $0x80, $0x38;
	[tilespmem:$0xE800] =	vst v63  }
0x10b: {  	s14 =	sadd.s32 $0xC8A8, s20;
	s28 =	sadd.s32 $0x50, s1  }
0x10c: {  	[hbm4b:s28+s3] =	stream.linear.scatter [tilespmem:s14], [sflag:$0x4], $0x80, $0x38;
	[tilespmem:$0xE800] =	vst v63  }
.Ltmp3:
0x10d: {  	_ = 	snop;
	(pc) =	sbr.rel @p0 .LBB2_8-.Ltmp3, $4  }
0x10e: {  	s14 =	sadd.s32 $0xC930, s20;
	s28 =	sadd.s32 $0x60, s1  }
0x10f: {  	[hbm4b:s28+s3] =	stream.linear.scatter [tilespmem:s14], [sflag:$0x4], $0x80, $0x38;
	[tilespmem:$0xE800] =	vst v63  }
0x110: {  	s28 =	sadd.s32 $0xC9B8, s20  }
0x111: {  	s20 =	sadd.s32 $0x70, s1;
	s1 =	sadd.s32 $0x1000, s1;
	s14 =	smov.u32 s29  }
0x112: {  	[hbm4b:s20+s3] =	stream.linear.scatter [tilespmem:s28], [sflag:$0x4], $0x80, $0x38;
	[tilespmem:$0xE800] =	vst v63  }
0x113: {  	s14 =	sadd.s32 $0xC600, s0  }
0x114: {  	[hbm4b:s1+s3] =	stream.linear.scatter [tilespmem:s14], [sflag:$0x4], $0x80, $0x38;
	[tilespmem:$0xE800] =	vst v63  }
0x115: {  	s30 =	sadd.s32 $0xC688, s0;
	s31 =	sadd.s32 $0x10, s1  }
0x116: {  	[hbm4b:s31+s3] =	stream.linear.scatter [tilespmem:s30], [sflag:$0x4], $0x80, $0x38;
	[tilespmem:$0xE800] =	vst v63  }
0x117: {  	s23 =	sadd.s32 $0xC710, s0;
	s29 =	sadd.s32 $0x20, s1  }
0x118: {  	[hbm4b:s29+s3] =	stream.linear.scatter [tilespmem:s23], [sflag:$0x4], $0x80, $0x38;
	[tilespmem:$0xE800] =	vst v63  }
0x119: {  	s30 =	sadd.s32 $0xC798, s0;
	s31 =	sadd.s32 $0x30, s1  }
0x11a: {  	[hbm4b:s31+s3] =	stream.linear.scatter [tilespmem:s30], [sflag:$0x4], $0x80, $0x38;
	[tilespmem:$0xE800] =	vst v63  }
0x11b: {  	s23 =	sadd.s32 $0xC820, s0;
	s29 =	sadd.s32 $0x40, s1  }
0x11c: {  	[hbm4b:s29+s3] =	stream.linear.scatter [tilespmem:s23], [sflag:$0x4], $0x80, $0x38;
	[tilespmem:$0xE800] =	vst v63  }
0x11d: {  	s30 =	sadd.s32 $0xC8A8, s0;
	s31 =	sadd.s32 $0x50, s1  }
0x11e: {  	[hbm4b:s31+s3] =	stream.linear.scatter [tilespmem:s30], [sflag:$0x4], $0x80, $0x38;
	[tilespmem:$0xE800] =	vst v63  }
0x11f: {  	s23 =	sadd.s32 $0xC930, s0;
	s29 =	sadd.s32 $0x60, s1  }
0x120: {  	[hbm4b:s29+s3] =	stream.linear.scatter [tilespmem:s23], [sflag:$0x4], $0x80, $0x38;
	[tilespmem:$0xE800] =	vst v63  }
0x121: {  	s28 =	simm.s32 $0x1;
	s30 =	sadd.s32 $0xC9B8, s0;
	s31 =	sadd.s32 $0x70, s1  }
0x122: {  	[hbm4b:s31+s3] =	stream.linear.scatter [tilespmem:s30], [sflag:$0x4], $0x80, $0x38;
	[tilespmem:$0xE800] =	vst v63  }
.LBB2_10:
0x123: {  	_ =	swait.ge [sflag:s18], $0x2000  }
0x124: {  	[sflag:s18] =	ssyncset.done $0x0  }
0x125: {  	[sflag:s18] =	ssyncadd.s32 $0xFFFFE000  }
0x126: {  	_ =	swait.ge [sflag:s24], $0x2000  }
0x127: {  	[sflag:s24] =	ssyncset.done $0x0  }
0x128: {  	s0 =	simm.s32 $0x6480;
	s1 =	simm.s32 $0x3;
	[sflag:s24] =	ssyncadd.s32 $0xFFFFE000  }
0x129: {  	v4 =	vmov s1;
	v5 =	vld [tilespmem:s0+$0x40]  }
0x12a: {  	v9 =	vand.u32 $0x7F, v4  }
0x12b: {  	s14 =	simm.s32 $0x0;
	v4 =	vadd.s32 v0, v9  }
0x12c: {  	s20 =	simm.s32 $0x1;
	v6 =	vmov s14;
	s14 =	simm.s32 $0x2;
	v7 =	vld [tilespmem:s0+$0xFFFFFF80]  }
0x12d: {  	v8 =	vand.u32 $0x7C, v6;
	v6 =	vmov s20;
	v11 =	vmov s14;
	v10 =	vld [tilespmem:s0+$0xFFFFFFC0]  }
0x12e: {  	v12 =	vadd.s32 v0, v8;
	v15 =	vand.u32 $0x7D, v6;
	v6 =	vld [tilespmem:s0+$0x0];
	v5 =	vmul.f32 $8.000000000e+00, v5  }
0x12f: {  	v17 =	vand.u32 $0x7E, v11;
	v13 =	vadd.s32 v0, v15  }
0x130: {  	v11 =	vadd.s32 v0, v17;
	[tilespmem:v4+s19+$0x0] =	vst.idx.msk $0xffff, v5  }
0x131: {  	v4 =	vmul.f32 $8.000000000e+00, v7;
	v5 =	vld [tilespmem:s0+$0x50]  }
0x132: {  	v7 =	vmul.f32 $8.000000000e+00, v10  }
0x133: {  	[tilespmem:v12+s19+$0x0] =	vst.idx.msk $0xffff, v4;
	v4 =	vmul.f32 $8.000000000e+00, v6;
	v6 =	vadd.s32 v1, v9  }
0x134: {  	[tilespmem:v13+s19+$0x0] =	vst.idx.msk $0xffff, v7;
	v10 =	vld [tilespmem:s0+$0xFFFFFF90]  }
0x135: {  	v7 =	vld [tilespmem:s0+$0xFFFFFFD0];
	[tilespmem:v11+s19+$0x0] =	vst.idx.msk $0xffff, v4  }
0x136: {  	v11 =	vld [tilespmem:s0+$0x10];
	v4 =	vmul.f32 $8.000000000e+00, v5  }
0x137: {  	s23 =	simm.s32 $0x4;
	s31 =	simm.s32 $0x7;
	s29 =	simm.s32 $0x6580;
	v12 =	vadd.s32 v1, v15  }
0x138: {  	v14 =	vld [tilespmem:s29+$0x40];
	v13 =	vadd.s32 v1, v17;
	v5 =	vmov s23;
	[tilespmem:v6+s19+$0x0] =	vst.idx.msk $0xffff, v4;
	v6 =	vmov s31  }
0x139: {  	v16 =	vadd.s32 v1, v8;
	v4 =	vand.u32 $0x7C, v5;
	v5 =	vand.u32 $0x7F, v6;
	v18 =	vld [tilespmem:s0+$0x60]  }
0x13a: {  	s20 =	simm.s32 $0x5;
	v22 =	vadd.s32 v2, v9;
	v19 =	vld [tilespmem:s29+$0xFFFFFF80];
	v6 =	vmul.f32 $8.000000000e+00, v7;
	v20 =	vadd.s32 v0, v5  }
0x13b: {  	v21 =	vld [tilespmem:s29+$0xFFFFFFC0];
	s23 =	simm.s32 $0x6;
	v10 =	vmul.f32 $8.000000000e+00, v10;
	v7 =	vmul.f32 $8.000000000e+00, v11;
	v11 =	vmov s20  }
0x13c: {  	v23 =	vadd.s32 v0, v4;
	[tilespmem:v12+s19+$0x0] =	vst.idx.msk $0xffff, v6;
	v12 =	vmov s23;
	v6 =	vand.u32 $0x7D, v11;
	v11 =	vld [tilespmem:s29+$0x0]  }
0x13d: {  	[tilespmem:v13+s19+$0x0] =	vst.idx.msk $0xffff, v7;
	v13 =	vadd.s32 v0, v6;
	v7 =	vand.u32 $0x7E, v12;
	v12 =	vmul.f32 $8.000000000e+00, v14;
	v14 =	vld [tilespmem:s0+$0xFFFFFFE0]  }
0x13e: {  	[tilespmem:v16+s19+$0x0] =	vst.idx.msk $0xffff, v10;
	v10 =	vadd.s32 v0, v7;
	v16 =	vld [tilespmem:s0+$0x20];
	v18 =	vmul.f32 $8.000000000e+00, v18  }
0x13f: {  	v19 =	vmul.f32 $8.000000000e+00, v19;
	[tilespmem:v20+s19+$0x0] =	vst.idx.msk $0xffff, v12;
	v12 =	vld [tilespmem:s0+$0xFFFFFFA0];
	v20 =	vadd.s32 v2, v15  }
0x140: {  	v25 =	vadd.s32 v2, v17;
	v21 =	vmul.f32 $8.000000000e+00, v21;
	v24 =	vld [tilespmem:s29+$0x50];
	[tilespmem:v22+s19+$0x0] =	vst.idx.msk $0xffff, v18  }
0x141: {  	[tilespmem:v23+s19+$0x0] =	vst.idx.msk $0xffff, v19;
	v19 =	vadd.s32 v2, v8;
	v11 =	vmul.f32 $8.000000000e+00, v11;
	v22 =	vld [tilespmem:s0+$0x70]  }
0x142: {  	v23 =	vld [tilespmem:s29+$0xFFFFFF90];
	[tilespmem:v13+s19+$0x0] =	vst.idx.msk $0xffff, v21;
	v21 =	vadd.s32 v1, v5;
	v14 =	vmul.f32 $8.000000000e+00, v14  }
0x143: {  	v27 =	vadd.s32 v3, v9;
	v26 =	vld [tilespmem:s29+$0xFFFFFFD0];
	[tilespmem:v10+s19+$0x0] =	vst.idx.msk $0xffff, v11;
	v10 =	vmul.f32 $8.000000000e+00, v16  }
0x144: {  	v18 =	vadd.s32 v1, v4;
	v13 =	vld [tilespmem:s29+$0x10];
	v9 =	vmul.f32 $8.000000000e+00, v12;
	[tilespmem:v20+s19+$0x0] =	vst.idx.msk $0xffff, v14  }
0x145: {  	s1 =	simm.s32 $0x8;
	v16 =	vadd.s32 v1, v6;
	[tilespmem:v25+s19+$0x0] =	vst.idx.msk $0xffff, v10;
	v14 =	vmul.f32 $8.000000000e+00, v24;
	v12 =	vld [tilespmem:s0+$0xFFFFFFF0]  }
0x146: {  	v20 =	vmov s1;
	v10 =	vadd.s32 v1, v7;
	v11 =	vld [tilespmem:s0+$0x30];
	[tilespmem:v19+s19+$0x0] =	vst.idx.msk $0xffff, v9;
	v63 =	vmul.f32 $8.000000000e+00, v22  }
0x147: {  	s30 =	simm.s32 $0x6680;
	s31 =	simm.s32 $0xB;
	v15 =	vadd.s32 v3, v15;
	v9 =	vand.u32 $0x7C, v20;
	v20 =	vmul.f32 $8.000000000e+00, v23;
	[tilespmem:v21+s19+$0x0] =	vst.idx.msk $0xffff, v14;
	v14 =	vld [tilespmem:s0+$0xFFFFFFB0]  }
0x148: {  	v17 =	vadd.s32 v3, v17;
	v22 =	vmov s31;
	v19 =	vld [tilespmem:s30+$0x40];
	s0 =	simm.s32 $0xC;
	v21 =	vmul.f32 $8.000000000e+00, v26;
	[tilespmem:v27+s19+$0x0] =	vst.idx.msk $0xffff, v63  }
.LBB2_11:
0x149: {  	p0 =	slt.u32 s0, $0x7C;
	s14 =	sadd.s32 $0x1, s1;
	v22 =	vand.u32 $0x7F, v22;
	[tilespmem:v18+s19+$0x0] =	vst.idx.msk $0xffff, v20;
	v13 =	vmul.f32 $8.000000000e+00, v13;
	v18 =	vld [tilespmem:s29+$0x60];
	v20 =	vadd.s32 v3, v8;
	v8 =	vmovc v4  }
0x14a: {  	v4 =	vmovc v9;
	v23 =	vld [tilespmem:s30+$0xFFFFFF80];
	v24 =	vmov s14;
	s14 =	sadd.s32 $0x2, s1;
	v25 =	vadd.s32 v0, v22;
	[tilespmem:v16+s19+$0x0] =	vst.idx.msk $0xffff, v21;
	v12 =	vmul.f32 $8.000000000e+00, v12;
	s1 =	smov.u32 s0  }
0x14b: {  	v9 =	vld [tilespmem:s30+$0xFFFFFFC0];
	v16 =	vmov s14;
	[tilespmem:v10+s19+$0x0] =	vst.idx.msk $0xffff, v13;
	v10 =	vadd.s32 v2, v5;
	v11 =	vmul.f32 $8.000000000e+00, v11  }
0x14c: {  	v13 =	vadd.s32 v0, v4;
	v21 =	vand.u32 $0x7D, v24;
	v24 =	vld [tilespmem:s30+$0x0];
	v14 =	vmul.f32 $8.000000000e+00, v14;
	[tilespmem:v15+s19+$0x0] =	vst.idx.msk $0xffff, v12  }
0x14d: {  	v12 =	vadd.s32 v0, v21;
	v26 =	vand.u32 $0x7E, v16;
	v15 =	vmul.f32 $8.000000000e+00, v19;
	v16 =	vld [tilespmem:s29+$0xFFFFFFE0];
	[tilespmem:v17+s19+$0x0] =	vst.idx.msk $0xffff, v11  }
0x14e: {  	v11 =	vadd.s32 v0, v26;
	v17 =	vld [tilespmem:s29+$0x20];
	v18 =	vmul.f32 $8.000000000e+00, v18;
	[tilespmem:v20+s19+$0x0] =	vst.idx.msk $0xffff, v14  }
0x14f: {  	v19 =	vadd.s32 v2, v6;
	v14 =	vmul.f32 $8.000000000e+00, v23;
	[tilespmem:v25+s19+$0x0] =	vst.idx.msk $0xffff, v15;
	v15 =	vld [tilespmem:s29+$0xFFFFFFA0]  }
0x150: {  	v23 =	vadd.s32 v2, v7;
	v9 =	vmul.f32 $8.000000000e+00, v9;
	v20 =	vld [tilespmem:s30+$0x50];
	[tilespmem:v10+s19+$0x0] =	vst.idx.msk $0xffff, v18  }
0x151: {  	[tilespmem:v13+s19+$0x0] =	vst.idx.msk $0xffff, v14;
	v10 =	vmul.f32 $8.000000000e+00, v24;
	v14 =	vadd.s32 v2, v8;
	v24 =	vld [tilespmem:s29+$0x70]  }
0x152: {  	v27 =	vadd.s32 v1, v22;
	v25 =	vld [tilespmem:s30+$0xFFFFFF90];
	[tilespmem:v12+s19+$0x0] =	vst.idx.msk $0xffff, v9;
	v9 =	vmul.f32 $8.000000000e+00, v16  }
0x153: {  	v29 =	vadd.s32 v3, v5;
	v5 =	vmov v22;
	v28 =	vld [tilespmem:s30+$0xFFFFFFD0];
	[tilespmem:v11+s19+$0x0] =	vst.idx.msk $0xffff, v10;
	v10 =	vmul.f32 $8.000000000e+00, v17  }
.Ltmp4:
0x154: {  	v18 =	vadd.s32 v1, v4;
	v13 =	vld [tilespmem:s30+$0x10];
	v11 =	vmul.f32 $8.000000000e+00, v15;
	[tilespmem:v19+s19+$0x0] =	vst.idx.msk $0xffff, v9;
	(pc) =	sbr.rel @p0 .LBB2_11-.Ltmp4, $4  }
0x155: {  	v16 =	vadd.s32 v1, v21;
	v15 =	vmul.f32 $8.000000000e+00, v20;
	v12 =	vld [tilespmem:s29+$0xFFFFFFF0];
	[tilespmem:v23+s19+$0x0] =	vst.idx.msk $0xffff, v10  }
0x156: {  	v9 =	vmov s0;
	v10 =	vadd.s32 v1, v26;
	[tilespmem:v14+s19+$0x0] =	vst.idx.msk $0xffff, v11;
	v11 =	vld [tilespmem:s29+$0x30];
	v23 =	vmul.f32 $8.000000000e+00, v24  }
0x157: {  	s14 =	sadd.s32 $0x3, s0;
	v9 =	vand.u32 $0x7C, v9;
	v20 =	vmul.f32 $8.000000000e+00, v25;
	[tilespmem:v27+s19+$0x0] =	vst.idx.msk $0xffff, v15;
	v14 =	vld [tilespmem:s29+$0xFFFFFFB0];
	v15 =	vadd.s32 v3, v6;
	v6 =	vmovc v21;
	s29 =	smov.u32 s30;
	s30 =	sadd.s32 $0x100, s30  }
0x158: {  	v22 =	vmov s14;
	v17 =	vadd.s32 v3, v7;
	v7 =	vmovc v26;
	s0 =	sadd.s32 $0x4, s0;
	v19 =	vld [tilespmem:s30+$0x40];
	v21 =	vmul.f32 $8.000000000e+00, v28;
	[tilespmem:v29+s19+$0x0] =	vst.idx.msk $0xffff, v23  }
0x159: {  	s0 =	sadd.s32 $0x1, s1;
	v22 =	vand.u32 $0x7F, v22;
	v28 =	vld [tilespmem:s30+$0xFFFFFF80]  }
0x15a: {  	s14 =	sadd.s32 $0x2, s1;
	v24 =	vld [tilespmem:s30+$0xFFFFFFC0];
	v23 =	vmov s0;
	v25 =	vadd.s32 v0, v22  }
0x15b: {  	v27 =	vld [tilespmem:s30+$0x0];
	v51 =	vadd.s32 v0, v9;
	v26 =	vmov s14;
	v23 =	vand.u32 $0x7D, v23  }
0x15c: {  	v26 =	vand.u32 $0x7E, v26;
	v29 =	vadd.s32 v0, v23  }
0x15d: {  	[tilespmem:v18+s19+$0x0] =	vst.idx.msk $0xffff, v20;
	v30 =	vadd.s32 v0, v26;
	v19 =	vmul.f32 $8.000000000e+00, v19  }
0x15e: {  	[tilespmem:v16+s19+$0x0] =	vst.idx.msk $0xffff, v21;
	v54 =	vmul.f32 $8.000000000e+00, v28  }
0x15f: {  	v52 =	vmul.f32 $8.000000000e+00, v24;
	[tilespmem:v25+s19+$0x0] =	vst.idx.msk $0xffff, v19  }
0x160: {  	v53 =	vmul.f32 $8.000000000e+00, v27;
	v55 =	vld [tilespmem:s30+$0x50];
	[tilespmem:v51+s19+$0x0] =	vst.idx.msk $0xffff, v54  }
0x161: {  	v13 =	vmul.f32 $8.000000000e+00, v13;
	v8 =	vadd.s32 v3, v8;
	[tilespmem:v29+s19+$0x0] =	vst.idx.msk $0xffff, v52;
	v59 =	vld [tilespmem:s30+$0xFFFFFF90]  }
0x162: {  	v12 =	vmul.f32 $8.000000000e+00, v12;
	v57 =	vadd.s32 v1, v22;
	[tilespmem:v30+s19+$0x0] =	vst.idx.msk $0xffff, v53;
	v56 =	vld [tilespmem:s30+$0xFFFFFFD0]  }
0x163: {  	[tilespmem:v10+s19+$0x0] =	vst.idx.msk $0xffff, v13;
	v58 =	vmul.f32 $8.000000000e+00, v11;
	v28 =	vadd.s32 v1, v9;
	v19 =	vld [tilespmem:s30+$0x10]  }
0x164: {  	v61 =	vld [tilespmem:s29+$0x60];
	v60 =	vadd.s32 v1, v23;
	v14 =	vmul.f32 $8.000000000e+00, v14;
	[tilespmem:v15+s19+$0x0] =	vst.idx.msk $0xffff, v12  }
0x165: {  	v32 =	vld [tilespmem:s29+$0xFFFFFFA0];
	v62 =	vadd.s32 v1, v26;
	[tilespmem:v17+s19+$0x0] =	vst.idx.msk $0xffff, v58;
	v16 =	vmul.f32 $8.000000000e+00, v55  }
0x166: {  	[tilespmem:v8+s19+$0x0] =	vst.idx.msk $0xffff, v14;
	v29 =	vadd.s32 v2, v5;
	v30 =	vld [tilespmem:s29+$0x20];
	v11 =	vmul.f32 $8.000000000e+00, v59  }
0x167: {  	v38 =	vadd.s32 v2, v4;
	v63 =	vld [tilespmem:s29+$0xFFFFFFE0];
	v31 =	vmul.f32 $8.000000000e+00, v56;
	[tilespmem:v57+s19+$0x0] =	vst.idx.msk $0xffff, v16  }
0x168: {  	v35 =	vadd.s32 v2, v7;
	v34 =	vmul.f32 $8.000000000e+00, v19;
	v36 =	vld [tilespmem:s30+$0x60];
	[tilespmem:v28+s19+$0x0] =	vst.idx.msk $0xffff, v11  }
0x169: {  	v33 =	vadd.s32 v2, v6;
	v37 =	vmul.f32 $8.000000000e+00, v61;
	[tilespmem:v60+s19+$0x0] =	vst.idx.msk $0xffff, v31;
	v43 =	vld [tilespmem:s30+$0xFFFFFFA0]  }
0x16a: {  	v40 =	vadd.s32 v2, v22;
	v14 =	vmul.f32 $8.000000000e+00, v32;
	[tilespmem:v62+s19+$0x0] =	vst.idx.msk $0xffff, v34;
	v39 =	vld [tilespmem:s30+$0xFFFFFFE0]  }
0x16b: {  	v48 =	vadd.s32 v2, v9;
	[tilespmem:v29+s19+$0x0] =	vst.idx.msk $0xffff, v37;
	v42 =	vmul.f32 $8.000000000e+00, v30;
	v41 =	vld [tilespmem:s30+$0x20]  }
0x16c: {  	v44 =	vadd.s32 v2, v23;
	v15 =	vmul.f32 $8.000000000e+00, v63;
	[tilespmem:v38+s19+$0x0] =	vst.idx.msk $0xffff, v14;
	v45 =	vld [tilespmem:s29+$0x70]  }
0x16d: {  	v46 =	vadd.s32 v2, v26;
	v14 =	vld [tilespmem:s29+$0xFFFFFFB0];
	[tilespmem:v35+s19+$0x0] =	vst.idx.msk $0xffff, v42;
	v47 =	vmul.f32 $8.000000000e+00, v36  }
0x16e: {  	v5 =	vadd.s32 v3, v5;
	[tilespmem:v33+s19+$0x0] =	vst.idx.msk $0xffff, v15;
	v49 =	vld [tilespmem:s29+$0x30];
	v53 =	vmul.f32 $8.000000000e+00, v43  }
0x16f: {  	v4 =	vadd.s32 v3, v4;
	v21 =	vld [tilespmem:s29+$0xFFFFFFF0];
	v12 =	vmul.f32 $8.000000000e+00, v39;
	[tilespmem:v40+s19+$0x0] =	vst.idx.msk $0xffff, v47  }
0x170: {  	v52 =	vadd.s32 v3, v7;
	v51 =	vmul.f32 $8.000000000e+00, v41;
	v10 =	vld [tilespmem:s30+$0x70];
	[tilespmem:v48+s19+$0x0] =	vst.idx.msk $0xffff, v53  }
0x171: {  	v50 =	vadd.s32 v3, v6;
	v54 =	vmul.f32 $8.000000000e+00, v45;
	[tilespmem:v44+s19+$0x0] =	vst.idx.msk $0xffff, v12;
	v59 =	vld [tilespmem:s30+$0xFFFFFFB0]  }
0x172: {  	v57 =	vadd.s32 v3, v22;
	v14 =	vmul.f32 $8.000000000e+00, v14;
	[tilespmem:v46+s19+$0x0] =	vst.idx.msk $0xffff, v51;
	v55 =	vld [tilespmem:s30+$0xFFFFFFF0]  }
0x173: {  	v62 =	vadd.s32 v3, v9;
	[tilespmem:v5+s19+$0x0] =	vst.idx.msk $0xffff, v54;
	v5 =	vmul.f32 $8.000000000e+00, v49;
	v58 =	vld [tilespmem:s30+$0x30]  }
0x174: {  	v56 =	vmul.f32 $8.000000000e+00, v21;
	v60 =	vadd.s32 v3, v23;
	[tilespmem:v4+s19+$0x0] =	vst.idx.msk $0xffff, v14  }
0x175: {  	v61 =	vadd.s32 v3, v26;
	[tilespmem:v52+s19+$0x0] =	vst.idx.msk $0xffff, v5;
	v5 =	vmul.f32 $8.000000000e+00, v10  }
0x176: {  	[tilespmem:v50+s19+$0x0] =	vst.idx.msk $0xffff, v56;
	v63 =	vmul.f32 $8.000000000e+00, v59  }
0x177: {  	v4 =	vmul.f32 $8.000000000e+00, v55;
	[tilespmem:v57+s19+$0x0] =	vst.idx.msk $0xffff, v5  }
0x178: {  	s20 =	sshll.u32 s28, $0x8;
	v5 =	vmul.f32 $8.000000000e+00, v58;
	[tilespmem:v62+s19+$0x0] =	vst.idx.msk $0xffff, v63  }
0x179: {  	s23 =	sshll.u32 s28, $0x10;
	s29 =	sand.u32 $0x3FFFFF00, s20;
	[tilespmem:v60+s19+$0x0] =	vst.idx.msk $0xffff, v4  }
0x17a: {  	s14 =	sadd.s32 $0x100, s29;
	s30 =	sor.u32 s5, s23;
	[tilespmem:v61+s19+$0x0] =	vst.idx.msk $0xffff, v5  }
0x17b: {  	[tilespmem:s16], [sflag:$0x1] =	stream.indirect.gather [hbm4b:s4+s13], $0x40, s14, s13, $0xb8;
	[tilespmem:$0xE800] =	vst v63  }
0x17c: {  	s20 =	simm.s32 $0xA400;
	s1 =	sadd.s32 s2, s30  }
0x17d: {  	[hbm4b:s1+s3] =	stream.linear.scatter [tilespmem:s20], [sflag:$0x3], $0x80, $0x38;
	[tilespmem:$0xE800] =	vst v63  }
0x17e: {  	s23 =	simm.s32 $0xA488;
	s14 =	sadd.s32 $0x10, s1  }
0x17f: {  	[hbm4b:s14+s3] =	stream.linear.scatter [tilespmem:s23], [sflag:$0x3], $0x80, $0x38;
	[tilespmem:$0xE800] =	vst v63  }
0x180: {  	s20 =	simm.s32 $0xA510;
	s23 =	sadd.s32 $0x20, s1  }
0x181: {  	[hbm4b:s23+s3] =	stream.linear.scatter [tilespmem:s20], [sflag:$0x3], $0x80, $0x38;
	[tilespmem:$0xE800] =	vst v63  }
0x182: {  	s20 =	simm.s32 $0xA598;
	s23 =	sadd.s32 $0x30, s1  }
0x183: {  	[hbm4b:s23+s3] =	stream.linear.scatter [tilespmem:s20], [sflag:$0x3], $0x80, $0x38;
	[tilespmem:$0xE800] =	vst v63  }
0x184: {  	s20 =	simm.s32 $0xA620;
	s23 =	sadd.s32 $0x40, s1  }
0x185: {  	[hbm4b:s23+s3] =	stream.linear.scatter [tilespmem:s20], [sflag:$0x3], $0x80, $0x38;
	[tilespmem:$0xE800] =	vst v63  }
0x186: {  	s31 =	simm.s32 $0xA7B8;
	s20 =	simm.s32 $0xA6A8;
	s23 =	sadd.s32 $0x50, s1  }
0x187: {  	[hbm4b:s23+s3] =	stream.linear.scatter [tilespmem:s20], [sflag:$0x3], $0x80, $0x38;
	[tilespmem:$0xE800] =	vst v63  }
0x188: {  	s0 =	simm.s32 $0x440;
	s20 =	simm.s32 $0xA730;
	s23 =	sadd.s32 $0x60, s1  }
0x189: {  	[hbm4b:s23+s3] =	stream.linear.scatter [tilespmem:s20], [sflag:$0x3], $0x80, $0x38;
	[tilespmem:$0xE800] =	vst v63  }
0x18a: {  	s14 =	simm.s32 $0x2200;
	s20 =	sadd.s32 $0x70, s1;
	s1 =	sadd.s32 $0x1000, s1  }
.LBB2_13:
0x18b: {  	[hbm4b:s20+s3] =	stream.linear.scatter [tilespmem:s31], [sflag:$0x3], $0x80, $0x38;
	[tilespmem:$0xE800] =	vst v63  }
0x18c: {  	s20 =	smov.u32 s0;
	s0 =	smov.u32 s14  }
0x18d: {  	s23 =	sadd.s32 $0x1100, s14;
	s0 =	sshra.s32 s0, $0x2;
	s31 =	sadd.s32 $0xA400, s20  }
0x18e: {  	[hbm4b:s1+s3] =	stream.linear.scatter [tilespmem:s31], [sflag:$0x3], $0x80, $0x38;
	[tilespmem:$0xE800] =	vst v63  }
0x18f: {  	p0 =	sne.s32 s14, $0x7700;
	s14 =	sadd.s32 $0xA488, s20;
	s31 =	sadd.s32 $0x10, s1  }
0x190: {  	[hbm4b:s31+s3] =	stream.linear.scatter [tilespmem:s14], [sflag:$0x3], $0x80, $0x38;
	[tilespmem:$0xE800] =	vst v63  }
0x191: {  	s14 =	sadd.s32 $0xA510, s20;
	s31 =	sadd.s32 $0x20, s1  }
0x192: {  	[hbm4b:s31+s3] =	stream.linear.scatter [tilespmem:s14], [sflag:$0x3], $0x80, $0x38;
	[tilespmem:$0xE800] =	vst v63  }
0x193: {  	s14 =	sadd.s32 $0xA598, s20;
	s31 =	sadd.s32 $0x30, s1  }
0x194: {  	[hbm4b:s31+s3] =	stream.linear.scatter [tilespmem:s14], [sflag:$0x3], $0x80, $0x38;
	[tilespmem:$0xE800] =	vst v63  }
0x195: {  	s14 =	sadd.s32 $0xA620, s20;
	s31 =	sadd.s32 $0x40, s1  }
0x196: {  	[hbm4b:s31+s3] =	stream.linear.scatter [tilespmem:s14], [sflag:$0x3], $0x80, $0x38;
	[tilespmem:$0xE800] =	vst v63  }
0x197: {  	s14 =	sadd.s32 $0xA6A8, s20;
	s31 =	sadd.s32 $0x50, s1  }
0x198: {  	[hbm4b:s31+s3] =	stream.linear.scatter [tilespmem:s14], [sflag:$0x3], $0x80, $0x38;
	[tilespmem:$0xE800] =	vst v63  }
.Ltmp5:
0x199: {  	_ = 	snop;
	(pc) =	sbr.rel @p0 .LBB2_13-.Ltmp5, $4  }
0x19a: {  	s14 =	sadd.s32 $0xA730, s20;
	s31 =	sadd.s32 $0x60, s1  }
0x19b: {  	[hbm4b:s31+s3] =	stream.linear.scatter [tilespmem:s14], [sflag:$0x3], $0x80, $0x38;
	[tilespmem:$0xE800] =	vst v63  }
0x19c: {  	s31 =	sadd.s32 $0xA7B8, s20  }
0x19d: {  	s20 =	sadd.s32 $0x70, s1;
	s1 =	sadd.s32 $0x1000, s1;
	s14 =	smov.u32 s23  }
0x19e: {  	[hbm4b:s20+s3] =	stream.linear.scatter [tilespmem:s31], [sflag:$0x3], $0x80, $0x38;
	[tilespmem:$0xE800] =	vst v63  }
0x19f: {  	s14 =	sadd.s32 $0xA400, s0  }
0x1a0: {  	[hbm4b:s1+s3] =	stream.linear.scatter [tilespmem:s14], [sflag:$0x3], $0x80, $0x38;
	[tilespmem:$0xE800] =	vst v63  }
0x1a1: {  	s20 =	sadd.s32 $0xA488, s0;
	s23 =	sadd.s32 $0x10, s1  }
0x1a2: {  	[hbm4b:s23+s3] =	stream.linear.scatter [tilespmem:s20], [sflag:$0x3], $0x80, $0x38;
	[tilespmem:$0xE800] =	vst v63  }
0x1a3: {  	s20 =	sadd.s32 $0xA510, s0;
	s23 =	sadd.s32 $0x20, s1  }
0x1a4: {  	[hbm4b:s23+s3] =	stream.linear.scatter [tilespmem:s20], [sflag:$0x3], $0x80, $0x38;
	[tilespmem:$0xE800] =	vst v63  }
0x1a5: {  	s20 =	sadd.s32 $0xA598, s0;
	s23 =	sadd.s32 $0x30, s1  }
0x1a6: {  	[hbm4b:s23+s3] =	stream.linear.scatter [tilespmem:s20], [sflag:$0x3], $0x80, $0x38;
	[tilespmem:$0xE800] =	vst v63  }
0x1a7: {  	s20 =	sadd.s32 $0xA620, s0;
	s23 =	sadd.s32 $0x40, s1  }
0x1a8: {  	[hbm4b:s23+s3] =	stream.linear.scatter [tilespmem:s20], [sflag:$0x3], $0x80, $0x38;
	[tilespmem:$0xE800] =	vst v63  }
0x1a9: {  	s20 =	sadd.s32 $0xA6A8, s0;
	s23 =	sadd.s32 $0x50, s1  }
0x1aa: {  	[hbm4b:s23+s3] =	stream.linear.scatter [tilespmem:s20], [sflag:$0x3], $0x80, $0x38;
	[tilespmem:$0xE800] =	vst v63  }
0x1ab: {  	s20 =	sadd.s32 $0xA730, s0;
	s23 =	sadd.s32 $0x60, s1  }
0x1ac: {  	[hbm4b:s23+s3] =	stream.linear.scatter [tilespmem:s20], [sflag:$0x3], $0x80, $0x38;
	[tilespmem:$0xE800] =	vst v63  }
0x1ad: {  	s14 =	sadd.s32 $0xA7B8, s0;
	s20 =	sadd.s32 $0x70, s1  }
0x1ae: {  	[hbm4b:s20+s3] =	stream.linear.scatter [tilespmem:s14], [sflag:$0x3], $0x80, $0x38;
	[tilespmem:$0xE800] =	vst v63  }
0x1af: {  	_ =	swait.ge [sflag:s21], $0x2000  }
0x1b0: {  	[sflag:s21] =	ssyncset.done $0x0  }
0x1b1: {  	[sflag:s21] =	ssyncadd.s32 $0xFFFFE000  }
0x1b2: {  	_ =	swait.ge [sflag:s25], $0x2000  }
0x1b3: {  	[sflag:s25] =	ssyncset.done $0x0  }
0x1b4: {  	s23 =	simm.s32 $0x3;
	s14 =	simm.s32 $0x8480;
	[sflag:s25] =	ssyncadd.s32 $0xFFFFE000  }
0x1b5: {  	v4 =	vmov s23;
	v5 =	vld [tilespmem:s14+$0x40]  }
0x1b6: {  	v9 =	vand.u32 $0x7F, v4  }
0x1b7: {  	s1 =	simm.s32 $0x0;
	v4 =	vadd.s32 v0, v9  }
0x1b8: {  	v6 =	vmov s1;
	s23 =	simm.s32 $0x2;
	s20 =	simm.s32 $0x1;
	v7 =	vld [tilespmem:s14+$0xFFFFFF80]  }
0x1b9: {  	v8 =	vand.u32 $0x7C, v6;
	v11 =	vmov s23;
	v6 =	vmov s20;
	v10 =	vld [tilespmem:s14+$0xFFFFFFC0]  }
0x1ba: {  	v12 =	vadd.s32 v0, v8;
	v15 =	vand.u32 $0x7D, v6;
	v6 =	vld [tilespmem:s14+$0x0];
	v5 =	vmul.f32 $8.000000000e+00, v5  }
0x1bb: {  	v17 =	vand.u32 $0x7E, v11;
	v13 =	vadd.s32 v0, v15  }
0x1bc: {  	v11 =	vadd.s32 v0, v17;
	[tilespmem:v4+s22+$0x0] =	vst.idx.msk $0xffff, v5  }
0x1bd: {  	v4 =	vmul.f32 $8.000000000e+00, v7;
	v5 =	vld [tilespmem:s14+$0x50]  }
0x1be: {  	v7 =	vmul.f32 $8.000000000e+00, v10  }
0x1bf: {  	[tilespmem:v12+s22+$0x0] =	vst.idx.msk $0xffff, v4;
	v4 =	vmul.f32 $8.000000000e+00, v6;
	v6 =	vadd.s32 v1, v9  }
0x1c0: {  	[tilespmem:v13+s22+$0x0] =	vst.idx.msk $0xffff, v7;
	v10 =	vld [tilespmem:s14+$0xFFFFFF90]  }
0x1c1: {  	v7 =	vld [tilespmem:s14+$0xFFFFFFD0];
	[tilespmem:v11+s22+$0x0] =	vst.idx.msk $0xffff, v4  }
0x1c2: {  	v11 =	vld [tilespmem:s14+$0x10];
	v4 =	vmul.f32 $8.000000000e+00, v5  }
0x1c3: {  	s31 =	simm.s32 $0x8580;
	s23 =	simm.s32 $0x7;
	s20 =	simm.s32 $0x4;
	v12 =	vadd.s32 v1, v15  }
0x1c4: {  	v14 =	vld [tilespmem:s31+$0x40];
	v13 =	vadd.s32 v1, v17;
	v5 =	vmov s20;
	[tilespmem:v6+s22+$0x0] =	vst.idx.msk $0xffff, v4;
	v6 =	vmov s23  }
0x1c5: {  	v16 =	vadd.s32 v1, v8;
	v4 =	vand.u32 $0x7C, v5;
	v5 =	vand.u32 $0x7F, v6;
	v18 =	vld [tilespmem:s14+$0x60]  }
0x1c6: {  	s1 =	simm.s32 $0x5;
	v22 =	vadd.s32 v2, v9;
	v19 =	vld [tilespmem:s31+$0xFFFFFF80];
	v6 =	vmul.f32 $8.000000000e+00, v7;
	v20 =	vadd.s32 v0, v5  }
0x1c7: {  	v21 =	vld [tilespmem:s31+$0xFFFFFFC0];
	s20 =	simm.s32 $0x6;
	v10 =	vmul.f32 $8.000000000e+00, v10;
	v7 =	vmul.f32 $8.000000000e+00, v11;
	v11 =	vmov s1  }
0x1c8: {  	v23 =	vadd.s32 v0, v4;
	[tilespmem:v12+s22+$0x0] =	vst.idx.msk $0xffff, v6;
	v12 =	vmov s20;
	v6 =	vand.u32 $0x7D, v11;
	v11 =	vld [tilespmem:s31+$0x0]  }
0x1c9: {  	[tilespmem:v13+s22+$0x0] =	vst.idx.msk $0xffff, v7;
	v13 =	vadd.s32 v0, v6;
	v7 =	vand.u32 $0x7E, v12;
	v12 =	vmul.f32 $8.000000000e+00, v14;
	v14 =	vld [tilespmem:s14+$0xFFFFFFE0]  }
0x1ca: {  	[tilespmem:v16+s22+$0x0] =	vst.idx.msk $0xffff, v10;
	v10 =	vadd.s32 v0, v7;
	v16 =	vld [tilespmem:s14+$0x20];
	v18 =	vmul.f32 $8.000000000e+00, v18  }
0x1cb: {  	v19 =	vmul.f32 $8.000000000e+00, v19;
	[tilespmem:v20+s22+$0x0] =	vst.idx.msk $0xffff, v12;
	v12 =	vld [tilespmem:s14+$0xFFFFFFA0];
	v20 =	vadd.s32 v2, v15  }
0x1cc: {  	v25 =	vadd.s32 v2, v17;
	v21 =	vmul.f32 $8.000000000e+00, v21;
	v24 =	vld [tilespmem:s31+$0x50];
	[tilespmem:v22+s22+$0x0] =	vst.idx.msk $0xffff, v18  }
0x1cd: {  	[tilespmem:v23+s22+$0x0] =	vst.idx.msk $0xffff, v19;
	v19 =	vadd.s32 v2, v8;
	v11 =	vmul.f32 $8.000000000e+00, v11;
	v22 =	vld [tilespmem:s14+$0x70]  }
0x1ce: {  	v23 =	vld [tilespmem:s31+$0xFFFFFF90];
	[tilespmem:v13+s22+$0x0] =	vst.idx.msk $0xffff, v21;
	v21 =	vadd.s32 v1, v5;
	v14 =	vmul.f32 $8.000000000e+00, v14  }
0x1cf: {  	v27 =	vadd.s32 v3, v9;
	v26 =	vld [tilespmem:s31+$0xFFFFFFD0];
	[tilespmem:v10+s22+$0x0] =	vst.idx.msk $0xffff, v11;
	v10 =	vmul.f32 $8.000000000e+00, v16  }
0x1d0: {  	v18 =	vadd.s32 v1, v4;
	v13 =	vld [tilespmem:s31+$0x10];
	v9 =	vmul.f32 $8.000000000e+00, v12;
	[tilespmem:v20+s22+$0x0] =	vst.idx.msk $0xffff, v14  }
0x1d1: {  	s0 =	simm.s32 $0x8;
	v16 =	vadd.s32 v1, v6;
	[tilespmem:v25+s22+$0x0] =	vst.idx.msk $0xffff, v10;
	v14 =	vmul.f32 $8.000000000e+00, v24;
	v12 =	vld [tilespmem:s14+$0xFFFFFFF0]  }
0x1d2: {  	v20 =	vmov s0;
	v10 =	vadd.s32 v1, v7;
	v11 =	vld [tilespmem:s14+$0x30];
	[tilespmem:v19+s22+$0x0] =	vst.idx.msk $0xffff, v9;
	v63 =	vmul.f32 $8.000000000e+00, v22  }
0x1d3: {  	s23 =	simm.s32 $0xB;
	s1 =	simm.s32 $0x8680;
	v15 =	vadd.s32 v3, v15;
	v9 =	vand.u32 $0x7C, v20;
	v20 =	vmul.f32 $8.000000000e+00, v23;
	[tilespmem:v21+s22+$0x0] =	vst.idx.msk $0xffff, v14;
	v14 =	vld [tilespmem:s14+$0xFFFFFFB0]  }
0x1d4: {  	v17 =	vadd.s32 v3, v17;
	v22 =	vmov s23;
	v19 =	vld [tilespmem:s1+$0x40];
	s14 =	simm.s32 $0xC;
	v21 =	vmul.f32 $8.000000000e+00, v26;
	[tilespmem:v27+s22+$0x0] =	vst.idx.msk $0xffff, v63  }
.LBB2_15:
0x1d5: {  	p0 =	slt.u32 s14, $0x7C;
	s20 =	sadd.s32 $0x1, s0;
	v22 =	vand.u32 $0x7F, v22;
	[tilespmem:v18+s22+$0x0] =	vst.idx.msk $0xffff, v20;
	v13 =	vmul.f32 $8.000000000e+00, v13;
	v18 =	vld [tilespmem:s31+$0x60];
	v20 =	vadd.s32 v3, v8;
	v8 =	vmovc v4  }
0x1d6: {  	v4 =	vmovc v9;
	v23 =	vld [tilespmem:s1+$0xFFFFFF80];
	v24 =	vmov s20;
	s20 =	sadd.s32 $0x2, s0;
	v25 =	vadd.s32 v0, v22;
	[tilespmem:v16+s22+$0x0] =	vst.idx.msk $0xffff, v21;
	v12 =	vmul.f32 $8.000000000e+00, v12;
	s0 =	smov.u32 s14  }
0x1d7: {  	v9 =	vld [tilespmem:s1+$0xFFFFFFC0];
	v16 =	vmov s20;
	[tilespmem:v10+s22+$0x0] =	vst.idx.msk $0xffff, v13;
	v10 =	vadd.s32 v2, v5;
	v11 =	vmul.f32 $8.000000000e+00, v11  }
0x1d8: {  	v13 =	vadd.s32 v0, v4;
	v21 =	vand.u32 $0x7D, v24;
	v24 =	vld [tilespmem:s1+$0x0];
	v14 =	vmul.f32 $8.000000000e+00, v14;
	[tilespmem:v15+s22+$0x0] =	vst.idx.msk $0xffff, v12  }
0x1d9: {  	v12 =	vadd.s32 v0, v21;
	v26 =	vand.u32 $0x7E, v16;
	v15 =	vmul.f32 $8.000000000e+00, v19;
	v16 =	vld [tilespmem:s31+$0xFFFFFFE0];
	[tilespmem:v17+s22+$0x0] =	vst.idx.msk $0xffff, v11  }
0x1da: {  	v11 =	vadd.s32 v0, v26;
	v17 =	vld [tilespmem:s31+$0x20];
	v18 =	vmul.f32 $8.000000000e+00, v18;
	[tilespmem:v20+s22+$0x0] =	vst.idx.msk $0xffff, v14  }
0x1db: {  	v19 =	vadd.s32 v2, v6;
	v14 =	vmul.f32 $8.000000000e+00, v23;
	[tilespmem:v25+s22+$0x0] =	vst.idx.msk $0xffff, v15;
	v15 =	vld [tilespmem:s31+$0xFFFFFFA0]  }
0x1dc: {  	v23 =	vadd.s32 v2, v7;
	v9 =	vmul.f32 $8.000000000e+00, v9;
	v20 =	vld [tilespmem:s1+$0x50];
	[tilespmem:v10+s22+$0x0] =	vst.idx.msk $0xffff, v18  }
0x1dd: {  	[tilespmem:v13+s22+$0x0] =	vst.idx.msk $0xffff, v14;
	v10 =	vmul.f32 $8.000000000e+00, v24;
	v14 =	vadd.s32 v2, v8;
	v24 =	vld [tilespmem:s31+$0x70]  }
0x1de: {  	v27 =	vadd.s32 v1, v22;
	v25 =	vld [tilespmem:s1+$0xFFFFFF90];
	[tilespmem:v12+s22+$0x0] =	vst.idx.msk $0xffff, v9;
	v9 =	vmul.f32 $8.000000000e+00, v16  }
0x1df: {  	v29 =	vadd.s32 v3, v5;
	v5 =	vmov v22;
	v28 =	vld [tilespmem:s1+$0xFFFFFFD0];
	[tilespmem:v11+s22+$0x0] =	vst.idx.msk $0xffff, v10;
	v10 =	vmul.f32 $8.000000000e+00, v17  }
.Ltmp6:
0x1e0: {  	v18 =	vadd.s32 v1, v4;
	v13 =	vld [tilespmem:s1+$0x10];
	v11 =	vmul.f32 $8.000000000e+00, v15;
	[tilespmem:v19+s22+$0x0] =	vst.idx.msk $0xffff, v9;
	(pc) =	sbr.rel @p0 .LBB2_15-.Ltmp6, $4  }
0x1e1: {  	v16 =	vadd.s32 v1, v21;
	v15 =	vmul.f32 $8.000000000e+00, v20;
	v12 =	vld [tilespmem:s31+$0xFFFFFFF0];
	[tilespmem:v23+s22+$0x0] =	vst.idx.msk $0xffff, v10  }
0x1e2: {  	v9 =	vmov s14;
	v10 =	vadd.s32 v1, v26;
	[tilespmem:v14+s22+$0x0] =	vst.idx.msk $0xffff, v11;
	v11 =	vld [tilespmem:s31+$0x30];
	v23 =	vmul.f32 $8.000000000e+00, v24  }
0x1e3: {  	s20 =	sadd.s32 $0x3, s14;
	v9 =	vand.u32 $0x7C, v9;
	v20 =	vmul.f32 $8.000000000e+00, v25;
	[tilespmem:v27+s22+$0x0] =	vst.idx.msk $0xffff, v15;
	v14 =	vld [tilespmem:s31+$0xFFFFFFB0];
	v15 =	vadd.s32 v3, v6;
	v6 =	vmovc v21;
	s31 =	smov.u32 s1;
	s1 =	sadd.s32 $0x100, s1  }
0x1e4: {  	v22 =	vmov s20;
	v17 =	vadd.s32 v3, v7;
	v7 =	vmovc v26;
	s14 =	sadd.s32 $0x4, s14;
	v19 =	vld [tilespmem:s1+$0x40];
	v21 =	vmul.f32 $8.000000000e+00, v28;
	[tilespmem:v29+s22+$0x0] =	vst.idx.msk $0xffff, v23  }
0x1e5: {  	s14 =	sadd.s32 $0x1, s0;
	v22 =	vand.u32 $0x7F, v22;
	v28 =	vld [tilespmem:s1+$0xFFFFFF80]  }
0x1e6: {  	s23 =	sadd.s32 $0x2, s0;
	v24 =	vld [tilespmem:s1+$0xFFFFFFC0];
	v23 =	vmov s14;
	v25 =	vadd.s32 v0, v22  }
0x1e7: {  	v27 =	vld [tilespmem:s1+$0x0];
	v51 =	vadd.s32 v0, v9;
	v26 =	vmov s23;
	v23 =	vand.u32 $0x7D, v23  }
0x1e8: {  	v26 =	vand.u32 $0x7E, v26;
	v29 =	vadd.s32 v0, v23  }
0x1e9: {  	[tilespmem:v18+s22+$0x0] =	vst.idx.msk $0xffff, v20;
	v30 =	vadd.s32 v0, v26;
	v19 =	vmul.f32 $8.000000000e+00, v19  }
0x1ea: {  	[tilespmem:v16+s22+$0x0] =	vst.idx.msk $0xffff, v21;
	v54 =	vmul.f32 $8.000000000e+00, v28  }
0x1eb: {  	v52 =	vmul.f32 $8.000000000e+00, v24;
	[tilespmem:v25+s22+$0x0] =	vst.idx.msk $0xffff, v19  }
0x1ec: {  	v53 =	vmul.f32 $8.000000000e+00, v27;
	v55 =	vld [tilespmem:s1+$0x50];
	[tilespmem:v51+s22+$0x0] =	vst.idx.msk $0xffff, v54  }
0x1ed: {  	v13 =	vmul.f32 $8.000000000e+00, v13;
	v8 =	vadd.s32 v3, v8;
	[tilespmem:v29+s22+$0x0] =	vst.idx.msk $0xffff, v52;
	v59 =	vld [tilespmem:s1+$0xFFFFFF90]  }
0x1ee: {  	v12 =	vmul.f32 $8.000000000e+00, v12;
	v57 =	vadd.s32 v1, v22;
	[tilespmem:v30+s22+$0x0] =	vst.idx.msk $0xffff, v53;
	v56 =	vld [tilespmem:s1+$0xFFFFFFD0]  }
0x1ef: {  	[tilespmem:v10+s22+$0x0] =	vst.idx.msk $0xffff, v13;
	v58 =	vmul.f32 $8.000000000e+00, v11;
	v28 =	vadd.s32 v1, v9;
	v19 =	vld [tilespmem:s1+$0x10]  }
0x1f0: {  	v61 =	vld [tilespmem:s31+$0x60];
	v60 =	vadd.s32 v1, v23;
	v14 =	vmul.f32 $8.000000000e+00, v14;
	[tilespmem:v15+s22+$0x0] =	vst.idx.msk $0xffff, v12  }
0x1f1: {  	v32 =	vld [tilespmem:s31+$0xFFFFFFA0];
	v62 =	vadd.s32 v1, v26;
	[tilespmem:v17+s22+$0x0] =	vst.idx.msk $0xffff, v58;
	v16 =	vmul.f32 $8.000000000e+00, v55  }
0x1f2: {  	[tilespmem:v8+s22+$0x0] =	vst.idx.msk $0xffff, v14;
	v29 =	vadd.s32 v2, v5;
	v30 =	vld [tilespmem:s31+$0x20];
	v11 =	vmul.f32 $8.000000000e+00, v59  }
0x1f3: {  	v38 =	vadd.s32 v2, v4;
	v63 =	vld [tilespmem:s31+$0xFFFFFFE0];
	v31 =	vmul.f32 $8.000000000e+00, v56;
	[tilespmem:v57+s22+$0x0] =	vst.idx.msk $0xffff, v16  }
0x1f4: {  	v35 =	vadd.s32 v2, v7;
	v34 =	vmul.f32 $8.000000000e+00, v19;
	v36 =	vld [tilespmem:s1+$0x60];
	[tilespmem:v28+s22+$0x0] =	vst.idx.msk $0xffff, v11  }
0x1f5: {  	v33 =	vadd.s32 v2, v6;
	v37 =	vmul.f32 $8.000000000e+00, v61;
	[tilespmem:v60+s22+$0x0] =	vst.idx.msk $0xffff, v31;
	v43 =	vld [tilespmem:s1+$0xFFFFFFA0]  }
0x1f6: {  	v40 =	vadd.s32 v2, v22;
	v14 =	vmul.f32 $8.000000000e+00, v32;
	[tilespmem:v62+s22+$0x0] =	vst.idx.msk $0xffff, v34;
	v39 =	vld [tilespmem:s1+$0xFFFFFFE0]  }
0x1f7: {  	v48 =	vadd.s32 v2, v9;
	[tilespmem:v29+s22+$0x0] =	vst.idx.msk $0xffff, v37;
	v42 =	vmul.f32 $8.000000000e+00, v30;
	v41 =	vld [tilespmem:s1+$0x20]  }
0x1f8: {  	v44 =	vadd.s32 v2, v23;
	v15 =	vmul.f32 $8.000000000e+00, v63;
	[tilespmem:v38+s22+$0x0] =	vst.idx.msk $0xffff, v14;
	v45 =	vld [tilespmem:s31+$0x70]  }
0x1f9: {  	v46 =	vadd.s32 v2, v26;
	v14 =	vld [tilespmem:s31+$0xFFFFFFB0];
	[tilespmem:v35+s22+$0x0] =	vst.idx.msk $0xffff, v42;
	v47 =	vmul.f32 $8.000000000e+00, v36  }
0x1fa: {  	v5 =	vadd.s32 v3, v5;
	[tilespmem:v33+s22+$0x0] =	vst.idx.msk $0xffff, v15;
	v49 =	vld [tilespmem:s31+$0x30];
	v53 =	vmul.f32 $8.000000000e+00, v43  }
0x1fb: {  	v4 =	vadd.s32 v3, v4;
	v21 =	vld [tilespmem:s31+$0xFFFFFFF0];
	v12 =	vmul.f32 $8.000000000e+00, v39;
	[tilespmem:v40+s22+$0x0] =	vst.idx.msk $0xffff, v47  }
0x1fc: {  	v52 =	vadd.s32 v3, v7;
	v51 =	vmul.f32 $8.000000000e+00, v41;
	v10 =	vld [tilespmem:s1+$0x70];
	[tilespmem:v48+s22+$0x0] =	vst.idx.msk $0xffff, v53  }
0x1fd: {  	v50 =	vadd.s32 v3, v6;
	v54 =	vmul.f32 $8.000000000e+00, v45;
	[tilespmem:v44+s22+$0x0] =	vst.idx.msk $0xffff, v12;
	v59 =	vld [tilespmem:s1+$0xFFFFFFB0]  }
0x1fe: {  	v57 =	vadd.s32 v3, v22;
	v14 =	vmul.f32 $8.000000000e+00, v14;
	[tilespmem:v46+s22+$0x0] =	vst.idx.msk $0xffff, v51;
	v55 =	vld [tilespmem:s1+$0xFFFFFFF0]  }
0x1ff: {  	v62 =	vadd.s32 v3, v9;
	[tilespmem:v5+s22+$0x0] =	vst.idx.msk $0xffff, v54;
	v5 =	vmul.f32 $8.000000000e+00, v49;
	v58 =	vld [tilespmem:s1+$0x30]  }
0x200: {  	v56 =	vmul.f32 $8.000000000e+00, v21;
	v60 =	vadd.s32 v3, v23;
	[tilespmem:v4+s22+$0x0] =	vst.idx.msk $0xffff, v14  }
0x201: {  	v61 =	vadd.s32 v3, v26;
	[tilespmem:v52+s22+$0x0] =	vst.idx.msk $0xffff, v5;
	v5 =	vmul.f32 $8.000000000e+00, v10  }
0x202: {  	[tilespmem:v50+s22+$0x0] =	vst.idx.msk $0xffff, v56;
	v63 =	vmul.f32 $8.000000000e+00, v59  }
0x203: {  	v4 =	vmul.f32 $8.000000000e+00, v55;
	[tilespmem:v57+s22+$0x0] =	vst.idx.msk $0xffff, v5  }
0x204: {  	v5 =	vmul.f32 $8.000000000e+00, v58;
	[tilespmem:v62+s22+$0x0] =	vst.idx.msk $0xffff, v63  }
0x205: {  	[tilespmem:v60+s22+$0x0] =	vst.idx.msk $0xffff, v4  }
0x206: {  	s1 =	sadd.s32 $0x180, s29;
	[tilespmem:v61+s22+$0x0] =	vst.idx.msk $0xffff, v5  }
0x207: {  	[tilespmem:s17], [sflag:$0x2] =	stream.indirect.gather [hbm4b:s4+s13], $0x40, s1, s13, $0xb8;
	[tilespmem:$0xE800] =	vst v63  }
0x208: {  	s14 =	simm.s32 $0xC600;
	s1 =	sadd.s32 s30, s8  }
0x209: {  	[hbm4b:s1+s3] =	stream.linear.scatter [tilespmem:s14], [sflag:$0x4], $0x80, $0x38;
	[tilespmem:$0xE800] =	vst v63  }
0x20a: {  	s20 =	simm.s32 $0xC688;
	s23 =	sadd.s32 $0x10, s1  }
0x20b: {  	[hbm4b:s23+s3] =	stream.linear.scatter [tilespmem:s20], [sflag:$0x4], $0x80, $0x38;
	[tilespmem:$0xE800] =	vst v63  }
0x20c: {  	s0 =	simm.s32 $0x440;
	s30 =	simm.s32 $0xC710;
	s31 =	sadd.s32 $0x20, s1  }
0x20d: {  	[hbm4b:s31+s3] =	stream.linear.scatter [tilespmem:s30], [sflag:$0x4], $0x80, $0x38;
	[tilespmem:$0xE800] =	vst v63  }
0x20e: {  	s29 =	simm.s32 $0xC9B8;
	s20 =	simm.s32 $0xC798;
	s23 =	sadd.s32 $0x30, s1  }
0x20f: {  	[hbm4b:s23+s3] =	stream.linear.scatter [tilespmem:s20], [sflag:$0x4], $0x80, $0x38;
	[tilespmem:$0xE800] =	vst v63  }
0x210: {  	s14 =	simm.s32 $0x2200;
	s30 =	simm.s32 $0xC820;
	s31 =	sadd.s32 $0x40, s1  }
0x211: {  	[hbm4b:s31+s3] =	stream.linear.scatter [tilespmem:s30], [sflag:$0x4], $0x80, $0x38;
	[tilespmem:$0xE800] =	vst v63  }
0x212: {  	s20 =	simm.s32 $0xC8A8;
	s23 =	sadd.s32 $0x50, s1;
	s30 =	simm.s32 $0xC930  }
0x213: {  	[hbm4b:s23+s3] =	stream.linear.scatter [tilespmem:s20], [sflag:$0x4], $0x80, $0x38;
	[tilespmem:$0xE800] =	vst v63  }
0x214: {  	s31 =	sadd.s32 $0x60, s1;
	s20 =	sadd.s32 $0x70, s1;
	s1 =	sadd.s32 $0x1000, s1  }
0x215: {  	[hbm4b:s31+s3] =	stream.linear.scatter [tilespmem:s30], [sflag:$0x4], $0x80, $0x38;
	[tilespmem:$0xE800] =	vst v63  }
.LBB2_17:
0x216: {  	[hbm4b:s20+s3] =	stream.linear.scatter [tilespmem:s29], [sflag:$0x4], $0x80, $0x38;
	[tilespmem:$0xE800] =	vst v63  }
0x217: {  	s20 =	smov.u32 s0;
	s0 =	smov.u32 s14  }
0x218: {  	s23 =	sadd.s32 $0x1100, s14;
	s0 =	sshra.s32 s0, $0x2;
	s29 =	sadd.s32 $0xC600, s20  }
0x219: {  	[hbm4b:s1+s3] =	stream.linear.scatter [tilespmem:s29], [sflag:$0x4], $0x80, $0x38;
	[tilespmem:$0xE800] =	vst v63  }
0x21a: {  	p0 =	sne.s32 s14, $0x7700;
	s14 =	sadd.s32 $0xC688, s20;
	s29 =	sadd.s32 $0x10, s1  }
0x21b: {  	[hbm4b:s29+s3] =	stream.linear.scatter [tilespmem:s14], [sflag:$0x4], $0x80, $0x38;
	[tilespmem:$0xE800] =	vst v63  }
0x21c: {  	s14 =	sadd.s32 $0xC710, s20;
	s29 =	sadd.s32 $0x20, s1  }
0x21d: {  	[hbm4b:s29+s3] =	stream.linear.scatter [tilespmem:s14], [sflag:$0x4], $0x80, $0x38;
	[tilespmem:$0xE800] =	vst v63  }
0x21e: {  	s14 =	sadd.s32 $0xC798, s20;
	s29 =	sadd.s32 $0x30, s1  }
0x21f: {  	[hbm4b:s29+s3] =	stream.linear.scatter [tilespmem:s14], [sflag:$0x4], $0x80, $0x38;
	[tilespmem:$0xE800] =	vst v63  }
0x220: {  	s14 =	sadd.s32 $0xC820, s20;
	s29 =	sadd.s32 $0x40, s1  }
0x221: {  	[hbm4b:s29+s3] =	stream.linear.scatter [tilespmem:s14], [sflag:$0x4], $0x80, $0x38;
	[tilespmem:$0xE800] =	vst v63  }
0x222: {  	s14 =	sadd.s32 $0xC8A8, s20;
	s29 =	sadd.s32 $0x50, s1  }
0x223: {  	[hbm4b:s29+s3] =	stream.linear.scatter [tilespmem:s14], [sflag:$0x4], $0x80, $0x38;
	[tilespmem:$0xE800] =	vst v63  }
.Ltmp7:
0x224: {  	_ = 	snop;
	(pc) =	sbr.rel @p0 .LBB2_17-.Ltmp7, $4  }
0x225: {  	s14 =	sadd.s32 $0xC930, s20;
	s29 =	sadd.s32 $0x60, s1  }
0x226: {  	[hbm4b:s29+s3] =	stream.linear.scatter [tilespmem:s14], [sflag:$0x4], $0x80, $0x38;
	[tilespmem:$0xE800] =	vst v63  }
0x227: {  	s29 =	sadd.s32 $0xC9B8, s20  }
0x228: {  	s20 =	sadd.s32 $0x70, s1;
	s1 =	sadd.s32 $0x1000, s1;
	s14 =	smov.u32 s23  }
0x229: {  	[hbm4b:s20+s3] =	stream.linear.scatter [tilespmem:s29], [sflag:$0x4], $0x80, $0x38;
	[tilespmem:$0xE800] =	vst v63  }
0x22a: {  	s14 =	sadd.s32 $0xC600, s0  }
0x22b: {  	[hbm4b:s1+s3] =	stream.linear.scatter [tilespmem:s14], [sflag:$0x4], $0x80, $0x38;
	[tilespmem:$0xE800] =	vst v63  }
0x22c: {  	s30 =	sadd.s32 $0xC688, s0;
	s31 =	sadd.s32 $0x10, s1  }
0x22d: {  	[hbm4b:s31+s3] =	stream.linear.scatter [tilespmem:s30], [sflag:$0x4], $0x80, $0x38;
	[tilespmem:$0xE800] =	vst v63  }
0x22e: {  	s23 =	sadd.s32 $0xC710, s0;
	s29 =	sadd.s32 $0x20, s1  }
0x22f: {  	[hbm4b:s29+s3] =	stream.linear.scatter [tilespmem:s23], [sflag:$0x4], $0x80, $0x38;
	[tilespmem:$0xE800] =	vst v63  }
0x230: {  	s30 =	sadd.s32 $0xC798, s0;
	s31 =	sadd.s32 $0x30, s1  }
0x231: {  	[hbm4b:s31+s3] =	stream.linear.scatter [tilespmem:s30], [sflag:$0x4], $0x80, $0x38;
	[tilespmem:$0xE800] =	vst v63  }
0x232: {  	s28 =	sadd.s32 $0x1, s28;
	s23 =	sadd.s32 $0xC820, s0;
	s29 =	sadd.s32 $0x40, s1  }
0x233: {  	[hbm4b:s29+s3] =	stream.linear.scatter [tilespmem:s23], [sflag:$0x4], $0x80, $0x38;
	[tilespmem:$0xE800] =	vst v63  }
0x234: {  	p0 =	sne.s32 s28, $0x63;
	s30 =	sadd.s32 $0xC8A8, s0;
	s31 =	sadd.s32 $0x50, s1  }
0x235: {  	[hbm4b:s31+s3] =	stream.linear.scatter [tilespmem:s30], [sflag:$0x4], $0x80, $0x38;
	[tilespmem:$0xE800] =	vst v63  }
.Ltmp8:
0x236: {  	_ = 	snop;
	(pc) =	sbr.rel @p0 .LBB2_10-.Ltmp8, $4  }
0x237: {  	s23 =	sadd.s32 $0xC930, s0;
	s29 =	sadd.s32 $0x60, s1  }
0x238: {  	[hbm4b:s29+s3] =	stream.linear.scatter [tilespmem:s23], [sflag:$0x4], $0x80, $0x38;
	[tilespmem:$0xE800] =	vst v63  }
0x239: {  	s30 =	sadd.s32 $0xC9B8, s0;
	s31 =	sadd.s32 $0x70, s1  }
0x23a: {  	[hbm4b:s31+s3] =	stream.linear.scatter [tilespmem:s30], [sflag:$0x4], $0x80, $0x38;
	[tilespmem:$0xE800] =	vst v63  }
0x23b: {  	_ =	swait.ge [sflag:s18], $0x2000  }
0x23c: {  	[sflag:s18] =	ssyncset.done $0x0  }
0x23d: {  	[sflag:s18] =	ssyncadd.s32 $0xFFFFE000  }
0x23e: {  	_ =	swait.ge [sflag:s24], $0x2000  }
0x23f: {  	[sflag:s24] =	ssyncset.done $0x0  }
0x240: {  	s14 =	simm.s32 $0x6480;
	s0 =	simm.s32 $0x3;
	[sflag:s24] =	ssyncadd.s32 $0xFFFFE000  }
0x241: {  	v4 =	vmov s0;
	v5 =	vld [tilespmem:s14+$0x40]  }
0x242: {  	v9 =	vand.u32 $0x7F, v4  }
0x243: {  	s1 =	simm.s32 $0x0;
	v4 =	vadd.s32 v0, v9  }
0x244: {  	s20 =	simm.s32 $0x1;
	v6 =	vmov s1;
	s1 =	simm.s32 $0x2;
	v7 =	vld [tilespmem:s14+$0xFFFFFF80]  }
0x245: {  	v8 =	vand.u32 $0x7C, v6;
	v6 =	vmov s20;
	v11 =	vmov s1;
	v10 =	vld [tilespmem:s14+$0xFFFFFFC0]  }
0x246: {  	v12 =	vadd.s32 v0, v8;
	v15 =	vand.u32 $0x7D, v6;
	v6 =	vld [tilespmem:s14+$0x0];
	v5 =	vmul.f32 $8.000000000e+00, v5  }
0x247: {  	v17 =	vand.u32 $0x7E, v11;
	v13 =	vadd.s32 v0, v15  }
0x248: {  	v11 =	vadd.s32 v0, v17;
	[tilespmem:v4+s19+$0x0] =	vst.idx.msk $0xffff, v5  }
0x249: {  	v4 =	vmul.f32 $8.000000000e+00, v7;
	v5 =	vld [tilespmem:s14+$0x50]  }
0x24a: {  	v7 =	vmul.f32 $8.000000000e+00, v10  }
0x24b: {  	[tilespmem:v12+s19+$0x0] =	vst.idx.msk $0xffff, v4;
	v4 =	vmul.f32 $8.000000000e+00, v6;
	v6 =	vadd.s32 v1, v9  }
0x24c: {  	[tilespmem:v13+s19+$0x0] =	vst.idx.msk $0xffff, v7;
	v10 =	vld [tilespmem:s14+$0xFFFFFF90]  }
0x24d: {  	v7 =	vld [tilespmem:s14+$0xFFFFFFD0];
	[tilespmem:v11+s19+$0x0] =	vst.idx.msk $0xffff, v4  }
0x24e: {  	v11 =	vld [tilespmem:s14+$0x10];
	v4 =	vmul.f32 $8.000000000e+00, v5  }
0x24f: {  	s23 =	simm.s32 $0x4;
	s29 =	simm.s32 $0x7;
	s28 =	simm.s32 $0x6580;
	v12 =	vadd.s32 v1, v15  }
0x250: {  	v14 =	vld [tilespmem:s28+$0x40];
	v13 =	vadd.s32 v1, v17;
	v5 =	vmov s23;
	[tilespmem:v6+s19+$0x0] =	vst.idx.msk $0xffff, v4;
	v6 =	vmov s29  }
0x251: {  	v16 =	vadd.s32 v1, v8;
	v4 =	vand.u32 $0x7C, v5;
	v5 =	vand.u32 $0x7F, v6;
	v18 =	vld [tilespmem:s14+$0x60]  }
0x252: {  	s30 =	simm.s32 $0x5;
	v22 =	vadd.s32 v2, v9;
	v19 =	vld [tilespmem:s28+$0xFFFFFF80];
	v6 =	vmul.f32 $8.000000000e+00, v7;
	v20 =	vadd.s32 v0, v5  }
0x253: {  	s31 =	simm.s32 $0x6;
	v21 =	vld [tilespmem:s28+$0xFFFFFFC0];
	v10 =	vmul.f32 $8.000000000e+00, v10;
	v7 =	vmul.f32 $8.000000000e+00, v11;
	v11 =	vmov s30  }
0x254: {  	v23 =	vadd.s32 v0, v4;
	[tilespmem:v12+s19+$0x0] =	vst.idx.msk $0xffff, v6;
	v12 =	vmov s31;
	v6 =	vand.u32 $0x7D, v11;
	v11 =	vld [tilespmem:s28+$0x0]  }
0x255: {  	[tilespmem:v13+s19+$0x0] =	vst.idx.msk $0xffff, v7;
	v13 =	vadd.s32 v0, v6;
	v7 =	vand.u32 $0x7E, v12;
	v12 =	vmul.f32 $8.000000000e+00, v14;
	v14 =	vld [tilespmem:s14+$0xFFFFFFE0]  }
0x256: {  	[tilespmem:v16+s19+$0x0] =	vst.idx.msk $0xffff, v10;
	v10 =	vadd.s32 v0, v7;
	v16 =	vld [tilespmem:s14+$0x20];
	v18 =	vmul.f32 $8.000000000e+00, v18  }
0x257: {  	v19 =	vmul.f32 $8.000000000e+00, v19;
	[tilespmem:v20+s19+$0x0] =	vst.idx.msk $0xffff, v12;
	v12 =	vld [tilespmem:s14+$0xFFFFFFA0];
	v20 =	vadd.s32 v2, v15  }
0x258: {  	v25 =	vadd.s32 v2, v17;
	v21 =	vmul.f32 $8.000000000e+00, v21;
	v24 =	vld [tilespmem:s28+$0x50];
	[tilespmem:v22+s19+$0x0] =	vst.idx.msk $0xffff, v18  }
0x259: {  	[tilespmem:v23+s19+$0x0] =	vst.idx.msk $0xffff, v19;
	v19 =	vadd.s32 v2, v8;
	v11 =	vmul.f32 $8.000000000e+00, v11;
	v22 =	vld [tilespmem:s14+$0x70]  }
0x25a: {  	v23 =	vld [tilespmem:s28+$0xFFFFFF90];
	[tilespmem:v13+s19+$0x0] =	vst.idx.msk $0xffff, v21;
	v21 =	vadd.s32 v1, v5;
	v14 =	vmul.f32 $8.000000000e+00, v14  }
0x25b: {  	v27 =	vadd.s32 v3, v9;
	v26 =	vld [tilespmem:s28+$0xFFFFFFD0];
	[tilespmem:v10+s19+$0x0] =	vst.idx.msk $0xffff, v11;
	v10 =	vmul.f32 $8.000000000e+00, v16  }
0x25c: {  	v18 =	vadd.s32 v1, v4;
	v13 =	vld [tilespmem:s28+$0x10];
	v9 =	vmul.f32 $8.000000000e+00, v12;
	[tilespmem:v20+s19+$0x0] =	vst.idx.msk $0xffff, v14  }
0x25d: {  	s0 =	simm.s32 $0x8;
	v16 =	vadd.s32 v1, v6;
	[tilespmem:v25+s19+$0x0] =	vst.idx.msk $0xffff, v10;
	v14 =	vmul.f32 $8.000000000e+00, v24;
	v12 =	vld [tilespmem:s14+$0xFFFFFFF0]  }
0x25e: {  	v20 =	vmov s0;
	v10 =	vadd.s32 v1, v7;
	v11 =	vld [tilespmem:s14+$0x30];
	[tilespmem:v19+s19+$0x0] =	vst.idx.msk $0xffff, v9;
	v63 =	vmul.f32 $8.000000000e+00, v22  }
0x25f: {  	s20 =	simm.s32 $0xB;
	s1 =	simm.s32 $0x6680;
	v15 =	vadd.s32 v3, v15;
	v9 =	vand.u32 $0x7C, v20;
	v20 =	vmul.f32 $8.000000000e+00, v23;
	[tilespmem:v21+s19+$0x0] =	vst.idx.msk $0xffff, v14;
	v14 =	vld [tilespmem:s14+$0xFFFFFFB0]  }
0x260: {  	v17 =	vadd.s32 v3, v17;
	v22 =	vmov s20;
	v19 =	vld [tilespmem:s1+$0x40];
	s14 =	simm.s32 $0xC;
	v21 =	vmul.f32 $8.000000000e+00, v26;
	[tilespmem:v27+s19+$0x0] =	vst.idx.msk $0xffff, v63  }
.LBB2_20:
0x261: {  	p0 =	slt.u32 s14, $0x7C;
	s20 =	sadd.s32 $0x1, s0;
	v22 =	vand.u32 $0x7F, v22;
	[tilespmem:v18+s19+$0x0] =	vst.idx.msk $0xffff, v20;
	v13 =	vmul.f32 $8.000000000e+00, v13;
	v18 =	vld [tilespmem:s28+$0x60];
	v20 =	vadd.s32 v3, v8;
	v8 =	vmovc v4  }
0x262: {  	v4 =	vmovc v9;
	v23 =	vld [tilespmem:s1+$0xFFFFFF80];
	v24 =	vmov s20;
	s20 =	sadd.s32 $0x2, s0;
	v25 =	vadd.s32 v0, v22;
	[tilespmem:v16+s19+$0x0] =	vst.idx.msk $0xffff, v21;
	v12 =	vmul.f32 $8.000000000e+00, v12;
	s0 =	smov.u32 s14  }
0x263: {  	v9 =	vld [tilespmem:s1+$0xFFFFFFC0];
	v16 =	vmov s20;
	[tilespmem:v10+s19+$0x0] =	vst.idx.msk $0xffff, v13;
	v10 =	vadd.s32 v2, v5;
	v11 =	vmul.f32 $8.000000000e+00, v11  }
0x264: {  	v13 =	vadd.s32 v0, v4;
	v21 =	vand.u32 $0x7D, v24;
	v24 =	vld [tilespmem:s1+$0x0];
	v14 =	vmul.f32 $8.000000000e+00, v14;
	[tilespmem:v15+s19+$0x0] =	vst.idx.msk $0xffff, v12  }
0x265: {  	v12 =	vadd.s32 v0, v21;
	v26 =	vand.u32 $0x7E, v16;
	v15 =	vmul.f32 $8.000000000e+00, v19;
	v16 =	vld [tilespmem:s28+$0xFFFFFFE0];
	[tilespmem:v17+s19+$0x0] =	vst.idx.msk $0xffff, v11  }
0x266: {  	v11 =	vadd.s32 v0, v26;
	v17 =	vld [tilespmem:s28+$0x20];
	v18 =	vmul.f32 $8.000000000e+00, v18;
	[tilespmem:v20+s19+$0x0] =	vst.idx.msk $0xffff, v14  }
0x267: {  	v19 =	vadd.s32 v2, v6;
	v14 =	vmul.f32 $8.000000000e+00, v23;
	[tilespmem:v25+s19+$0x0] =	vst.idx.msk $0xffff, v15;
	v15 =	vld [tilespmem:s28+$0xFFFFFFA0]  }
0x268: {  	v23 =	vadd.s32 v2, v7;
	v9 =	vmul.f32 $8.000000000e+00, v9;
	v20 =	vld [tilespmem:s1+$0x50];
	[tilespmem:v10+s19+$0x0] =	vst.idx.msk $0xffff, v18  }
0x269: {  	[tilespmem:v13+s19+$0x0] =	vst.idx.msk $0xffff, v14;
	v10 =	vmul.f32 $8.000000000e+00, v24;
	v14 =	vadd.s32 v2, v8;
	v24 =	vld [tilespmem:s28+$0x70]  }
0x26a: {  	v27 =	vadd.s32 v1, v22;
	v25 =	vld [tilespmem:s1+$0xFFFFFF90];
	[tilespmem:v12+s19+$0x0] =	vst.idx.msk $0xffff, v9;
	v9 =	vmul.f32 $8.000000000e+00, v16  }
0x26b: {  	v29 =	vadd.s32 v3, v5;
	v5 =	vmov v22;
	v28 =	vld [tilespmem:s1+$0xFFFFFFD0];
	[tilespmem:v11+s19+$0x0] =	vst.idx.msk $0xffff, v10;
	v10 =	vmul.f32 $8.000000000e+00, v17  }
.Ltmp9:
0x26c: {  	v18 =	vadd.s32 v1, v4;
	v13 =	vld [tilespmem:s1+$0x10];
	v11 =	vmul.f32 $8.000000000e+00, v15;
	[tilespmem:v19+s19+$0x0] =	vst.idx.msk $0xffff, v9;
	(pc) =	sbr.rel @p0 .LBB2_20-.Ltmp9, $4  }
0x26d: {  	v16 =	vadd.s32 v1, v21;
	v15 =	vmul.f32 $8.000000000e+00, v20;
	v12 =	vld [tilespmem:s28+$0xFFFFFFF0];
	[tilespmem:v23+s19+$0x0] =	vst.idx.msk $0xffff, v10  }
0x26e: {  	v9 =	vmov s14;
	v10 =	vadd.s32 v1, v26;
	[tilespmem:v14+s19+$0x0] =	vst.idx.msk $0xffff, v11;
	v11 =	vld [tilespmem:s28+$0x30];
	v23 =	vmul.f32 $8.000000000e+00, v24  }
0x26f: {  	s20 =	sadd.s32 $0x3, s14;
	v9 =	vand.u32 $0x7C, v9;
	v20 =	vmul.f32 $8.000000000e+00, v25;
	[tilespmem:v27+s19+$0x0] =	vst.idx.msk $0xffff, v15;
	v14 =	vld [tilespmem:s28+$0xFFFFFFB0];
	v15 =	vadd.s32 v3, v6;
	v6 =	vmovc v21;
	s28 =	smov.u32 s1;
	s1 =	sadd.s32 $0x100, s1  }
0x270: {  	v22 =	vmov s20;
	v17 =	vadd.s32 v3, v7;
	v7 =	vmovc v26;
	s14 =	sadd.s32 $0x4, s14;
	v19 =	vld [tilespmem:s1+$0x40];
	v21 =	vmul.f32 $8.000000000e+00, v28;
	[tilespmem:v29+s19+$0x0] =	vst.idx.msk $0xffff, v23  }
0x271: {  	s14 =	sadd.s32 $0x1, s0;
	v22 =	vand.u32 $0x7F, v22;
	v28 =	vld [tilespmem:s1+$0xFFFFFF80]  }
0x272: {  	s31 =	sadd.s32 $0x2, s0;
	v24 =	vld [tilespmem:s1+$0xFFFFFFC0];
	v23 =	vmov s14;
	v25 =	vadd.s32 v0, v22  }
0x273: {  	v27 =	vld [tilespmem:s1+$0x0];
	v51 =	vadd.s32 v0, v9;
	v26 =	vmov s31;
	v23 =	vand.u32 $0x7D, v23  }
0x274: {  	v26 =	vand.u32 $0x7E, v26;
	v29 =	vadd.s32 v0, v23  }
0x275: {  	[tilespmem:v18+s19+$0x0] =	vst.idx.msk $0xffff, v20;
	v30 =	vadd.s32 v0, v26;
	v19 =	vmul.f32 $8.000000000e+00, v19  }
0x276: {  	[tilespmem:v16+s19+$0x0] =	vst.idx.msk $0xffff, v21;
	v54 =	vmul.f32 $8.000000000e+00, v28  }
0x277: {  	v52 =	vmul.f32 $8.000000000e+00, v24;
	[tilespmem:v25+s19+$0x0] =	vst.idx.msk $0xffff, v19  }
0x278: {  	v53 =	vmul.f32 $8.000000000e+00, v27;
	v55 =	vld [tilespmem:s1+$0x50];
	[tilespmem:v51+s19+$0x0] =	vst.idx.msk $0xffff, v54  }
0x279: {  	v13 =	vmul.f32 $8.000000000e+00, v13;
	v8 =	vadd.s32 v3, v8;
	[tilespmem:v29+s19+$0x0] =	vst.idx.msk $0xffff, v52;
	v59 =	vld [tilespmem:s1+$0xFFFFFF90]  }
0x27a: {  	v12 =	vmul.f32 $8.000000000e+00, v12;
	v57 =	vadd.s32 v1, v22;
	[tilespmem:v30+s19+$0x0] =	vst.idx.msk $0xffff, v53;
	v56 =	vld [tilespmem:s1+$0xFFFFFFD0]  }
0x27b: {  	[tilespmem:v10+s19+$0x0] =	vst.idx.msk $0xffff, v13;
	v58 =	vmul.f32 $8.000000000e+00, v11;
	v28 =	vadd.s32 v1, v9;
	v19 =	vld [tilespmem:s1+$0x10]  }
0x27c: {  	v61 =	vld [tilespmem:s28+$0x60];
	v60 =	vadd.s32 v1, v23;
	v14 =	vmul.f32 $8.000000000e+00, v14;
	[tilespmem:v15+s19+$0x0] =	vst.idx.msk $0xffff, v12  }
0x27d: {  	v32 =	vld [tilespmem:s28+$0xFFFFFFA0];
	v62 =	vadd.s32 v1, v26;
	[tilespmem:v17+s19+$0x0] =	vst.idx.msk $0xffff, v58;
	v16 =	vmul.f32 $8.000000000e+00, v55  }
0x27e: {  	[tilespmem:v8+s19+$0x0] =	vst.idx.msk $0xffff, v14;
	v29 =	vadd.s32 v2, v5;
	v30 =	vld [tilespmem:s28+$0x20];
	v11 =	vmul.f32 $8.000000000e+00, v59  }
0x27f: {  	v38 =	vadd.s32 v2, v4;
	v63 =	vld [tilespmem:s28+$0xFFFFFFE0];
	v31 =	vmul.f32 $8.000000000e+00, v56;
	[tilespmem:v57+s19+$0x0] =	vst.idx.msk $0xffff, v16  }
0x280: {  	v35 =	vadd.s32 v2, v7;
	v34 =	vmul.f32 $8.000000000e+00, v19;
	v36 =	vld [tilespmem:s1+$0x60];
	[tilespmem:v28+s19+$0x0] =	vst.idx.msk $0xffff, v11  }
0x281: {  	v33 =	vadd.s32 v2, v6;
	v37 =	vmul.f32 $8.000000000e+00, v61;
	[tilespmem:v60+s19+$0x0] =	vst.idx.msk $0xffff, v31;
	v43 =	vld [tilespmem:s1+$0xFFFFFFA0]  }
0x282: {  	v40 =	vadd.s32 v2, v22;
	v14 =	vmul.f32 $8.000000000e+00, v32;
	[tilespmem:v62+s19+$0x0] =	vst.idx.msk $0xffff, v34;
	v39 =	vld [tilespmem:s1+$0xFFFFFFE0]  }
0x283: {  	v48 =	vadd.s32 v2, v9;
	[tilespmem:v29+s19+$0x0] =	vst.idx.msk $0xffff, v37;
	v42 =	vmul.f32 $8.000000000e+00, v30;
	v41 =	vld [tilespmem:s1+$0x20]  }
0x284: {  	v44 =	vadd.s32 v2, v23;
	v15 =	vmul.f32 $8.000000000e+00, v63;
	[tilespmem:v38+s19+$0x0] =	vst.idx.msk $0xffff, v14;
	v45 =	vld [tilespmem:s28+$0x70]  }
0x285: {  	v46 =	vadd.s32 v2, v26;
	v14 =	vld [tilespmem:s28+$0xFFFFFFB0];
	[tilespmem:v35+s19+$0x0] =	vst.idx.msk $0xffff, v42;
	v47 =	vmul.f32 $8.000000000e+00, v36  }
0x286: {  	v5 =	vadd.s32 v3, v5;
	[tilespmem:v33+s19+$0x0] =	vst.idx.msk $0xffff, v15;
	v49 =	vld [tilespmem:s28+$0x30];
	v53 =	vmul.f32 $8.000000000e+00, v43  }
0x287: {  	v4 =	vadd.s32 v3, v4;
	v21 =	vld [tilespmem:s28+$0xFFFFFFF0];
	v12 =	vmul.f32 $8.000000000e+00, v39;
	[tilespmem:v40+s19+$0x0] =	vst.idx.msk $0xffff, v47  }
0x288: {  	v52 =	vadd.s32 v3, v7;
	v51 =	vmul.f32 $8.000000000e+00, v41;
	v10 =	vld [tilespmem:s1+$0x70];
	[tilespmem:v48+s19+$0x0] =	vst.idx.msk $0xffff, v53  }
0x289: {  	v50 =	vadd.s32 v3, v6;
	v54 =	vmul.f32 $8.000000000e+00, v45;
	[tilespmem:v44+s19+$0x0] =	vst.idx.msk $0xffff, v12;
	v59 =	vld [tilespmem:s1+$0xFFFFFFB0]  }
0x28a: {  	v57 =	vadd.s32 v3, v22;
	v14 =	vmul.f32 $8.000000000e+00, v14;
	[tilespmem:v46+s19+$0x0] =	vst.idx.msk $0xffff, v51;
	v55 =	vld [tilespmem:s1+$0xFFFFFFF0]  }
0x28b: {  	v62 =	vadd.s32 v3, v9;
	[tilespmem:v5+s19+$0x0] =	vst.idx.msk $0xffff, v54;
	v5 =	vmul.f32 $8.000000000e+00, v49;
	v58 =	vld [tilespmem:s1+$0x30]  }
0x28c: {  	v56 =	vmul.f32 $8.000000000e+00, v21;
	v60 =	vadd.s32 v3, v23;
	[tilespmem:v4+s19+$0x0] =	vst.idx.msk $0xffff, v14  }
0x28d: {  	v61 =	vadd.s32 v3, v26;
	[tilespmem:v52+s19+$0x0] =	vst.idx.msk $0xffff, v5;
	v5 =	vmul.f32 $8.000000000e+00, v10  }
0x28e: {  	[tilespmem:v50+s19+$0x0] =	vst.idx.msk $0xffff, v56;
	v63 =	vmul.f32 $8.000000000e+00, v59  }
0x28f: {  	v4 =	vmul.f32 $8.000000000e+00, v55;
	[tilespmem:v57+s19+$0x0] =	vst.idx.msk $0xffff, v5  }
0x290: {  	v5 =	vmul.f32 $8.000000000e+00, v58;
	[tilespmem:v62+s19+$0x0] =	vst.idx.msk $0xffff, v63  }
0x291: {  	[tilespmem:v60+s19+$0x0] =	vst.idx.msk $0xffff, v4  }
0x292: {  	s1 =	simm.s32 $0xA400;
	[tilespmem:v61+s19+$0x0] =	vst.idx.msk $0xffff, v5  }
0x293: {  	[hbm4b:s10+s3] =	stream.linear.scatter [tilespmem:s1], [sflag:$0x3], $0x80, $0x38;
	[tilespmem:$0xE800] =	vst v63  }
0x294: {  	s20 =	sadd.s32 $0x10, s10;
	s14 =	simm.s32 $0xA488  }
0x295: {  	[hbm4b:s20+s3] =	stream.linear.scatter [tilespmem:s14], [sflag:$0x3], $0x80, $0x38;
	[tilespmem:$0xE800] =	vst v63  }
0x296: {  	s23 =	simm.s32 $0xA510;
	s29 =	sadd.s32 $0x20, s10;
	s30 =	simm.s32 $0xA598  }
0x297: {  	[hbm4b:s29+s3] =	stream.linear.scatter [tilespmem:s23], [sflag:$0x3], $0x80, $0x38;
	[tilespmem:$0xE800] =	vst v63  }
0x298: {  	s0 =	simm.s32 $0x440;
	s31 =	sadd.s32 $0x30, s10;
	s28 =	simm.s32 $0xA7B8  }
0x299: {  	[hbm4b:s31+s3] =	stream.linear.scatter [tilespmem:s30], [sflag:$0x3], $0x80, $0x38;
	[tilespmem:$0xE800] =	vst v63  }
0x29a: {  	s1 =	sadd.s32 $0x1000, s10;
	s14 =	simm.s32 $0xA620;
	s20 =	sadd.s32 $0x40, s10  }
0x29b: {  	[hbm4b:s20+s3] =	stream.linear.scatter [tilespmem:s14], [sflag:$0x3], $0x80, $0x38;
	[tilespmem:$0xE800] =	vst v63  }
0x29c: {  	s23 =	simm.s32 $0xA6A8;
	s29 =	sadd.s32 $0x50, s10;
	s30 =	simm.s32 $0xA730  }
0x29d: {  	[hbm4b:s29+s3] =	stream.linear.scatter [tilespmem:s23], [sflag:$0x3], $0x80, $0x38;
	[tilespmem:$0xE800] =	vst v63  }
0x29e: {  	s31 =	sadd.s32 $0x60, s10;
	s14 =	simm.s32 $0x2200;
	s20 =	sadd.s32 $0x70, s10  }
0x29f: {  	[hbm4b:s31+s3] =	stream.linear.scatter [tilespmem:s30], [sflag:$0x3], $0x80, $0x38;
	[tilespmem:$0xE800] =	vst v63  }
.LBB2_22:
0x2a0: {  	[hbm4b:s20+s3] =	stream.linear.scatter [tilespmem:s28], [sflag:$0x3], $0x80, $0x38;
	[tilespmem:$0xE800] =	vst v63  }
0x2a1: {  	s20 =	smov.u32 s0;
	s0 =	smov.u32 s14  }
0x2a2: {  	s23 =	sadd.s32 $0x1100, s14;
	s0 =	sshra.s32 s0, $0x2;
	s28 =	sadd.s32 $0xA400, s20  }
0x2a3: {  	[hbm4b:s1+s3] =	stream.linear.scatter [tilespmem:s28], [sflag:$0x3], $0x80, $0x38;
	[tilespmem:$0xE800] =	vst v63  }
0x2a4: {  	p0 =	sne.s32 s14, $0x7700;
	s14 =	sadd.s32 $0xA488, s20;
	s28 =	sadd.s32 $0x10, s1  }
0x2a5: {  	[hbm4b:s28+s3] =	stream.linear.scatter [tilespmem:s14], [sflag:$0x3], $0x80, $0x38;
	[tilespmem:$0xE800] =	vst v63  }
0x2a6: {  	s14 =	sadd.s32 $0xA510, s20;
	s28 =	sadd.s32 $0x20, s1  }
0x2a7: {  	[hbm4b:s28+s3] =	stream.linear.scatter [tilespmem:s14], [sflag:$0x3], $0x80, $0x38;
	[tilespmem:$0xE800] =	vst v63  }
0x2a8: {  	s14 =	sadd.s32 $0xA598, s20;
	s28 =	sadd.s32 $0x30, s1  }
0x2a9: {  	[hbm4b:s28+s3] =	stream.linear.scatter [tilespmem:s14], [sflag:$0x3], $0x80, $0x38;
	[tilespmem:$0xE800] =	vst v63  }
0x2aa: {  	s14 =	sadd.s32 $0xA620, s20;
	s28 =	sadd.s32 $0x40, s1  }
0x2ab: {  	[hbm4b:s28+s3] =	stream.linear.scatter [tilespmem:s14], [sflag:$0x3], $0x80, $0x38;
	[tilespmem:$0xE800] =	vst v63  }
0x2ac: {  	s14 =	sadd.s32 $0xA6A8, s20;
	s28 =	sadd.s32 $0x50, s1  }
0x2ad: {  	[hbm4b:s28+s3] =	stream.linear.scatter [tilespmem:s14], [sflag:$0x3], $0x80, $0x38;
	[tilespmem:$0xE800] =	vst v63  }
.Ltmp10:
0x2ae: {  	_ = 	snop;
	(pc) =	sbr.rel @p0 .LBB2_22-.Ltmp10, $4  }
0x2af: {  	s14 =	sadd.s32 $0xA730, s20;
	s28 =	sadd.s32 $0x60, s1  }
0x2b0: {  	[hbm4b:s28+s3] =	stream.linear.scatter [tilespmem:s14], [sflag:$0x3], $0x80, $0x38;
	[tilespmem:$0xE800] =	vst v63  }
0x2b1: {  	s28 =	sadd.s32 $0xA7B8, s20  }
0x2b2: {  	s20 =	sadd.s32 $0x70, s1;
	s1 =	sadd.s32 $0x1000, s1;
	s14 =	smov.u32 s23  }
0x2b3: {  	[hbm4b:s20+s3] =	stream.linear.scatter [tilespmem:s28], [sflag:$0x3], $0x80, $0x38;
	[tilespmem:$0xE800] =	vst v63  }
0x2b4: {  	s14 =	sadd.s32 $0xA400, s0  }
0x2b5: {  	[hbm4b:s1+s3] =	stream.linear.scatter [tilespmem:s14], [sflag:$0x3], $0x80, $0x38;
	[tilespmem:$0xE800] =	vst v63  }
0x2b6: {  	s23 =	sadd.s32 $0xA488, s0;
	s29 =	sadd.s32 $0x10, s1  }
0x2b7: {  	[hbm4b:s29+s3] =	stream.linear.scatter [tilespmem:s23], [sflag:$0x3], $0x80, $0x38;
	[tilespmem:$0xE800] =	vst v63  }
0x2b8: {  	s30 =	sadd.s32 $0xA510, s0;
	s31 =	sadd.s32 $0x20, s1  }
0x2b9: {  	[hbm4b:s31+s3] =	stream.linear.scatter [tilespmem:s30], [sflag:$0x3], $0x80, $0x38;
	[tilespmem:$0xE800] =	vst v63  }
0x2ba: {  	s23 =	sadd.s32 $0xA598, s0;
	s29 =	sadd.s32 $0x30, s1  }
0x2bb: {  	[hbm4b:s29+s3] =	stream.linear.scatter [tilespmem:s23], [sflag:$0x3], $0x80, $0x38;
	[tilespmem:$0xE800] =	vst v63  }
0x2bc: {  	s30 =	sadd.s32 $0xA620, s0;
	s31 =	sadd.s32 $0x40, s1  }
0x2bd: {  	[hbm4b:s31+s3] =	stream.linear.scatter [tilespmem:s30], [sflag:$0x3], $0x80, $0x38;
	[tilespmem:$0xE800] =	vst v63  }
0x2be: {  	s23 =	sadd.s32 $0xA6A8, s0;
	s29 =	sadd.s32 $0x50, s1  }
0x2bf: {  	[hbm4b:s29+s3] =	stream.linear.scatter [tilespmem:s23], [sflag:$0x3], $0x80, $0x38;
	[tilespmem:$0xE800] =	vst v63  }
0x2c0: {  	s30 =	sadd.s32 $0xA730, s0;
	s31 =	sadd.s32 $0x60, s1  }
0x2c1: {  	[hbm4b:s31+s3] =	stream.linear.scatter [tilespmem:s30], [sflag:$0x3], $0x80, $0x38;
	[tilespmem:$0xE800] =	vst v63  }
0x2c2: {  	s20 =	sadd.s32 $0x70, s1;
	s14 =	sadd.s32 $0xA7B8, s0  }
0x2c3: {  	[hbm4b:s20+s3] =	stream.linear.scatter [tilespmem:s14], [sflag:$0x3], $0x80, $0x38;
	[tilespmem:$0xE800] =	vst v63  }
0x2c4: {  	_ =	swait.ge [sflag:s21], $0x2000  }
0x2c5: {  	[sflag:s21] =	ssyncset.done $0x0  }
0x2c6: {  	[sflag:s21] =	ssyncadd.s32 $0xFFFFE000  }
0x2c7: {  	_ =	swait.ge [sflag:s25], $0x2000  }
0x2c8: {  	[sflag:s25] =	ssyncset.done $0x0  }
0x2c9: {  	s23 =	simm.s32 $0x3;
	s14 =	simm.s32 $0x8480;
	[sflag:s25] =	ssyncadd.s32 $0xFFFFE000  }
0x2ca: {  	v4 =	vmov s23;
	v5 =	vld [tilespmem:s14+$0x40]  }
0x2cb: {  	v9 =	vand.u32 $0x7F, v4  }
0x2cc: {  	s29 =	simm.s32 $0x0;
	v4 =	vadd.s32 v0, v9  }
0x2cd: {  	v6 =	vmov s29;
	s30 =	simm.s32 $0x1;
	s31 =	simm.s32 $0x2;
	v7 =	vld [tilespmem:s14+$0xFFFFFF80]  }
0x2ce: {  	v8 =	vand.u32 $0x7C, v6;
	v6 =	vmov s30;
	v11 =	vmov s31;
	v10 =	vld [tilespmem:s14+$0xFFFFFFC0]  }
0x2cf: {  	v12 =	vadd.s32 v0, v8;
	v15 =	vand.u32 $0x7D, v6;
	v6 =	vld [tilespmem:s14+$0x0];
	v5 =	vmul.f32 $8.000000000e+00, v5  }
0x2d0: {  	v17 =	vand.u32 $0x7E, v11;
	v13 =	vadd.s32 v0, v15  }
0x2d1: {  	v11 =	vadd.s32 v0, v17;
	[tilespmem:v4+s22+$0x0] =	vst.idx.msk $0xffff, v5  }
0x2d2: {  	v4 =	vmul.f32 $8.000000000e+00, v7;
	v5 =	vld [tilespmem:s14+$0x50]  }
0x2d3: {  	v7 =	vmul.f32 $8.000000000e+00, v10  }
0x2d4: {  	[tilespmem:v12+s22+$0x0] =	vst.idx.msk $0xffff, v4;
	v4 =	vmul.f32 $8.000000000e+00, v6;
	v6 =	vadd.s32 v1, v9  }
0x2d5: {  	[tilespmem:v13+s22+$0x0] =	vst.idx.msk $0xffff, v7;
	v10 =	vld [tilespmem:s14+$0xFFFFFF90]  }
0x2d6: {  	v7 =	vld [tilespmem:s14+$0xFFFFFFD0];
	[tilespmem:v11+s22+$0x0] =	vst.idx.msk $0xffff, v4  }
0x2d7: {  	v11 =	vld [tilespmem:s14+$0x10];
	v4 =	vmul.f32 $8.000000000e+00, v5  }
0x2d8: {  	s28 =	simm.s32 $0x8580;
	s23 =	simm.s32 $0x7;
	s20 =	simm.s32 $0x4;
	v12 =	vadd.s32 v1, v15  }
0x2d9: {  	v14 =	vld [tilespmem:s28+$0x40];
	v13 =	vadd.s32 v1, v17;
	v5 =	vmov s20;
	[tilespmem:v6+s22+$0x0] =	vst.idx.msk $0xffff, v4;
	v6 =	vmov s23  }
0x2da: {  	v16 =	vadd.s32 v1, v8;
	v4 =	vand.u32 $0x7C, v5;
	v5 =	vand.u32 $0x7F, v6;
	v18 =	vld [tilespmem:s14+$0x60]  }
0x2db: {  	s29 =	simm.s32 $0x5;
	v22 =	vadd.s32 v2, v9;
	v19 =	vld [tilespmem:s28+$0xFFFFFF80];
	v6 =	vmul.f32 $8.000000000e+00, v7;
	v20 =	vadd.s32 v0, v5  }
0x2dc: {  	s30 =	simm.s32 $0x6;
	v21 =	vld [tilespmem:s28+$0xFFFFFFC0];
	v10 =	vmul.f32 $8.000000000e+00, v10;
	v7 =	vmul.f32 $8.000000000e+00, v11;
	v11 =	vmov s29  }
0x2dd: {  	v23 =	vadd.s32 v0, v4;
	[tilespmem:v12+s22+$0x0] =	vst.idx.msk $0xffff, v6;
	v12 =	vmov s30;
	v6 =	vand.u32 $0x7D, v11;
	v11 =	vld [tilespmem:s28+$0x0]  }
0x2de: {  	[tilespmem:v13+s22+$0x0] =	vst.idx.msk $0xffff, v7;
	v13 =	vadd.s32 v0, v6;
	v7 =	vand.u32 $0x7E, v12;
	v12 =	vmul.f32 $8.000000000e+00, v14;
	v14 =	vld [tilespmem:s14+$0xFFFFFFE0]  }
0x2df: {  	[tilespmem:v16+s22+$0x0] =	vst.idx.msk $0xffff, v10;
	v10 =	vadd.s32 v0, v7;
	v16 =	vld [tilespmem:s14+$0x20];
	v18 =	vmul.f32 $8.000000000e+00, v18  }
0x2e0: {  	v19 =	vmul.f32 $8.000000000e+00, v19;
	[tilespmem:v20+s22+$0x0] =	vst.idx.msk $0xffff, v12;
	v12 =	vld [tilespmem:s14+$0xFFFFFFA0];
	v20 =	vadd.s32 v2, v15  }
0x2e1: {  	v25 =	vadd.s32 v2, v17;
	v21 =	vmul.f32 $8.000000000e+00, v21;
	v24 =	vld [tilespmem:s28+$0x50];
	[tilespmem:v22+s22+$0x0] =	vst.idx.msk $0xffff, v18  }
0x2e2: {  	[tilespmem:v23+s22+$0x0] =	vst.idx.msk $0xffff, v19;
	v19 =	vadd.s32 v2, v8;
	v11 =	vmul.f32 $8.000000000e+00, v11;
	v22 =	vld [tilespmem:s14+$0x70]  }
0x2e3: {  	v23 =	vld [tilespmem:s28+$0xFFFFFF90];
	[tilespmem:v13+s22+$0x0] =	vst.idx.msk $0xffff, v21;
	v21 =	vadd.s32 v1, v5;
	v14 =	vmul.f32 $8.000000000e+00, v14  }
0x2e4: {  	v27 =	vadd.s32 v3, v9;
	v26 =	vld [tilespmem:s28+$0xFFFFFFD0];
	[tilespmem:v10+s22+$0x0] =	vst.idx.msk $0xffff, v11;
	v10 =	vmul.f32 $8.000000000e+00, v16  }
0x2e5: {  	v18 =	vadd.s32 v1, v4;
	v13 =	vld [tilespmem:s28+$0x10];
	v9 =	vmul.f32 $8.000000000e+00, v12;
	[tilespmem:v20+s22+$0x0] =	vst.idx.msk $0xffff, v14  }
0x2e6: {  	s0 =	simm.s32 $0x8;
	v16 =	vadd.s32 v1, v6;
	[tilespmem:v25+s22+$0x0] =	vst.idx.msk $0xffff, v10;
	v14 =	vmul.f32 $8.000000000e+00, v24;
	v12 =	vld [tilespmem:s14+$0xFFFFFFF0]  }
0x2e7: {  	v20 =	vmov s0;
	v10 =	vadd.s32 v1, v7;
	v11 =	vld [tilespmem:s14+$0x30];
	[tilespmem:v19+s22+$0x0] =	vst.idx.msk $0xffff, v9;
	v63 =	vmul.f32 $8.000000000e+00, v22  }
0x2e8: {  	s1 =	simm.s32 $0x8680;
	s31 =	simm.s32 $0xB;
	v15 =	vadd.s32 v3, v15;
	v9 =	vand.u32 $0x7C, v20;
	v20 =	vmul.f32 $8.000000000e+00, v23;
	[tilespmem:v21+s22+$0x0] =	vst.idx.msk $0xffff, v14;
	v14 =	vld [tilespmem:s14+$0xFFFFFFB0]  }
0x2e9: {  	v17 =	vadd.s32 v3, v17;
	v22 =	vmov s31;
	v19 =	vld [tilespmem:s1+$0x40];
	s14 =	simm.s32 $0xC;
	v21 =	vmul.f32 $8.000000000e+00, v26;
	[tilespmem:v27+s22+$0x0] =	vst.idx.msk $0xffff, v63  }
.LBB2_24:
0x2ea: {  	p0 =	slt.u32 s14, $0x7C;
	s20 =	sadd.s32 $0x1, s0;
	v22 =	vand.u32 $0x7F, v22;
	[tilespmem:v18+s22+$0x0] =	vst.idx.msk $0xffff, v20;
	v13 =	vmul.f32 $8.000000000e+00, v13;
	v18 =	vld [tilespmem:s28+$0x60];
	v20 =	vadd.s32 v3, v8;
	v8 =	vmovc v4  }
0x2eb: {  	v4 =	vmovc v9;
	v23 =	vld [tilespmem:s1+$0xFFFFFF80];
	v24 =	vmov s20;
	s20 =	sadd.s32 $0x2, s0;
	v25 =	vadd.s32 v0, v22;
	[tilespmem:v16+s22+$0x0] =	vst.idx.msk $0xffff, v21;
	v12 =	vmul.f32 $8.000000000e+00, v12;
	s0 =	smov.u32 s14  }
0x2ec: {  	v9 =	vld [tilespmem:s1+$0xFFFFFFC0];
	v16 =	vmov s20;
	[tilespmem:v10+s22+$0x0] =	vst.idx.msk $0xffff, v13;
	v10 =	vadd.s32 v2, v5;
	v11 =	vmul.f32 $8.000000000e+00, v11  }
0x2ed: {  	v13 =	vadd.s32 v0, v4;
	v21 =	vand.u32 $0x7D, v24;
	v24 =	vld [tilespmem:s1+$0x0];
	v14 =	vmul.f32 $8.000000000e+00, v14;
	[tilespmem:v15+s22+$0x0] =	vst.idx.msk $0xffff, v12  }
0x2ee: {  	v12 =	vadd.s32 v0, v21;
	v26 =	vand.u32 $0x7E, v16;
	v15 =	vmul.f32 $8.000000000e+00, v19;
	v16 =	vld [tilespmem:s28+$0xFFFFFFE0];
	[tilespmem:v17+s22+$0x0] =	vst.idx.msk $0xffff, v11  }
0x2ef: {  	v11 =	vadd.s32 v0, v26;
	v17 =	vld [tilespmem:s28+$0x20];
	v18 =	vmul.f32 $8.000000000e+00, v18;
	[tilespmem:v20+s22+$0x0] =	vst.idx.msk $0xffff, v14  }
0x2f0: {  	v19 =	vadd.s32 v2, v6;
	v14 =	vmul.f32 $8.000000000e+00, v23;
	[tilespmem:v25+s22+$0x0] =	vst.idx.msk $0xffff, v15;
	v15 =	vld [tilespmem:s28+$0xFFFFFFA0]  }
0x2f1: {  	v23 =	vadd.s32 v2, v7;
	v9 =	vmul.f32 $8.000000000e+00, v9;
	v20 =	vld [tilespmem:s1+$0x50];
	[tilespmem:v10+s22+$0x0] =	vst.idx.msk $0xffff, v18  }
0x2f2: {  	[tilespmem:v13+s22+$0x0] =	vst.idx.msk $0xffff, v14;
	v10 =	vmul.f32 $8.000000000e+00, v24;
	v14 =	vadd.s32 v2, v8;
	v24 =	vld [tilespmem:s28+$0x70]  }
0x2f3: {  	v27 =	vadd.s32 v1, v22;
	v25 =	vld [tilespmem:s1+$0xFFFFFF90];
	[tilespmem:v12+s22+$0x0] =	vst.idx.msk $0xffff, v9;
	v9 =	vmul.f32 $8.000000000e+00, v16  }
0x2f4: {  	v29 =	vadd.s32 v3, v5;
	v5 =	vmov v22;
	v28 =	vld [tilespmem:s1+$0xFFFFFFD0];
	[tilespmem:v11+s22+$0x0] =	vst.idx.msk $0xffff, v10;
	v10 =	vmul.f32 $8.000000000e+00, v17  }
.Ltmp11:
0x2f5: {  	v18 =	vadd.s32 v1, v4;
	v13 =	vld [tilespmem:s1+$0x10];
	v11 =	vmul.f32 $8.000000000e+00, v15;
	[tilespmem:v19+s22+$0x0] =	vst.idx.msk $0xffff, v9;
	(pc) =	sbr.rel @p0 .LBB2_24-.Ltmp11, $4  }
0x2f6: {  	v16 =	vadd.s32 v1, v21;
	v15 =	vmul.f32 $8.000000000e+00, v20;
	v12 =	vld [tilespmem:s28+$0xFFFFFFF0];
	[tilespmem:v23+s22+$0x0] =	vst.idx.msk $0xffff, v10  }
0x2f7: {  	v9 =	vmov s14;
	v10 =	vadd.s32 v1, v26;
	[tilespmem:v14+s22+$0x0] =	vst.idx.msk $0xffff, v11;
	v11 =	vld [tilespmem:s28+$0x30];
	v23 =	vmul.f32 $8.000000000e+00, v24  }
0x2f8: {  	s20 =	sadd.s32 $0x3, s14;
	v9 =	vand.u32 $0x7C, v9;
	v20 =	vmul.f32 $8.000000000e+00, v25;
	[tilespmem:v27+s22+$0x0] =	vst.idx.msk $0xffff, v15;
	v14 =	vld [tilespmem:s28+$0xFFFFFFB0];
	v15 =	vadd.s32 v3, v6;
	v6 =	vmovc v21;
	s28 =	smov.u32 s1;
	s1 =	sadd.s32 $0x100, s1  }
0x2f9: {  	v22 =	vmov s20;
	v17 =	vadd.s32 v3, v7;
	v7 =	vmovc v26;
	s14 =	sadd.s32 $0x4, s14;
	v19 =	vld [tilespmem:s1+$0x40];
	v21 =	vmul.f32 $8.000000000e+00, v28;
	[tilespmem:v29+s22+$0x0] =	vst.idx.msk $0xffff, v23  }
0x2fa: {  	s14 =	sadd.s32 $0x1, s0;
	v22 =	vand.u32 $0x7F, v22;
	v28 =	vld [tilespmem:s1+$0xFFFFFF80]  }
0x2fb: {  	s31 =	sadd.s32 $0x2, s0;
	v24 =	vld [tilespmem:s1+$0xFFFFFFC0];
	v23 =	vmov s14;
	v25 =	vadd.s32 v0, v22  }
0x2fc: {  	v27 =	vld [tilespmem:s1+$0x0];
	v51 =	vadd.s32 v0, v9;
	v26 =	vmov s31;
	v23 =	vand.u32 $0x7D, v23  }
0x2fd: {  	v26 =	vand.u32 $0x7E, v26;
	v29 =	vadd.s32 v0, v23  }
0x2fe: {  	[tilespmem:v18+s22+$0x0] =	vst.idx.msk $0xffff, v20;
	v30 =	vadd.s32 v0, v26;
	v19 =	vmul.f32 $8.000000000e+00, v19  }
0x2ff: {  	[tilespmem:v16+s22+$0x0] =	vst.idx.msk $0xffff, v21;
	v54 =	vmul.f32 $8.000000000e+00, v28  }
0x300: {  	v52 =	vmul.f32 $8.000000000e+00, v24;
	[tilespmem:v25+s22+$0x0] =	vst.idx.msk $0xffff, v19  }
0x301: {  	v53 =	vmul.f32 $8.000000000e+00, v27;
	v55 =	vld [tilespmem:s1+$0x50];
	[tilespmem:v51+s22+$0x0] =	vst.idx.msk $0xffff, v54  }
0x302: {  	v13 =	vmul.f32 $8.000000000e+00, v13;
	v8 =	vadd.s32 v3, v8;
	[tilespmem:v29+s22+$0x0] =	vst.idx.msk $0xffff, v52;
	v59 =	vld [tilespmem:s1+$0xFFFFFF90]  }
0x303: {  	v12 =	vmul.f32 $8.000000000e+00, v12;
	v57 =	vadd.s32 v1, v22;
	[tilespmem:v30+s22+$0x0] =	vst.idx.msk $0xffff, v53;
	v56 =	vld [tilespmem:s1+$0xFFFFFFD0]  }
0x304: {  	[tilespmem:v10+s22+$0x0] =	vst.idx.msk $0xffff, v13;
	v58 =	vmul.f32 $8.000000000e+00, v11;
	v28 =	vadd.s32 v1, v9;
	v19 =	vld [tilespmem:s1+$0x10]  }
0x305: {  	v61 =	vld [tilespmem:s28+$0x60];
	v60 =	vadd.s32 v1, v23;
	v14 =	vmul.f32 $8.000000000e+00, v14;
	[tilespmem:v15+s22+$0x0] =	vst.idx.msk $0xffff, v12  }
0x306: {  	v32 =	vld [tilespmem:s28+$0xFFFFFFA0];
	v62 =	vadd.s32 v1, v26;
	[tilespmem:v17+s22+$0x0] =	vst.idx.msk $0xffff, v58;
	v16 =	vmul.f32 $8.000000000e+00, v55  }
0x307: {  	[tilespmem:v8+s22+$0x0] =	vst.idx.msk $0xffff, v14;
	v29 =	vadd.s32 v2, v5;
	v30 =	vld [tilespmem:s28+$0x20];
	v11 =	vmul.f32 $8.000000000e+00, v59  }
0x308: {  	v38 =	vadd.s32 v2, v4;
	v63 =	vld [tilespmem:s28+$0xFFFFFFE0];
	v31 =	vmul.f32 $8.000000000e+00, v56;
	[tilespmem:v57+s22+$0x0] =	vst.idx.msk $0xffff, v16  }
0x309: {  	v35 =	vadd.s32 v2, v7;
	v34 =	vmul.f32 $8.000000000e+00, v19;
	v36 =	vld [tilespmem:s1+$0x60];
	[tilespmem:v28+s22+$0x0] =	vst.idx.msk $0xffff, v11  }
0x30a: {  	v33 =	vadd.s32 v2, v6;
	v37 =	vmul.f32 $8.000000000e+00, v61;
	[tilespmem:v60+s22+$0x0] =	vst.idx.msk $0xffff, v31;
	v43 =	vld [tilespmem:s1+$0xFFFFFFA0]  }
0x30b: {  	v40 =	vadd.s32 v2, v22;
	v14 =	vmul.f32 $8.000000000e+00, v32;
	[tilespmem:v62+s22+$0x0] =	vst.idx.msk $0xffff, v34;
	v39 =	vld [tilespmem:s1+$0xFFFFFFE0]  }
0x30c: {  	v48 =	vadd.s32 v2, v9;
	[tilespmem:v29+s22+$0x0] =	vst.idx.msk $0xffff, v37;
	v42 =	vmul.f32 $8.000000000e+00, v30;
	v41 =	vld [tilespmem:s1+$0x20]  }
0x30d: {  	v44 =	vadd.s32 v2, v23;
	v15 =	vmul.f32 $8.000000000e+00, v63;
	[tilespmem:v38+s22+$0x0] =	vst.idx.msk $0xffff, v14;
	v45 =	vld [tilespmem:s28+$0x70]  }
0x30e: {  	v46 =	vadd.s32 v2, v26;
	v14 =	vld [tilespmem:s28+$0xFFFFFFB0];
	[tilespmem:v35+s22+$0x0] =	vst.idx.msk $0xffff, v42;
	v47 =	vmul.f32 $8.000000000e+00, v36  }
0x30f: {  	v5 =	vadd.s32 v3, v5;
	[tilespmem:v33+s22+$0x0] =	vst.idx.msk $0xffff, v15;
	v49 =	vld [tilespmem:s28+$0x30];
	v53 =	vmul.f32 $8.000000000e+00, v43  }
0x310: {  	v4 =	vadd.s32 v3, v4;
	v21 =	vld [tilespmem:s28+$0xFFFFFFF0];
	v12 =	vmul.f32 $8.000000000e+00, v39;
	[tilespmem:v40+s22+$0x0] =	vst.idx.msk $0xffff, v47  }
0x311: {  	v52 =	vadd.s32 v3, v7;
	v51 =	vmul.f32 $8.000000000e+00, v41;
	v10 =	vld [tilespmem:s1+$0x70];
	[tilespmem:v48+s22+$0x0] =	vst.idx.msk $0xffff, v53  }
0x312: {  	v50 =	vadd.s32 v3, v6;
	v54 =	vmul.f32 $8.000000000e+00, v45;
	[tilespmem:v44+s22+$0x0] =	vst.idx.msk $0xffff, v12;
	v59 =	vld [tilespmem:s1+$0xFFFFFFB0]  }
0x313: {  	v57 =	vadd.s32 v3, v22;
	v14 =	vmul.f32 $8.000000000e+00, v14;
	[tilespmem:v46+s22+$0x0] =	vst.idx.msk $0xffff, v51;
	v55 =	vld [tilespmem:s1+$0xFFFFFFF0]  }
0x314: {  	v62 =	vadd.s32 v3, v9;
	[tilespmem:v5+s22+$0x0] =	vst.idx.msk $0xffff, v54;
	v5 =	vmul.f32 $8.000000000e+00, v49;
	v58 =	vld [tilespmem:s1+$0x30]  }
0x315: {  	v56 =	vmul.f32 $8.000000000e+00, v21;
	v60 =	vadd.s32 v3, v23;
	[tilespmem:v4+s22+$0x0] =	vst.idx.msk $0xffff, v14  }
0x316: {  	v61 =	vadd.s32 v3, v26;
	[tilespmem:v52+s22+$0x0] =	vst.idx.msk $0xffff, v5;
	v5 =	vmul.f32 $8.000000000e+00, v10  }
0x317: {  	[tilespmem:v50+s22+$0x0] =	vst.idx.msk $0xffff, v56;
	v63 =	vmul.f32 $8.000000000e+00, v59  }
0x318: {  	v4 =	vmul.f32 $8.000000000e+00, v55;
	[tilespmem:v57+s22+$0x0] =	vst.idx.msk $0xffff, v5  }
0x319: {  	v5 =	vmul.f32 $8.000000000e+00, v58;
	[tilespmem:v62+s22+$0x0] =	vst.idx.msk $0xffff, v63  }
0x31a: {  	[tilespmem:v60+s22+$0x0] =	vst.idx.msk $0xffff, v4  }
0x31b: {  	s1 =	simm.s32 $0xC600;
	[tilespmem:v61+s22+$0x0] =	vst.idx.msk $0xffff, v5  }
0x31c: {  	[hbm4b:s11+s3] =	stream.linear.scatter [tilespmem:s1], [sflag:$0x4], $0x80, $0x38;
	[tilespmem:$0xE800] =	vst v63  }
0x31d: {  	s20 =	sadd.s32 $0x10, s11;
	s14 =	simm.s32 $0xC688  }
0x31e: {  	[hbm4b:s20+s3] =	stream.linear.scatter [tilespmem:s14], [sflag:$0x4], $0x80, $0x38;
	[tilespmem:$0xE800] =	vst v63  }
0x31f: {  	s23 =	simm.s32 $0xC710;
	s29 =	sadd.s32 $0x20, s11;
	s30 =	simm.s32 $0xC798  }
0x320: {  	[hbm4b:s29+s3] =	stream.linear.scatter [tilespmem:s23], [sflag:$0x4], $0x80, $0x38;
	[tilespmem:$0xE800] =	vst v63  }
0x321: {  	s0 =	simm.s32 $0x440;
	s31 =	sadd.s32 $0x30, s11;
	s28 =	simm.s32 $0xC9B8  }
0x322: {  	[hbm4b:s31+s3] =	stream.linear.scatter [tilespmem:s30], [sflag:$0x4], $0x80, $0x38;
	[tilespmem:$0xE800] =	vst v63  }
0x323: {  	s1 =	sadd.s32 $0x1000, s11;
	s14 =	simm.s32 $0xC820;
	s20 =	sadd.s32 $0x40, s11  }
0x324: {  	[hbm4b:s20+s3] =	stream.linear.scatter [tilespmem:s14], [sflag:$0x4], $0x80, $0x38;
	[tilespmem:$0xE800] =	vst v63  }
0x325: {  	s23 =	simm.s32 $0xC8A8;
	s29 =	sadd.s32 $0x50, s11;
	s30 =	simm.s32 $0xC930  }
0x326: {  	[hbm4b:s29+s3] =	stream.linear.scatter [tilespmem:s23], [sflag:$0x4], $0x80, $0x38;
	[tilespmem:$0xE800] =	vst v63  }
0x327: {  	s31 =	sadd.s32 $0x60, s11;
	s14 =	simm.s32 $0x2200;
	s20 =	sadd.s32 $0x70, s11  }
0x328: {  	[hbm4b:s31+s3] =	stream.linear.scatter [tilespmem:s30], [sflag:$0x4], $0x80, $0x38;
	[tilespmem:$0xE800] =	vst v63  }
.LBB2_26:
0x329: {  	[hbm4b:s20+s3] =	stream.linear.scatter [tilespmem:s28], [sflag:$0x4], $0x80, $0x38;
	[tilespmem:$0xE800] =	vst v63  }
0x32a: {  	s20 =	smov.u32 s0;
	s0 =	smov.u32 s14  }
0x32b: {  	s23 =	sadd.s32 $0x1100, s14;
	s0 =	sshra.s32 s0, $0x2;
	s28 =	sadd.s32 $0xC600, s20  }
0x32c: {  	[hbm4b:s1+s3] =	stream.linear.scatter [tilespmem:s28], [sflag:$0x4], $0x80, $0x38;
	[tilespmem:$0xE800] =	vst v63  }
0x32d: {  	p0 =	sne.s32 s14, $0x7700;
	s14 =	sadd.s32 $0xC688, s20;
	s28 =	sadd.s32 $0x10, s1  }
0x32e: {  	[hbm4b:s28+s3] =	stream.linear.scatter [tilespmem:s14], [sflag:$0x4], $0x80, $0x38;
	[tilespmem:$0xE800] =	vst v63  }
0x32f: {  	s14 =	sadd.s32 $0xC710, s20;
	s28 =	sadd.s32 $0x20, s1  }
0x330: {  	[hbm4b:s28+s3] =	stream.linear.scatter [tilespmem:s14], [sflag:$0x4], $0x80, $0x38;
	[tilespmem:$0xE800] =	vst v63  }
0x331: {  	s14 =	sadd.s32 $0xC798, s20;
	s28 =	sadd.s32 $0x30, s1  }
0x332: {  	[hbm4b:s28+s3] =	stream.linear.scatter [tilespmem:s14], [sflag:$0x4], $0x80, $0x38;
	[tilespmem:$0xE800] =	vst v63  }
0x333: {  	s14 =	sadd.s32 $0xC820, s20;
	s28 =	sadd.s32 $0x40, s1  }
0x334: {  	[hbm4b:s28+s3] =	stream.linear.scatter [tilespmem:s14], [sflag:$0x4], $0x80, $0x38;
	[tilespmem:$0xE800] =	vst v63  }
0x335: {  	s14 =	sadd.s32 $0xC8A8, s20;
	s28 =	sadd.s32 $0x50, s1  }
0x336: {  	[hbm4b:s28+s3] =	stream.linear.scatter [tilespmem:s14], [sflag:$0x4], $0x80, $0x38;
	[tilespmem:$0xE800] =	vst v63  }
.Ltmp12:
0x337: {  	_ = 	snop;
	(pc) =	sbr.rel @p0 .LBB2_26-.Ltmp12, $4  }
0x338: {  	s14 =	sadd.s32 $0xC930, s20;
	s28 =	sadd.s32 $0x60, s1  }
0x339: {  	[hbm4b:s28+s3] =	stream.linear.scatter [tilespmem:s14], [sflag:$0x4], $0x80, $0x38;
	[tilespmem:$0xE800] =	vst v63  }
0x33a: {  	s28 =	sadd.s32 $0xC9B8, s20  }
0x33b: {  	s20 =	sadd.s32 $0x70, s1;
	s1 =	sadd.s32 $0x1000, s1;
	s14 =	smov.u32 s23  }
0x33c: {  	[hbm4b:s20+s3] =	stream.linear.scatter [tilespmem:s28], [sflag:$0x4], $0x80, $0x38;
	[tilespmem:$0xE800] =	vst v63  }
0x33d: {  	s14 =	sadd.s32 $0xC600, s0  }
0x33e: {  	[hbm4b:s1+s3] =	stream.linear.scatter [tilespmem:s14], [sflag:$0x4], $0x80, $0x38;
	[tilespmem:$0xE800] =	vst v63  }
0x33f: {  	s30 =	sadd.s32 $0xC688, s0;
	s31 =	sadd.s32 $0x10, s1  }
0x340: {  	[hbm4b:s31+s3] =	stream.linear.scatter [tilespmem:s30], [sflag:$0x4], $0x80, $0x38;
	[tilespmem:$0xE800] =	vst v63  }
0x341: {  	s20 =	sadd.s32 $0xC710, s0;
	s23 =	sadd.s32 $0x20, s1  }
0x342: {  	[hbm4b:s23+s3] =	stream.linear.scatter [tilespmem:s20], [sflag:$0x4], $0x80, $0x38;
	[tilespmem:$0xE800] =	vst v63  }
0x343: {  	s28 =	sadd.s32 $0xC798, s0;
	s29 =	sadd.s32 $0x30, s1  }
0x344: {  	[hbm4b:s29+s3] =	stream.linear.scatter [tilespmem:s28], [sflag:$0x4], $0x80, $0x38;
	[tilespmem:$0xE800] =	vst v63  }
0x345: {  	s30 =	sadd.s32 $0xC820, s0;
	s31 =	sadd.s32 $0x40, s1  }
0x346: {  	[hbm4b:s31+s3] =	stream.linear.scatter [tilespmem:s30], [sflag:$0x4], $0x80, $0x38;
	[tilespmem:$0xE800] =	vst v63  }
0x347: {  	s20 =	sadd.s32 $0xC8A8, s0;
	s23 =	sadd.s32 $0x50, s1  }
0x348: {  	[hbm4b:s23+s3] =	stream.linear.scatter [tilespmem:s20], [sflag:$0x4], $0x80, $0x38;
	[tilespmem:$0xE800] =	vst v63  }
0x349: {  	s28 =	sadd.s32 $0xC930, s0;
	s29 =	sadd.s32 $0x60, s1  }
0x34a: {  	[hbm4b:s29+s3] =	stream.linear.scatter [tilespmem:s28], [sflag:$0x4], $0x80, $0x38;
	[tilespmem:$0xE800] =	vst v63  }
0x34b: {  	s26 =	sadd.s32 $0x1, s26;
	s30 =	sadd.s32 $0xC9B8, s0;
	s31 =	sadd.s32 $0x70, s1  }
0x34c: {  	[hbm4b:s31+s3] =	stream.linear.scatter [tilespmem:s30], [sflag:$0x4], $0x80, $0x38;
	[tilespmem:$0xE800] =	vst v63  }
0x34d: {  	p0 =	sne.s32 s26, s12;
	_ =	swait.ge [sflag:s24], $0x2000  }
.Ltmp13:
0x34e: {  	[sflag:s24] =	ssyncset.done $0x0;
	(pc) =	sbr.rel @p0 .LBB2_1-.Ltmp13, $4  }
0x34f: {  	[sflag:s24] =	ssyncadd.s32 $0xFFFFE000  }
0x350: {  	_ =	swait.ge [sflag:s25], $0x2000  }
0x351: {  	[sflag:s25] =	ssyncset.done $0x0  }
0x352: {  	[sflag:s25] =	ssyncadd.s32 $0xFFFFE000  }
0x353: {  	_ =	sfence.sel $0x180000  }
0x354: {  	[bflag:$0x0] =	sbarrier.arrive $0xFFFF  }
0x355: {  	_ =	strace $0x90000047  }
0x356: {  	s0 =	stileid.u32;
	[bflag:$0x2] =	sbarrier.arrive $0xFFFF  }
0x357: {  	p0 =	sne.s32 s0, $0x0;
	s0 =	rddreg [dreg:$0x2]  }
0x358: {  	s0 =	sadd.s32 @!p0 $0x100000, s0  }
0x359: {  	[sflag:s0] =	ssyncadd.tile.s32 @!p0 $0x1;
	_ =	shalt  }
.Lfunc_end2:
_tile_overlayer_lowered:
.L_overlay_start_2:
0x35a: {  	(tag) =	ssettag $0x2  }
0x35b: {  	s0 =	rddreg [dreg:$0x0];
	s2 =	stileid.u32  }
0x35c: {  	s1 =	rddreg [dreg:$0x1];
	p0 =	sne.s32 s2, $0x0  }
0x35d: {  	s3 =	rddreg [dreg:$0x2];
	[bflag:$0x3] =	sbarrier.arrive $0xFFFF;
	s2 =	simm.s32 @!p0 $0x1C05  }
0x35e: {  	[timem:s3], [sflag:s2] =	dma.local @!p0 [hbm:s0], s1  }
0x35f: {  	s0 =	simm.s32 @!p0 $0x5  }
0x360: {  	_ =	swait.ge @!p0 [sflag:s0], s1  }
0x361: {  	s1 =	ssub.s32 @!p0 $0x0, s1;
	[sflag:s0] =	ssyncset.done @!p0 $0x0  }
0x362: {  	[sflag:s0] =	ssyncadd.s32 @!p0 s1  }
0x363: {  	[bflag:$0x3] =	sbarrier.arrive $0xFFFF  }
0x364: {  	_ =	shalt  }

</sc_bundles>
